<compile_context>
chip_gen: v7x
topology: tpu7x:2x2x1
jax: 0.10.2.dev20260603
libtpu: 0.0.44.dev20260713+nightly
codegen_flags: <defaults>
</compile_context>

<pallas_src>
import functools

import jax
import jax.numpy as jnp
from jax import lax
from jax.experimental import pallas as pl
from jax.experimental.pallas import tpu as pltpu
from jax.experimental.pallas import tpu_sc as plsc

N_NODES = 10000
D = 128
N_EDGES = 320000

NC = 2
NS = 16

B = 128
NBUF = 2
NB_FAST = 152
NB_SLOW = 8
SB = 56
NB_TOTAL = NS * (NB_FAST + NB_SLOW)
E_PAD = NB_TOTAL * B

ACC_ROWS = 10240
TRASH = N_NODES
ROWS_PER_TILE = ACC_ROWS // NS
OUT_CHUNKS = ROWS_PER_TILE // B


def _sc_aggregate():
    mesh = plsc.VectorSubcoreMesh(core_axis_name="c", subcore_axis_name="s")

    @functools.partial(
        pl.kernel,
        mesh=mesh,
        out_type=jax.ShapeDtypeStruct((NC, ACC_ROWS, D), jnp.float32),
        scratch_types=[
            pltpu.VMEM((SB, B), jnp.int32),
            pltpu.VMEM((SB, B), jnp.int32),
            pltpu.VMEM((NBUF, B, D), jnp.float32),
            pltpu.VMEM_SHARED((ACC_ROWS, D), jnp.float32),
            pltpu.SemaphoreType.DMA,
            pltpu.SemaphoreType.DMA,
        ],
    )
    def agg(feat_hbm, src_f, dst_f, src_s, dst_s, out_hbm,
            src_v, dst_v, rows_v, acc, sem0, sem1):
        c = lax.axis_index("c")
        s = lax.axis_index("s")
        sems = (sem0, sem1)

        zrow = rows_v.at[0]
        nvec = D // 16

        def zstore(i, carry):
            zrow[i // nvec, pl.ds((i % nvec) * 16, 16)] = jnp.zeros(
                (16,), jnp.float32)
            return carry

        lax.fori_loop(0, B * nvec, zstore, 0)
        for k in range(OUT_CHUNKS):
            pltpu.sync_copy(
                zrow, acc.at[pl.ds(s * ROWS_PER_TILE + k * B, B)])
        plsc.subcore_barrier()

        def gather_start(it, bf):
            pltpu.make_async_copy(
                feat_hbm.at[src_v.at[it]], rows_v.at[bf], sems[bf]).start()

        def run_stage(src_row, dst_row, off, nb):
            pltpu.sync_copy(
                src_row.at[pl.ds(off, nb)], src_v.at[pl.ds(0, nb)])
            pltpu.sync_copy(
                dst_row.at[pl.ds(off, nb)], dst_v.at[pl.ds(0, nb)])
            for bf in range(NBUF):
                gather_start(bf, bf)

            def body(g, carry):
                for bf in range(NBUF):
                    it = g * NBUF + bf
                    pltpu.make_async_copy(
                        feat_hbm.at[src_v.at[it]], rows_v.at[bf],
                        sems[bf]).wait()
                    pltpu.sync_copy(
                        rows_v.at[bf], acc.at[dst_v.at[it]], add=True)

                    @pl.when(it + NBUF < nb)
                    def _():
                        gather_start(it + NBUF, bf)
                return carry

            lax.fori_loop(0, nb // NBUF, body, 0)

        @pl.when(c == 0)
        def _():
            for off, nb in ((0, 48), (48, 48), (96, 56)):
                run_stage(src_f.at[s], dst_f.at[s], off, nb)

        @pl.when(c == 1)
        def _():
            run_stage(src_s.at[s], dst_s.at[s], 0, NB_SLOW)

        plsc.subcore_barrier()

        for k in range(OUT_CHUNKS):
            r = s * ROWS_PER_TILE + k * B
            pltpu.sync_copy(acc.at[pl.ds(r, B)], rows_v.at[0])
            pltpu.sync_copy(rows_v.at[0], out_hbm.at[c, pl.ds(r, B)])

    return agg


_AGG = _sc_aggregate()


def _combine_body(p_ref, o_ref):
    o_ref[...] = p_ref[0] + p_ref[1]


def kernel(feat, edge_index, W, b):
    src = edge_index[0].astype(jnp.int32)
    dst = edge_index[1].astype(jnp.int32)
    pad = E_PAD - N_EDGES
    src_p = jnp.concatenate(
        [src, jnp.zeros((pad,), jnp.int32)]).reshape(NB_TOTAL, B)
    dst_p = jnp.concatenate(
        [dst, jnp.full((pad,), TRASH, jnp.int32)]).reshape(NB_TOTAL, B)
    nf = NS * NB_FAST
    src_fast = src_p[:nf].reshape(NS, NB_FAST, B)
    dst_fast = dst_p[:nf].reshape(NS, NB_FAST, B)
    src_slow = src_p[nf:].reshape(NS, NB_SLOW, B)
    dst_slow = dst_p[nf:].reshape(NS, NB_SLOW, B)
    partial = _AGG(feat, src_fast, dst_fast, src_slow, dst_slow)

    rows_blk = 2000
    out = pl.pallas_call(
        _combine_body,
        grid=(N_NODES // rows_blk,),
        in_specs=[pl.BlockSpec((NC, rows_blk, D), lambda i: (0, i, 0))],
        out_specs=pl.BlockSpec((rows_blk, D), lambda i: (i, 0)),
        out_shape=jax.ShapeDtypeStruct((N_NODES, D), jnp.float32),
    )(partial)
    return out

# --- scband reference (transcript-rebuilt; emitter-appended) ---
"""Pipeline reference for scband-gnnlayer-8435315769871 (READ-ONLY COPY).

The authoritative reference and input builder live on the scoring server;
editing this copy changes nothing except your own understanding.
"""

import jax, jax.numpy as jnp
import numpy as np

N_NODES = 10000
N_EDGES = 320000
D_FEAT = 128
D_OUT = 128


def setup_inputs(seed: int = 0) -> dict:
    key = jax.random.key(seed)
    k1, k2, k3, k4 = jax.random.split(key, 4)
    feat = jax.random.normal(k1, (N_NODES, D_FEAT), dtype=jnp.float32)
    edge_index = jax.random.randint(k2, (2, N_EDGES), 0, N_NODES, dtype=jnp.int64)
    # Linear layer params (present on the module but unused in its forward)
    W = jax.random.normal(k3, (D_OUT, D_FEAT), dtype=jnp.float32) * (1.0 / np.sqrt(D_FEAT))
    b = jax.random.normal(k4, (D_OUT,), dtype=jnp.float32) * 0.01
    return {"feat": feat, "edge_index": edge_index, "W": W, "b": b}


def reference(feat, edge_index, W, b):
    # DGL send_and_recv(edges, copy_u, sum): message = src node feature,
    # reduce = sum over incoming edges at each dst node.
    src = edge_index[0]
    dst = edge_index[1]
    msg = jnp.take(feat, src, axis=0)            # gather: copy_u
    h = jax.ops.segment_sum(msg, dst, num_segments=feat.shape[0])  # scatter-add: fn.sum
    return h

if __name__ == "__main__":
    import jax
    _d = setup_inputs()
    print(jax.jit(kernel)(*tuple(_d.values())))

</pallas_src>

<mosaic_0001>
#map = affine_map<(d0, d1) -> (0, 0)>
#map1 = affine_map<(d0, d1) -> (0, 0, 0)>
module attributes {stable_mosaic.version = 14 : i64} {
  func.func @agg(%arg0: i32, %arg1: i32, %arg2: memref<10000x128xf32, #tpu.memory_space<hbm>>, %arg3: memref<16x152x128xi32, #tpu.memory_space<hbm>>, %arg4: memref<16x152x128xi32, #tpu.memory_space<hbm>>, %arg5: memref<16x8x128xi32, #tpu.memory_space<hbm>>, %arg6: memref<16x8x128xi32, #tpu.memory_space<hbm>>, %arg7: memref<2x10240x128xf32, #tpu.memory_space<hbm>>, %arg8: memref<56x128xi32, #tpu.memory_space<vmem>>, %arg9: memref<56x128xi32, #tpu.memory_space<vmem>>, %arg10: memref<2x128x128xf32, #tpu.memory_space<vmem>>, %arg11: memref<10240x128xf32, #tpu.memory_space<vmem_shared>>, %arg12: memref<!tpu.dma_semaphore, #tpu.memory_space<semaphore_mem>>, %arg13: memref<!tpu.dma_semaphore, #tpu.memory_space<semaphore_mem>>) attributes {dimension_semantics = [#tpu.dimension_semantics<core_parallel>, #tpu.dimension_semantics<subcore_parallel>], iteration_bounds = array<i64: 2, 16>, scalar_prefetch = 0 : i64, scratch_operands = 6 : i64, tpu.core_type = #tpu.core_type<sc_vector_subcore>, window_params = [{transform_indices = #map}, {transform_indices = #map1}, {transform_indices = #map1}, {transform_indices = #map1}, {transform_indices = #map1}, {transform_indices = #map1}]} {
    %scan3A = arith.constant 0 : i32
    %scan3A_0 = arith.constant 0 : i32
    %scan3A_1 = arith.constant 0 : i32
    %scan3A_2 = arith.constant 1024 : i32
    %scan3A_3 = arith.addi %scan3A_1, %scan3A_2 : i32
    %scan3A_4 = arith.constant 1 : i32
    scf.for %scan3A_66 = %scan3A_1 to %scan3A_3 step %scan3A_4  : i32 {
      %broadcast_in_dim3A = arith.constant 0.000000e+00 : f32
      %broadcast_in_dim3A_67 = vector.broadcast %broadcast_in_dim3A : f32 to vector<16xf32>
      %jit3A = arith.constant 8 : i32
      %div3A = arith.divsi %scan3A_66, %jit3A : i32
      %sign3A = arith.constant 0 : i32
      %sign3A_68 = arith.cmpi sgt, %scan3A_66, %sign3A : i32
      %sign3A_69 = arith.extui %sign3A_68 : i1 to i32
      %sign3A_70 = arith.constant 0 : i32
      %sign3A_71 = arith.cmpi slt, %scan3A_66, %sign3A_70 : i32
      %sign3A_72 = arith.extui %sign3A_71 : i1 to i32
      %sign3A_73 = arith.subi %sign3A_69, %sign3A_72 : i32
      %sign3A_74 = arith.constant 0 : i32
      %sign3A_75 = arith.cmpi sgt, %jit3A, %sign3A_74 : i32
      %sign3A_76 = arith.extui %sign3A_75 : i1 to i32
      %sign3A_77 = arith.constant 0 : i32
      %sign3A_78 = arith.cmpi slt, %jit3A, %sign3A_77 : i32
      %sign3A_79 = arith.extui %sign3A_78 : i1 to i32
      %sign3A_80 = arith.subi %sign3A_76, %sign3A_79 : i32
      %ne3A = arith.cmpi ne, %sign3A_73, %sign3A_80 : i32
      %rem3A = arith.remsi %scan3A_66, %jit3A : i32
      %ne3A_81 = arith.constant 0 : i32
      %ne3A_82 = arith.cmpi ne, %rem3A, %ne3A_81 : i32
      %and3A = arith.andi %ne3A, %ne3A_82 : i1
      %sub3A = arith.constant 1 : i32
      %sub3A_83 = arith.subi %div3A, %sub3A : i32
      %select_n3A = arith.select %and3A, %sub3A_83, %div3A : i32
      %jit3A_84 = arith.constant 8 : i32
      %eq3A_85 = arith.constant 0 : i32
      %eq3A_86 = arith.cmpi eq, %jit3A_84, %eq3A_85 : i32
      %jit3A_87 = arith.constant 1 : i32
      %select_n3A_88 = arith.select %eq3A_86, %jit3A_87, %jit3A_84 : i32
      %rem3A_89 = arith.remsi %scan3A_66, %select_n3A_88 : i32
      %ne3A_90 = arith.constant 0 : i32
      %ne3A_91 = arith.cmpi ne, %rem3A_89, %ne3A_90 : i32
      %lt3A = arith.constant 0 : i32
      %lt3A_92 = arith.cmpi slt, %rem3A_89, %lt3A : i32
      %lt3A_93 = arith.constant 0 : i32
      %lt3A_94 = arith.cmpi slt, %select_n3A_88, %lt3A_93 : i32
      %ne3A_95 = arith.xori %lt3A_92, %lt3A_94 : i1
      %and3A_96 = arith.andi %ne3A_95, %ne3A_91 : i1
      %add3A_97 = arith.addi %rem3A_89, %select_n3A_88 : i32
      %select_n3A_98 = arith.select %and3A_96, %add3A_97, %rem3A_89 : i32
      %mul3A_99 = arith.constant 16 : i32
      %mul3A_100 = arith.muli %select_n3A_98, %mul3A_99 : i32
      %swap3A = arith.constant 0 : i32
      %swap3A_101 = arith.constant 0 : i32
      %swap3A_102 = tpu.memref_slice %arg10[%scan3A_0, %swap3A, %swap3A_101] : memref<2x128x128xf32, #tpu.memory_space<vmem>> -> memref<1x128x128xf32, #tpu.memory_space<vmem>>
      %swap3A_103 = tpu.memref_squeeze %swap3A_102 : memref<1x128x128xf32, #tpu.memory_space<vmem>> -> memref<128x128xf32, #tpu.memory_space<vmem>>
      %swap3A_104 = arith.index_cast %select_n3A : i32 to index
      %swap3A_105 = arith.index_cast %mul3A_100 : i32 to index
      %swap3A_106 = tpu.vector_load %swap3A_103[%swap3A_104, %swap3A_105] {strides = array<i32>} : memref<128x128xf32, #tpu.memory_space<vmem>>, vector<1x16xf32>,
      %swap3A_107 = vector.shape_cast %swap3A_106 : vector<1x16xf32> to vector<16xf32>
      %swap3A_108 = vector.shape_cast %broadcast_in_dim3A_67 : vector<16xf32> to vector<1x16xf32>
      tpu.vector_store %swap3A_103[%swap3A_104, %swap3A_105], %swap3A_108 {strides = array<i32>} : memref<128x128xf32, #tpu.memory_space<vmem>>, vector<1x16xf32>,
    }
    %scan3A_5 = arith.constant 1024 : i32
    %mul3A = arith.constant 640 : i32
    %mul3A_6 = arith.muli %arg1, %mul3A : i32
    %add3A = arith.constant 0 : i32
    %add3A_7 = arith.addi %mul3A_6, %add3A : i32
    %run_scoped3A = arith.constant 0 : i32
    "tpu.region"() ({
      %run_scoped3A_66 = tpu.sem_alloc : memref<!tpu.dma_semaphore, #tpu.memory_space<semaphore_mem>>
      %dma_start3A = arith.constant 0 : i32
      %dma_start3A_67 = arith.constant 0 : i32
      %dma_start3A_68 = tpu.memref_slice %arg10[%run_scoped3A, %dma_start3A, %dma_start3A_67] : memref<2x128x128xf32, #tpu.memory_space<vmem>> -> memref<1x128x128xf32, #tpu.memory_space<vmem>>
      %dma_start3A_69 = tpu.memref_squeeze %dma_start3A_68 : memref<1x128x128xf32, #tpu.memory_space<vmem>> -> memref<128x128xf32, #tpu.memory_space<vmem>>
      %dma_start3A_70 = arith.constant 0 : i32
      %dma_start3A_71 = tpu.memref_slice %arg11[%add3A_7, %dma_start3A_70] : memref<10240x128xf32, #tpu.memory_space<vmem_shared>> -> memref<128x128xf32, #tpu.memory_space<vmem_shared>>
      %dma_start3A_72 = arith.constant 0 : i32
      %dma_start3A_73 = tpu.memref_slice %arg11[%add3A_7, %dma_start3A_72] : memref<10240x128xf32, #tpu.memory_space<vmem_shared>> -> memref<128x128xf32, #tpu.memory_space<vmem_shared>>
      %dma_start3A_74 = arith.constant 0 : i32
      %dma_start3A_75 = arith.constant 0 : i32
      %dma_start3A_76 = tpu.memref_slice %arg10[%run_scoped3A, %dma_start3A_74, %dma_start3A_75] : memref<2x128x128xf32, #tpu.memory_space<vmem>> -> memref<1x128x128xf32, #tpu.memory_space<vmem>>
      %dma_start3A_77 = tpu.memref_squeeze %dma_start3A_76 : memref<1x128x128xf32, #tpu.memory_space<vmem>> -> memref<128x128xf32, #tpu.memory_space<vmem>>
      tpu.enqueue_dma source(%dma_start3A_77 : memref<128x128xf32, #tpu.memory_space<vmem>>) target(%dma_start3A_73 : memref<128x128xf32, #tpu.memory_space<vmem_shared>>) target_semaphore(%run_scoped3A_66 : memref<!tpu.dma_semaphore, #tpu.memory_space<semaphore_mem>>)
      %dma_wait3A = arith.constant 0 : i32
      %dma_wait3A_78 = arith.constant 0 : i32
      %dma_wait3A_79 = tpu.memref_slice %arg10[%run_scoped3A, %dma_wait3A, %dma_wait3A_78] : memref<2x128x128xf32, #tpu.memory_space<vmem>> -> memref<1x128x128xf32, #tpu.memory_space<vmem>>
      %dma_wait3A_80 = tpu.memref_squeeze %dma_wait3A_79 : memref<1x128x128xf32, #tpu.memory_space<vmem>> -> memref<128x128xf32, #tpu.memory_space<vmem>>
      %dma_wait3A_81 = arith.constant 0 : i32
      %dma_wait3A_82 = tpu.memref_slice %arg11[%add3A_7, %dma_wait3A_81] : memref<10240x128xf32, #tpu.memory_space<vmem_shared>> -> memref<128x128xf32, #tpu.memory_space<vmem_shared>>
      %dma_wait3A_83 = arith.constant 0 : i32
      %dma_wait3A_84 = tpu.memref_slice %arg11[%add3A_7, %dma_wait3A_83] : memref<10240x128xf32, #tpu.memory_space<vmem_shared>> -> memref<128x128xf32, #tpu.memory_space<vmem_shared>>
      %dma_wait3A_85 = arith.constant 0 : i32
      %dma_wait3A_86 = arith.constant 0 : i32
      %dma_wait3A_87 = tpu.memref_slice %arg10[%run_scoped3A, %dma_wait3A_85, %dma_wait3A_86] : memref<2x128x128xf32, #tpu.memory_space<vmem>> -> memref<1x128x128xf32, #tpu.memory_space<vmem>>
      %dma_wait3A_88 = tpu.memref_squeeze %dma_wait3A_87 : memref<1x128x128xf32, #tpu.memory_space<vmem>> -> memref<128x128xf32, #tpu.memory_space<vmem>>
      tpu.wait_dma2 semaphore(%run_scoped3A_66 : memref<!tpu.dma_semaphore, #tpu.memory_space<semaphore_mem>>) src(%dma_wait3A_88 : memref<128x128xf32, #tpu.memory_space<vmem>>) dst(%dma_wait3A_84 : memref<128x128xf32, #tpu.memory_space<vmem_shared>>)
      tpu.yield
    }) : () -> ()
    %mul3A_8 = arith.constant 640 : i32
    %mul3A_9 = arith.muli %arg1, %mul3A_8 : i32
    %add3A_10 = arith.constant 128 : i32
    %add3A_11 = arith.addi %mul3A_9, %add3A_10 : i32
    %run_scoped3A_12 = arith.constant 0 : i32
    "tpu.region"() ({
      %run_scoped3A_66 = tpu.sem_alloc : memref<!tpu.dma_semaphore, #tpu.memory_space<semaphore_mem>>
      %dma_start3A = arith.constant 0 : i32
      %dma_start3A_67 = arith.constant 0 : i32
      %dma_start3A_68 = tpu.memref_slice %arg10[%run_scoped3A_12, %dma_start3A, %dma_start3A_67] : memref<2x128x128xf32, #tpu.memory_space<vmem>> -> memref<1x128x128xf32, #tpu.memory_space<vmem>>
      %dma_start3A_69 = tpu.memref_squeeze %dma_start3A_68 : memref<1x128x128xf32, #tpu.memory_space<vmem>> -> memref<128x128xf32, #tpu.memory_space<vmem>>
      %dma_start3A_70 = arith.constant 0 : i32
      %dma_start3A_71 = tpu.memref_slice %arg11[%add3A_11, %dma_start3A_70] : memref<10240x128xf32, #tpu.memory_space<vmem_shared>> -> memref<128x128xf32, #tpu.memory_space<vmem_shared>>
      %dma_start3A_72 = arith.constant 0 : i32
      %dma_start3A_73 = tpu.memref_slice %arg11[%add3A_11, %dma_start3A_72] : memref<10240x128xf32, #tpu.memory_space<vmem_shared>> -> memref<128x128xf32, #tpu.memory_space<vmem_shared>>
      %dma_start3A_74 = arith.constant 0 : i32
      %dma_start3A_75 = arith.constant 0 : i32
      %dma_start3A_76 = tpu.memref_slice %arg10[%run_scoped3A_12, %dma_start3A_74, %dma_start3A_75] : memref<2x128x128xf32, #tpu.memory_space<vmem>> -> memref<1x128x128xf32, #tpu.memory_space<vmem>>
      %dma_start3A_77 = tpu.memref_squeeze %dma_start3A_76 : memref<1x128x128xf32, #tpu.memory_space<vmem>> -> memref<128x128xf32, #tpu.memory_space<vmem>>
      tpu.enqueue_dma source(%dma_start3A_77 : memref<128x128xf32, #tpu.memory_space<vmem>>) target(%dma_start3A_73 : memref<128x128xf32, #tpu.memory_space<vmem_shared>>) target_semaphore(%run_scoped3A_66 : memref<!tpu.dma_semaphore, #tpu.memory_space<semaphore_mem>>)
      %dma_wait3A = arith.constant 0 : i32
      %dma_wait3A_78 = arith.constant 0 : i32
      %dma_wait3A_79 = tpu.memref_slice %arg10[%run_scoped3A_12, %dma_wait3A, %dma_wait3A_78] : memref<2x128x128xf32, #tpu.memory_space<vmem>> -> memref<1x128x128xf32, #tpu.memory_space<vmem>>
      %dma_wait3A_80 = tpu.memref_squeeze %dma_wait3A_79 : memref<1x128x128xf32, #tpu.memory_space<vmem>> -> memref<128x128xf32, #tpu.memory_space<vmem>>
      %dma_wait3A_81 = arith.constant 0 : i32
      %dma_wait3A_82 = tpu.memref_slice %arg11[%add3A_11, %dma_wait3A_81] : memref<10240x128xf32, #tpu.memory_space<vmem_shared>> -> memref<128x128xf32, #tpu.memory_space<vmem_shared>>
      %dma_wait3A_83 = arith.constant 0 : i32
      %dma_wait3A_84 = tpu.memref_slice %arg11[%add3A_11, %dma_wait3A_83] : memref<10240x128xf32, #tpu.memory_space<vmem_shared>> -> memref<128x128xf32, #tpu.memory_space<vmem_shared>>
      %dma_wait3A_85 = arith.constant 0 : i32
      %dma_wait3A_86 = arith.constant 0 : i32
      %dma_wait3A_87 = tpu.memref_slice %arg10[%run_scoped3A_12, %dma_wait3A_85, %dma_wait3A_86] : memref<2x128x128xf32, #tpu.memory_space<vmem>> -> memref<1x128x128xf32, #tpu.memory_space<vmem>>
      %dma_wait3A_88 = tpu.memref_squeeze %dma_wait3A_87 : memref<1x128x128xf32, #tpu.memory_space<vmem>> -> memref<128x128xf32, #tpu.memory_space<vmem>>
      tpu.wait_dma2 semaphore(%run_scoped3A_66 : memref<!tpu.dma_semaphore, #tpu.memory_space<semaphore_mem>>) src(%dma_wait3A_88 : memref<128x128xf32, #tpu.memory_space<vmem>>) dst(%dma_wait3A_84 : memref<128x128xf32, #tpu.memory_space<vmem_shared>>)
      tpu.yield
    }) : () -> ()
    %mul3A_13 = arith.constant 640 : i32
    %mul3A_14 = arith.muli %arg1, %mul3A_13 : i32
    %add3A_15 = arith.constant 256 : i32
    %add3A_16 = arith.addi %mul3A_14, %add3A_15 : i32
    %run_scoped3A_17 = arith.constant 0 : i32
    "tpu.region"() ({
      %run_scoped3A_66 = tpu.sem_alloc : memref<!tpu.dma_semaphore, #tpu.memory_space<semaphore_mem>>
      %dma_start3A = arith.constant 0 : i32
      %dma_start3A_67 = arith.constant 0 : i32
      %dma_start3A_68 = tpu.memref_slice %arg10[%run_scoped3A_17, %dma_start3A, %dma_start3A_67] : memref<2x128x128xf32, #tpu.memory_space<vmem>> -> memref<1x128x128xf32, #tpu.memory_space<vmem>>
      %dma_start3A_69 = tpu.memref_squeeze %dma_start3A_68 : memref<1x128x128xf32, #tpu.memory_space<vmem>> -> memref<128x128xf32, #tpu.memory_space<vmem>>
      %dma_start3A_70 = arith.constant 0 : i32
      %dma_start3A_71 = tpu.memref_slice %arg11[%add3A_16, %dma_start3A_70] : memref<10240x128xf32, #tpu.memory_space<vmem_shared>> -> memref<128x128xf32, #tpu.memory_space<vmem_shared>>
      %dma_start3A_72 = arith.constant 0 : i32
      %dma_start3A_73 = tpu.memref_slice %arg11[%add3A_16, %dma_start3A_72] : memref<10240x128xf32, #tpu.memory_space<vmem_shared>> -> memref<128x128xf32, #tpu.memory_space<vmem_shared>>
      %dma_start3A_74 = arith.constant 0 : i32
      %dma_start3A_75 = arith.constant 0 : i32
      %dma_start3A_76 = tpu.memref_slice %arg10[%run_scoped3A_17, %dma_start3A_74, %dma_start3A_75] : memref<2x128x128xf32, #tpu.memory_space<vmem>> -> memref<1x128x128xf32, #tpu.memory_space<vmem>>
      %dma_start3A_77 = tpu.memref_squeeze %dma_start3A_76 : memref<1x128x128xf32, #tpu.memory_space<vmem>> -> memref<128x128xf32, #tpu.memory_space<vmem>>
      tpu.enqueue_dma source(%dma_start3A_77 : memref<128x128xf32, #tpu.memory_space<vmem>>) target(%dma_start3A_73 : memref<128x128xf32, #tpu.memory_space<vmem_shared>>) target_semaphore(%run_scoped3A_66 : memref<!tpu.dma_semaphore, #tpu.memory_space<semaphore_mem>>)
      %dma_wait3A = arith.constant 0 : i32
      %dma_wait3A_78 = arith.constant 0 : i32
      %dma_wait3A_79 = tpu.memref_slice %arg10[%run_scoped3A_17, %dma_wait3A, %dma_wait3A_78] : memref<2x128x128xf32, #tpu.memory_space<vmem>> -> memref<1x128x128xf32, #tpu.memory_space<vmem>>
      %dma_wait3A_80 = tpu.memref_squeeze %dma_wait3A_79 : memref<1x128x128xf32, #tpu.memory_space<vmem>> -> memref<128x128xf32, #tpu.memory_space<vmem>>
      %dma_wait3A_81 = arith.constant 0 : i32
      %dma_wait3A_82 = tpu.memref_slice %arg11[%add3A_16, %dma_wait3A_81] : memref<10240x128xf32, #tpu.memory_space<vmem_shared>> -> memref<128x128xf32, #tpu.memory_space<vmem_shared>>
      %dma_wait3A_83 = arith.constant 0 : i32
      %dma_wait3A_84 = tpu.memref_slice %arg11[%add3A_16, %dma_wait3A_83] : memref<10240x128xf32, #tpu.memory_space<vmem_shared>> -> memref<128x128xf32, #tpu.memory_space<vmem_shared>>
      %dma_wait3A_85 = arith.constant 0 : i32
      %dma_wait3A_86 = arith.constant 0 : i32
      %dma_wait3A_87 = tpu.memref_slice %arg10[%run_scoped3A_17, %dma_wait3A_85, %dma_wait3A_86] : memref<2x128x128xf32, #tpu.memory_space<vmem>> -> memref<1x128x128xf32, #tpu.memory_space<vmem>>
      %dma_wait3A_88 = tpu.memref_squeeze %dma_wait3A_87 : memref<1x128x128xf32, #tpu.memory_space<vmem>> -> memref<128x128xf32, #tpu.memory_space<vmem>>
      tpu.wait_dma2 semaphore(%run_scoped3A_66 : memref<!tpu.dma_semaphore, #tpu.memory_space<semaphore_mem>>) src(%dma_wait3A_88 : memref<128x128xf32, #tpu.memory_space<vmem>>) dst(%dma_wait3A_84 : memref<128x128xf32, #tpu.memory_space<vmem_shared>>)
      tpu.yield
    }) : () -> ()
    %mul3A_18 = arith.constant 640 : i32
    %mul3A_19 = arith.muli %arg1, %mul3A_18 : i32
    %add3A_20 = arith.constant 384 : i32
    %add3A_21 = arith.addi %mul3A_19, %add3A_20 : i32
    %run_scoped3A_22 = arith.constant 0 : i32
    "tpu.region"() ({
      %run_scoped3A_66 = tpu.sem_alloc : memref<!tpu.dma_semaphore, #tpu.memory_space<semaphore_mem>>
      %dma_start3A = arith.constant 0 : i32
      %dma_start3A_67 = arith.constant 0 : i32
      %dma_start3A_68 = tpu.memref_slice %arg10[%run_scoped3A_22, %dma_start3A, %dma_start3A_67] : memref<2x128x128xf32, #tpu.memory_space<vmem>> -> memref<1x128x128xf32, #tpu.memory_space<vmem>>
      %dma_start3A_69 = tpu.memref_squeeze %dma_start3A_68 : memref<1x128x128xf32, #tpu.memory_space<vmem>> -> memref<128x128xf32, #tpu.memory_space<vmem>>
      %dma_start3A_70 = arith.constant 0 : i32
      %dma_start3A_71 = tpu.memref_slice %arg11[%add3A_21, %dma_start3A_70] : memref<10240x128xf32, #tpu.memory_space<vmem_shared>> -> memref<128x128xf32, #tpu.memory_space<vmem_shared>>
      %dma_start3A_72 = arith.constant 0 : i32
      %dma_start3A_73 = tpu.memref_slice %arg11[%add3A_21, %dma_start3A_72] : memref<10240x128xf32, #tpu.memory_space<vmem_shared>> -> memref<128x128xf32, #tpu.memory_space<vmem_shared>>
      %dma_start3A_74 = arith.constant 0 : i32
      %dma_start3A_75 = arith.constant 0 : i32
      %dma_start3A_76 = tpu.memref_slice %arg10[%run_scoped3A_22, %dma_start3A_74, %dma_start3A_75] : memref<2x128x128xf32, #tpu.memory_space<vmem>> -> memref<1x128x128xf32, #tpu.memory_space<vmem>>
      %dma_start3A_77 = tpu.memref_squeeze %dma_start3A_76 : memref<1x128x128xf32, #tpu.memory_space<vmem>> -> memref<128x128xf32, #tpu.memory_space<vmem>>
      tpu.enqueue_dma source(%dma_start3A_77 : memref<128x128xf32, #tpu.memory_space<vmem>>) target(%dma_start3A_73 : memref<128x128xf32, #tpu.memory_space<vmem_shared>>) target_semaphore(%run_scoped3A_66 : memref<!tpu.dma_semaphore, #tpu.memory_space<semaphore_mem>>)
      %dma_wait3A = arith.constant 0 : i32
      %dma_wait3A_78 = arith.constant 0 : i32
      %dma_wait3A_79 = tpu.memref_slice %arg10[%run_scoped3A_22, %dma_wait3A, %dma_wait3A_78] : memref<2x128x128xf32, #tpu.memory_space<vmem>> -> memref<1x128x128xf32, #tpu.memory_space<vmem>>
      %dma_wait3A_80 = tpu.memref_squeeze %dma_wait3A_79 : memref<1x128x128xf32, #tpu.memory_space<vmem>> -> memref<128x128xf32, #tpu.memory_space<vmem>>
      %dma_wait3A_81 = arith.constant 0 : i32
      %dma_wait3A_82 = tpu.memref_slice %arg11[%add3A_21, %dma_wait3A_81] : memref<10240x128xf32, #tpu.memory_space<vmem_shared>> -> memref<128x128xf32, #tpu.memory_space<vmem_shared>>
      %dma_wait3A_83 = arith.constant 0 : i32
      %dma_wait3A_84 = tpu.memref_slice %arg11[%add3A_21, %dma_wait3A_83] : memref<10240x128xf32, #tpu.memory_space<vmem_shared>> -> memref<128x128xf32, #tpu.memory_space<vmem_shared>>
      %dma_wait3A_85 = arith.constant 0 : i32
      %dma_wait3A_86 = arith.constant 0 : i32
      %dma_wait3A_87 = tpu.memref_slice %arg10[%run_scoped3A_22, %dma_wait3A_85, %dma_wait3A_86] : memref<2x128x128xf32, #tpu.memory_space<vmem>> -> memref<1x128x128xf32, #tpu.memory_space<vmem>>
      %dma_wait3A_88 = tpu.memref_squeeze %dma_wait3A_87 : memref<1x128x128xf32, #tpu.memory_space<vmem>> -> memref<128x128xf32, #tpu.memory_space<vmem>>
      tpu.wait_dma2 semaphore(%run_scoped3A_66 : memref<!tpu.dma_semaphore, #tpu.memory_space<semaphore_mem>>) src(%dma_wait3A_88 : memref<128x128xf32, #tpu.memory_space<vmem>>) dst(%dma_wait3A_84 : memref<128x128xf32, #tpu.memory_space<vmem_shared>>)
      tpu.yield
    }) : () -> ()
    %mul3A_23 = arith.constant 640 : i32
    %mul3A_24 = arith.muli %arg1, %mul3A_23 : i32
    %add3A_25 = arith.constant 512 : i32
    %add3A_26 = arith.addi %mul3A_24, %add3A_25 : i32
    %run_scoped3A_27 = arith.constant 0 : i32
    "tpu.region"() ({
      %run_scoped3A_66 = tpu.sem_alloc : memref<!tpu.dma_semaphore, #tpu.memory_space<semaphore_mem>>
      %dma_start3A = arith.constant 0 : i32
      %dma_start3A_67 = arith.constant 0 : i32
      %dma_start3A_68 = tpu.memref_slice %arg10[%run_scoped3A_27, %dma_start3A, %dma_start3A_67] : memref<2x128x128xf32, #tpu.memory_space<vmem>> -> memref<1x128x128xf32, #tpu.memory_space<vmem>>
      %dma_start3A_69 = tpu.memref_squeeze %dma_start3A_68 : memref<1x128x128xf32, #tpu.memory_space<vmem>> -> memref<128x128xf32, #tpu.memory_space<vmem>>
      %dma_start3A_70 = arith.constant 0 : i32
      %dma_start3A_71 = tpu.memref_slice %arg11[%add3A_26, %dma_start3A_70] : memref<10240x128xf32, #tpu.memory_space<vmem_shared>> -> memref<128x128xf32, #tpu.memory_space<vmem_shared>>
      %dma_start3A_72 = arith.constant 0 : i32
      %dma_start3A_73 = tpu.memref_slice %arg11[%add3A_26, %dma_start3A_72] : memref<10240x128xf32, #tpu.memory_space<vmem_shared>> -> memref<128x128xf32, #tpu.memory_space<vmem_shared>>
      %dma_start3A_74 = arith.constant 0 : i32
      %dma_start3A_75 = arith.constant 0 : i32
      %dma_start3A_76 = tpu.memref_slice %arg10[%run_scoped3A_27, %dma_start3A_74, %dma_start3A_75] : memref<2x128x128xf32, #tpu.memory_space<vmem>> -> memref<1x128x128xf32, #tpu.memory_space<vmem>>
      %dma_start3A_77 = tpu.memref_squeeze %dma_start3A_76 : memref<1x128x128xf32, #tpu.memory_space<vmem>> -> memref<128x128xf32, #tpu.memory_space<vmem>>
      tpu.enqueue_dma source(%dma_start3A_77 : memref<128x128xf32, #tpu.memory_space<vmem>>) target(%dma_start3A_73 : memref<128x128xf32, #tpu.memory_space<vmem_shared>>) target_semaphore(%run_scoped3A_66 : memref<!tpu.dma_semaphore, #tpu.memory_space<semaphore_mem>>)
      %dma_wait3A = arith.constant 0 : i32
      %dma_wait3A_78 = arith.constant 0 : i32
      %dma_wait3A_79 = tpu.memref_slice %arg10[%run_scoped3A_27, %dma_wait3A, %dma_wait3A_78] : memref<2x128x128xf32, #tpu.memory_space<vmem>> -> memref<1x128x128xf32, #tpu.memory_space<vmem>>
      %dma_wait3A_80 = tpu.memref_squeeze %dma_wait3A_79 : memref<1x128x128xf32, #tpu.memory_space<vmem>> -> memref<128x128xf32, #tpu.memory_space<vmem>>
      %dma_wait3A_81 = arith.constant 0 : i32
      %dma_wait3A_82 = tpu.memref_slice %arg11[%add3A_26, %dma_wait3A_81] : memref<10240x128xf32, #tpu.memory_space<vmem_shared>> -> memref<128x128xf32, #tpu.memory_space<vmem_shared>>
      %dma_wait3A_83 = arith.constant 0 : i32
      %dma_wait3A_84 = tpu.memref_slice %arg11[%add3A_26, %dma_wait3A_83] : memref<10240x128xf32, #tpu.memory_space<vmem_shared>> -> memref<128x128xf32, #tpu.memory_space<vmem_shared>>
      %dma_wait3A_85 = arith.constant 0 : i32
      %dma_wait3A_86 = arith.constant 0 : i32
      %dma_wait3A_87 = tpu.memref_slice %arg10[%run_scoped3A_27, %dma_wait3A_85, %dma_wait3A_86] : memref<2x128x128xf32, #tpu.memory_space<vmem>> -> memref<1x128x128xf32, #tpu.memory_space<vmem>>
      %dma_wait3A_88 = tpu.memref_squeeze %dma_wait3A_87 : memref<1x128x128xf32, #tpu.memory_space<vmem>> -> memref<128x128xf32, #tpu.memory_space<vmem>>
      tpu.wait_dma2 semaphore(%run_scoped3A_66 : memref<!tpu.dma_semaphore, #tpu.memory_space<semaphore_mem>>) src(%dma_wait3A_88 : memref<128x128xf32, #tpu.memory_space<vmem>>) dst(%dma_wait3A_84 : memref<128x128xf32, #tpu.memory_space<vmem_shared>>)
      tpu.yield
    }) : () -> ()
    %barrier3A = arith.constant 0 : index
    tpu.barrier barrier_id(%barrier3A)
    %eq3A = arith.constant 0 : i32
    %eq3A_28 = arith.cmpi eq, %arg0, %eq3A : i32
    %convert_element_type3A = arith.extui %eq3A_28 : i1 to i32
    %cond3A = arith.constant 0 : i32
    %cond3A_29 = arith.cmpi ne, %convert_element_type3A, %cond3A : i32
    scf.if %cond3A_29 {
      "tpu.region"() ({
        %run_scoped3A_155 = tpu.sem_alloc : memref<!tpu.dma_semaphore, #tpu.memory_space<semaphore_mem>>
        %dma_start3A_156 = arith.constant 0 : i32
        %dma_start3A_157 = arith.constant 0 : i32
        %dma_start3A_158 = tpu.memref_slice %arg8[%dma_start3A_156, %dma_start3A_157] : memref<56x128xi32, #tpu.memory_space<vmem>> -> memref<48x128xi32, #tpu.memory_space<vmem>>
        %dma_start3A_159 = arith.constant 0 : i32
        %dma_start3A_160 = arith.constant 0 : i32
        %dma_start3A_161 = tpu.memref_slice %arg3[%arg1, %dma_start3A_159, %dma_start3A_160] : memref<16x152x128xi32, #tpu.memory_space<hbm>> -> memref<1x152x128xi32, #tpu.memory_space<hbm>>
        %dma_start3A_162 = tpu.memref_squeeze %dma_start3A_161 : memref<1x152x128xi32, #tpu.memory_space<hbm>> -> memref<152x128xi32, #tpu.memory_space<hbm>>
        %dma_start3A_163 = arith.constant 0 : i32
        %dma_start3A_164 = arith.constant 0 : i32
        %dma_start3A_165 = tpu.memref_slice %dma_start3A_162[%dma_start3A_163, %dma_start3A_164] : memref<152x128xi32, #tpu.memory_space<hbm>> -> memref<48x128xi32, #tpu.memory_space<hbm>>
        %dma_start3A_166 = arith.constant 0 : i32
        %dma_start3A_167 = arith.constant 0 : i32
        %dma_start3A_168 = tpu.memref_slice %arg8[%dma_start3A_166, %dma_start3A_167] : memref<56x128xi32, #tpu.memory_space<vmem>> -> memref<48x128xi32, #tpu.memory_space<vmem>>
        %dma_start3A_169 = arith.constant 0 : i32
        %dma_start3A_170 = arith.constant 0 : i32
        %dma_start3A_171 = tpu.memref_slice %arg3[%arg1, %dma_start3A_169, %dma_start3A_170] : memref<16x152x128xi32, #tpu.memory_space<hbm>> -> memref<1x152x128xi32, #tpu.memory_space<hbm>>
        %dma_start3A_172 = tpu.memref_squeeze %dma_start3A_171 : memref<1x152x128xi32, #tpu.memory_space<hbm>> -> memref<152x128xi32, #tpu.memory_space<hbm>>
        %dma_start3A_173 = arith.constant 0 : i32
        %dma_start3A_174 = arith.constant 0 : i32
        %dma_start3A_175 = tpu.memref_slice %dma_start3A_172[%dma_start3A_173, %dma_start3A_174] : memref<152x128xi32, #tpu.memory_space<hbm>> -> memref<48x128xi32, #tpu.memory_space<hbm>>
        tpu.enqueue_dma source(%dma_start3A_175 : memref<48x128xi32, #tpu.memory_space<hbm>>) target(%dma_start3A_168 : memref<48x128xi32, #tpu.memory_space<vmem>>) target_semaphore(%run_scoped3A_155 : memref<!tpu.dma_semaphore, #tpu.memory_space<semaphore_mem>>)
        %dma_wait3A = arith.constant 0 : i32
        %dma_wait3A_176 = arith.constant 0 : i32
        %dma_wait3A_177 = tpu.memref_slice %arg8[%dma_wait3A, %dma_wait3A_176] : memref<56x128xi32, #tpu.memory_space<vmem>> -> memref<48x128xi32, #tpu.memory_space<vmem>>
        %dma_wait3A_178 = arith.constant 0 : i32
        %dma_wait3A_179 = arith.constant 0 : i32
        %dma_wait3A_180 = tpu.memref_slice %arg3[%arg1, %dma_wait3A_178, %dma_wait3A_179] : memref<16x152x128xi32, #tpu.memory_space<hbm>> -> memref<1x152x128xi32, #tpu.memory_space<hbm>>
        %dma_wait3A_181 = tpu.memref_squeeze %dma_wait3A_180 : memref<1x152x128xi32, #tpu.memory_space<hbm>> -> memref<152x128xi32, #tpu.memory_space<hbm>>
        %dma_wait3A_182 = arith.constant 0 : i32
        %dma_wait3A_183 = arith.constant 0 : i32
        %dma_wait3A_184 = tpu.memref_slice %dma_wait3A_181[%dma_wait3A_182, %dma_wait3A_183] : memref<152x128xi32, #tpu.memory_space<hbm>> -> memref<48x128xi32, #tpu.memory_space<hbm>>
        %dma_wait3A_185 = arith.constant 0 : i32
        %dma_wait3A_186 = arith.constant 0 : i32
        %dma_wait3A_187 = tpu.memref_slice %arg8[%dma_wait3A_185, %dma_wait3A_186] : memref<56x128xi32, #tpu.memory_space<vmem>> -> memref<48x128xi32, #tpu.memory_space<vmem>>
        %dma_wait3A_188 = arith.constant 0 : i32
        %dma_wait3A_189 = arith.constant 0 : i32
        %dma_wait3A_190 = tpu.memref_slice %arg3[%arg1, %dma_wait3A_188, %dma_wait3A_189] : memref<16x152x128xi32, #tpu.memory_space<hbm>> -> memref<1x152x128xi32, #tpu.memory_space<hbm>>
        %dma_wait3A_191 = tpu.memref_squeeze %dma_wait3A_190 : memref<1x152x128xi32, #tpu.memory_space<hbm>> -> memref<152x128xi32, #tpu.memory_space<hbm>>
        %dma_wait3A_192 = arith.constant 0 : i32
        %dma_wait3A_193 = arith.constant 0 : i32
        %dma_wait3A_194 = tpu.memref_slice %dma_wait3A_191[%dma_wait3A_192, %dma_wait3A_193] : memref<152x128xi32, #tpu.memory_space<hbm>> -> memref<48x128xi32, #tpu.memory_space<hbm>>
        tpu.wait_dma2 semaphore(%run_scoped3A_155 : memref<!tpu.dma_semaphore, #tpu.memory_space<semaphore_mem>>) src(%dma_wait3A_194 : memref<48x128xi32, #tpu.memory_space<hbm>>) dst(%dma_wait3A_187 : memref<48x128xi32, #tpu.memory_space<vmem>>)
        tpu.yield
      }) : () -> ()
      "tpu.region"() ({
        %run_scoped3A_155 = tpu.sem_alloc : memref<!tpu.dma_semaphore, #tpu.memory_space<semaphore_mem>>
        %dma_start3A_156 = arith.constant 0 : i32
        %dma_start3A_157 = arith.constant 0 : i32
        %dma_start3A_158 = tpu.memref_slice %arg9[%dma_start3A_156, %dma_start3A_157] : memref<56x128xi32, #tpu.memory_space<vmem>> -> memref<48x128xi32, #tpu.memory_space<vmem>>
        %dma_start3A_159 = arith.constant 0 : i32
        %dma_start3A_160 = arith.constant 0 : i32
        %dma_start3A_161 = tpu.memref_slice %arg4[%arg1, %dma_start3A_159, %dma_start3A_160] : memref<16x152x128xi32, #tpu.memory_space<hbm>> -> memref<1x152x128xi32, #tpu.memory_space<hbm>>
        %dma_start3A_162 = tpu.memref_squeeze %dma_start3A_161 : memref<1x152x128xi32, #tpu.memory_space<hbm>> -> memref<152x128xi32, #tpu.memory_space<hbm>>
        %dma_start3A_163 = arith.constant 0 : i32
        %dma_start3A_164 = arith.constant 0 : i32
        %dma_start3A_165 = tpu.memref_slice %dma_start3A_162[%dma_start3A_163, %dma_start3A_164] : memref<152x128xi32, #tpu.memory_space<hbm>> -> memref<48x128xi32, #tpu.memory_space<hbm>>
        %dma_start3A_166 = arith.constant 0 : i32
        %dma_start3A_167 = arith.constant 0 : i32
        %dma_start3A_168 = tpu.memref_slice %arg9[%dma_start3A_166, %dma_start3A_167] : memref<56x128xi32, #tpu.memory_space<vmem>> -> memref<48x128xi32, #tpu.memory_space<vmem>>
        %dma_start3A_169 = arith.constant 0 : i32
        %dma_start3A_170 = arith.constant 0 : i32
        %dma_start3A_171 = tpu.memref_slice %arg4[%arg1, %dma_start3A_169, %dma_start3A_170] : memref<16x152x128xi32, #tpu.memory_space<hbm>> -> memref<1x152x128xi32, #tpu.memory_space<hbm>>
        %dma_start3A_172 = tpu.memref_squeeze %dma_start3A_171 : memref<1x152x128xi32, #tpu.memory_space<hbm>> -> memref<152x128xi32, #tpu.memory_space<hbm>>
        %dma_start3A_173 = arith.constant 0 : i32
        %dma_start3A_174 = arith.constant 0 : i32
        %dma_start3A_175 = tpu.memref_slice %dma_start3A_172[%dma_start3A_173, %dma_start3A_174] : memref<152x128xi32, #tpu.memory_space<hbm>> -> memref<48x128xi32, #tpu.memory_space<hbm>>
        tpu.enqueue_dma source(%dma_start3A_175 : memref<48x128xi32, #tpu.memory_space<hbm>>) target(%dma_start3A_168 : memref<48x128xi32, #tpu.memory_space<vmem>>) target_semaphore(%run_scoped3A_155 : memref<!tpu.dma_semaphore, #tpu.memory_space<semaphore_mem>>)
        %dma_wait3A = arith.constant 0 : i32
        %dma_wait3A_176 = arith.constant 0 : i32
        %dma_wait3A_177 = tpu.memref_slice %arg9[%dma_wait3A, %dma_wait3A_176] : memref<56x128xi32, #tpu.memory_space<vmem>> -> memref<48x128xi32, #tpu.memory_space<vmem>>
        %dma_wait3A_178 = arith.constant 0 : i32
        %dma_wait3A_179 = arith.constant 0 : i32
        %dma_wait3A_180 = tpu.memref_slice %arg4[%arg1, %dma_wait3A_178, %dma_wait3A_179] : memref<16x152x128xi32, #tpu.memory_space<hbm>> -> memref<1x152x128xi32, #tpu.memory_space<hbm>>
        %dma_wait3A_181 = tpu.memref_squeeze %dma_wait3A_180 : memref<1x152x128xi32, #tpu.memory_space<hbm>> -> memref<152x128xi32, #tpu.memory_space<hbm>>
        %dma_wait3A_182 = arith.constant 0 : i32
        %dma_wait3A_183 = arith.constant 0 : i32
        %dma_wait3A_184 = tpu.memref_slice %dma_wait3A_181[%dma_wait3A_182, %dma_wait3A_183] : memref<152x128xi32, #tpu.memory_space<hbm>> -> memref<48x128xi32, #tpu.memory_space<hbm>>
        %dma_wait3A_185 = arith.constant 0 : i32
        %dma_wait3A_186 = arith.constant 0 : i32
        %dma_wait3A_187 = tpu.memref_slice %arg9[%dma_wait3A_185, %dma_wait3A_186] : memref<56x128xi32, #tpu.memory_space<vmem>> -> memref<48x128xi32, #tpu.memory_space<vmem>>
        %dma_wait3A_188 = arith.constant 0 : i32
        %dma_wait3A_189 = arith.constant 0 : i32
        %dma_wait3A_190 = tpu.memref_slice %arg4[%arg1, %dma_wait3A_188, %dma_wait3A_189] : memref<16x152x128xi32, #tpu.memory_space<hbm>> -> memref<1x152x128xi32, #tpu.memory_space<hbm>>
        %dma_wait3A_191 = tpu.memref_squeeze %dma_wait3A_190 : memref<1x152x128xi32, #tpu.memory_space<hbm>> -> memref<152x128xi32, #tpu.memory_space<hbm>>
        %dma_wait3A_192 = arith.constant 0 : i32
        %dma_wait3A_193 = arith.constant 0 : i32
        %dma_wait3A_194 = tpu.memref_slice %dma_wait3A_191[%dma_wait3A_192, %dma_wait3A_193] : memref<152x128xi32, #tpu.memory_space<hbm>> -> memref<48x128xi32, #tpu.memory_space<hbm>>
        tpu.wait_dma2 semaphore(%run_scoped3A_155 : memref<!tpu.dma_semaphore, #tpu.memory_space<semaphore_mem>>) src(%dma_wait3A_194 : memref<48x128xi32, #tpu.memory_space<hbm>>) dst(%dma_wait3A_187 : memref<48x128xi32, #tpu.memory_space<vmem>>)
        tpu.yield
      }) : () -> ()
      %dma_start3A = arith.constant 0 : i32
      %dma_start3A_66 = arith.constant 0 : i32
      %dma_start3A_67 = arith.constant 0 : i32
      %dma_start3A_68 = arith.constant 0 : i32
      %dma_start3A_69 = tpu.memref_slice %arg10[%dma_start3A_66, %dma_start3A_67, %dma_start3A_68] : memref<2x128x128xf32, #tpu.memory_space<vmem>> -> memref<1x128x128xf32, #tpu.memory_space<vmem>>
      %dma_start3A_70 = tpu.memref_squeeze %dma_start3A_69 : memref<1x128x128xf32, #tpu.memory_space<vmem>> -> memref<128x128xf32, #tpu.memory_space<vmem>>
      %dma_start3A_71 = arith.constant 0 : i32
      %dma_start3A_72 = tpu.memref_slice %arg8[%dma_start3A, %dma_start3A_71] : memref<56x128xi32, #tpu.memory_space<vmem>> -> memref<1x128xi32, #tpu.memory_space<vmem>>
      %dma_start3A_73 = tpu.memref_squeeze %dma_start3A_72 : memref<1x128xi32, #tpu.memory_space<vmem>> -> memref<128xi32, #tpu.memory_space<vmem>>
      %dma_start3A_74 = arith.constant 0 : i32
      %dma_start3A_75 = arith.constant 0 : i32
      %dma_start3A_76 = tpu.memref_slice %arg2[%dma_start3A_74, %dma_start3A_75] : memref<10000x128xf32, #tpu.memory_space<hbm>> -> memref<10000x128xf32, #tpu.memory_space<hbm>>
      tpu.enqueue_indirect_dma source(%dma_start3A_76 : memref<10000x128xf32, #tpu.memory_space<hbm>>) target(%dma_start3A_70 : memref<128x128xf32, #tpu.memory_space<vmem>>) offsets(%dma_start3A_73 : memref<128xi32, #tpu.memory_space<vmem>>) semaphore(%arg12 : memref<!tpu.dma_semaphore, #tpu.memory_space<semaphore_mem>>)
      %dma_start3A_77 = arith.constant 1 : i32
      %dma_start3A_78 = arith.constant 1 : i32
      %dma_start3A_79 = arith.constant 0 : i32
      %dma_start3A_80 = arith.constant 0 : i32
      %dma_start3A_81 = tpu.memref_slice %arg10[%dma_start3A_78, %dma_start3A_79, %dma_start3A_80] : memref<2x128x128xf32, #tpu.memory_space<vmem>> -> memref<1x128x128xf32, #tpu.memory_space<vmem>>
      %dma_start3A_82 = tpu.memref_squeeze %dma_start3A_81 : memref<1x128x128xf32, #tpu.memory_space<vmem>> -> memref<128x128xf32, #tpu.memory_space<vmem>>
      %dma_start3A_83 = arith.constant 0 : i32
      %dma_start3A_84 = tpu.memref_slice %arg8[%dma_start3A_77, %dma_start3A_83] : memref<56x128xi32, #tpu.memory_space<vmem>> -> memref<1x128xi32, #tpu.memory_space<vmem>>
      %dma_start3A_85 = tpu.memref_squeeze %dma_start3A_84 : memref<1x128xi32, #tpu.memory_space<vmem>> -> memref<128xi32, #tpu.memory_space<vmem>>
      %dma_start3A_86 = arith.constant 0 : i32
      %dma_start3A_87 = arith.constant 0 : i32
      %dma_start3A_88 = tpu.memref_slice %arg2[%dma_start3A_86, %dma_start3A_87] : memref<10000x128xf32, #tpu.memory_space<hbm>> -> memref<10000x128xf32, #tpu.memory_space<hbm>>
      tpu.enqueue_indirect_dma source(%dma_start3A_88 : memref<10000x128xf32, #tpu.memory_space<hbm>>) target(%dma_start3A_82 : memref<128x128xf32, #tpu.memory_space<vmem>>) offsets(%dma_start3A_85 : memref<128xi32, #tpu.memory_space<vmem>>) semaphore(%arg13 : memref<!tpu.dma_semaphore, #tpu.memory_space<semaphore_mem>>)
      %scan3A_89 = arith.constant 0 : i32
      %scan3A_90 = arith.constant 0 : i32
      %scan3A_91 = arith.constant 24 : i32
      %scan3A_92 = arith.addi %scan3A_90, %scan3A_91 : i32
      %scan3A_93 = arith.constant 1 : i32
      scf.for %scan3A_155 = %scan3A_90 to %scan3A_92 step %scan3A_93  : i32 {
        %mul3A_156 = arith.constant 2 : i32
        %mul3A_157 = arith.muli %scan3A_155, %mul3A_156 : i32
        %add3A_158 = arith.constant 0 : i32
        %add3A_159 = arith.addi %mul3A_157, %add3A_158 : i32
        %dma_wait3A = arith.constant 0 : i32
        %dma_wait3A_160 = arith.constant 0 : i32
        %dma_wait3A_161 = arith.constant 0 : i32
        %dma_wait3A_162 = tpu.memref_slice %arg10[%dma_wait3A, %dma_wait3A_160, %dma_wait3A_161] : memref<2x128x128xf32, #tpu.memory_space<vmem>> -> memref<1x128x128xf32, #tpu.memory_space<vmem>>
        %dma_wait3A_163 = tpu.memref_squeeze %dma_wait3A_162 : memref<1x128x128xf32, #tpu.memory_space<vmem>> -> memref<128x128xf32, #tpu.memory_space<vmem>>
        %dma_wait3A_164 = arith.constant 0 : i32
        %dma_wait3A_165 = tpu.memref_slice %arg8[%add3A_159, %dma_wait3A_164] : memref<56x128xi32, #tpu.memory_space<vmem>> -> memref<1x128xi32, #tpu.memory_space<vmem>>
        %dma_wait3A_166 = tpu.memref_squeeze %dma_wait3A_165 : memref<1x128xi32, #tpu.memory_space<vmem>> -> memref<128xi32, #tpu.memory_space<vmem>>
        %dma_wait3A_167 = arith.constant 0 : i32
        %dma_wait3A_168 = arith.constant 0 : i32
        %dma_wait3A_169 = tpu.memref_slice %arg2[%dma_wait3A_167, %dma_wait3A_168] : memref<10000x128xf32, #tpu.memory_space<hbm>> -> memref<10000x128xf32, #tpu.memory_space<hbm>>
        tpu.wait_indirect_dma semaphore(%arg12 : memref<!tpu.dma_semaphore, #tpu.memory_space<semaphore_mem>>) src(%dma_wait3A_169 : memref<10000x128xf32, #tpu.memory_space<hbm>>) dst(%dma_wait3A_163 : memref<128x128xf32, #tpu.memory_space<vmem>>)
        %run_scoped3A_170 = arith.constant 0 : i32
        "tpu.region"() ({
          %run_scoped3A_200 = tpu.sem_alloc : memref<!tpu.dma_semaphore, #tpu.memory_space<semaphore_mem>>
          %dma_start3A_201 = arith.constant 0 : i32
          %dma_start3A_202 = arith.constant 0 : i32
          %dma_start3A_203 = tpu.memref_slice %arg10[%run_scoped3A_170, %dma_start3A_201, %dma_start3A_202] : memref<2x128x128xf32, #tpu.memory_space<vmem>> -> memref<1x128x128xf32, #tpu.memory_space<vmem>>
          %dma_start3A_204 = tpu.memref_squeeze %dma_start3A_203 : memref<1x128x128xf32, #tpu.memory_space<vmem>> -> memref<128x128xf32, #tpu.memory_space<vmem>>
          %dma_start3A_205 = arith.constant 0 : i32
          %dma_start3A_206 = tpu.memref_slice %arg9[%add3A_159, %dma_start3A_205] : memref<56x128xi32, #tpu.memory_space<vmem>> -> memref<1x128xi32, #tpu.memory_space<vmem>>
          %dma_start3A_207 = tpu.memref_squeeze %dma_start3A_206 : memref<1x128xi32, #tpu.memory_space<vmem>> -> memref<128xi32, #tpu.memory_space<vmem>>
          %dma_start3A_208 = arith.constant 0 : i32
          %dma_start3A_209 = arith.constant 0 : i32
          %dma_start3A_210 = tpu.memref_slice %arg11[%dma_start3A_208, %dma_start3A_209] : memref<10240x128xf32, #tpu.memory_space<vmem_shared>> -> memref<10240x128xf32, #tpu.memory_space<vmem_shared>>
          tpu.enqueue_indirect_dma source(%dma_start3A_204 : memref<128x128xf32, #tpu.memory_space<vmem>>) target(%dma_start3A_210 : memref<10240x128xf32, #tpu.memory_space<vmem_shared>>) offsets(%dma_start3A_207 : memref<128xi32, #tpu.memory_space<vmem>>) semaphore(%run_scoped3A_200 : memref<!tpu.dma_semaphore, #tpu.memory_space<semaphore_mem>>) {add = true}
          %dma_wait3A_211 = arith.constant 0 : i32
          %dma_wait3A_212 = arith.constant 0 : i32
          %dma_wait3A_213 = tpu.memref_slice %arg10[%run_scoped3A_170, %dma_wait3A_211, %dma_wait3A_212] : memref<2x128x128xf32, #tpu.memory_space<vmem>> -> memref<1x128x128xf32, #tpu.memory_space<vmem>>
          %dma_wait3A_214 = tpu.memref_squeeze %dma_wait3A_213 : memref<1x128x128xf32, #tpu.memory_space<vmem>> -> memref<128x128xf32, #tpu.memory_space<vmem>>
          %dma_wait3A_215 = arith.constant 0 : i32
          %dma_wait3A_216 = tpu.memref_slice %arg9[%add3A_159, %dma_wait3A_215] : memref<56x128xi32, #tpu.memory_space<vmem>> -> memref<1x128xi32, #tpu.memory_space<vmem>>
          %dma_wait3A_217 = tpu.memref_squeeze %dma_wait3A_216 : memref<1x128xi32, #tpu.memory_space<vmem>> -> memref<128xi32, #tpu.memory_space<vmem>>
          %dma_wait3A_218 = arith.constant 0 : i32
          %dma_wait3A_219 = arith.constant 0 : i32
          %dma_wait3A_220 = tpu.memref_slice %arg11[%dma_wait3A_218, %dma_wait3A_219] : memref<10240x128xf32, #tpu.memory_space<vmem_shared>> -> memref<10240x128xf32, #tpu.memory_space<vmem_shared>>
          tpu.wait_indirect_dma semaphore(%run_scoped3A_200 : memref<!tpu.dma_semaphore, #tpu.memory_space<semaphore_mem>>) src(%dma_wait3A_214 : memref<128x128xf32, #tpu.memory_space<vmem>>) dst(%dma_wait3A_220 : memref<10240x128xf32, #tpu.memory_space<vmem_shared>>)
          tpu.yield
        }) : () -> ()
        %add3A_171 = arith.constant 2 : i32
        %add3A_172 = arith.addi %add3A_159, %add3A_171 : i32
        %lt3A = arith.constant 48 : i32
        %lt3A_173 = arith.cmpi slt, %add3A_172, %lt3A : i32
        %convert_element_type3A_174 = arith.extui %lt3A_173 : i1 to i32
        %cond3A_175 = arith.constant 0 : i32
        %cond3A_176 = arith.cmpi ne, %convert_element_type3A_174, %cond3A_175 : i32
        scf.if %cond3A_176 {
          %add3A_200 = arith.constant 2 : i32
          %add3A_201 = arith.addi %add3A_159, %add3A_200 : i32
          %dma_start3A_202 = arith.constant 0 : i32
          %dma_start3A_203 = arith.constant 0 : i32
          %dma_start3A_204 = arith.constant 0 : i32
          %dma_start3A_205 = tpu.memref_slice %arg10[%dma_start3A_202, %dma_start3A_203, %dma_start3A_204] : memref<2x128x128xf32, #tpu.memory_space<vmem>> -> memref<1x128x128xf32, #tpu.memory_space<vmem>>
          %dma_start3A_206 = tpu.memref_squeeze %dma_start3A_205 : memref<1x128x128xf32, #tpu.memory_space<vmem>> -> memref<128x128xf32, #tpu.memory_space<vmem>>
          %dma_start3A_207 = arith.constant 0 : i32
          %dma_start3A_208 = tpu.memref_slice %arg8[%add3A_201, %dma_start3A_207] : memref<56x128xi32, #tpu.memory_space<vmem>> -> memref<1x128xi32, #tpu.memory_space<vmem>>
          %dma_start3A_209 = tpu.memref_squeeze %dma_start3A_208 : memref<1x128xi32, #tpu.memory_space<vmem>> -> memref<128xi32, #tpu.memory_space<vmem>>
          %dma_start3A_210 = arith.constant 0 : i32
          %dma_start3A_211 = arith.constant 0 : i32
          %dma_start3A_212 = tpu.memref_slice %arg2[%dma_start3A_210, %dma_start3A_211] : memref<10000x128xf32, #tpu.memory_space<hbm>> -> memref<10000x128xf32, #tpu.memory_space<hbm>>
          tpu.enqueue_indirect_dma source(%dma_start3A_212 : memref<10000x128xf32, #tpu.memory_space<hbm>>) target(%dma_start3A_206 : memref<128x128xf32, #tpu.memory_space<vmem>>) offsets(%dma_start3A_209 : memref<128xi32, #tpu.memory_space<vmem>>) semaphore(%arg12 : memref<!tpu.dma_semaphore, #tpu.memory_space<semaphore_mem>>)
        } else {
        }
        %mul3A_177 = arith.constant 2 : i32
        %mul3A_178 = arith.muli %scan3A_155, %mul3A_177 : i32
        %add3A_179 = arith.constant 1 : i32
        %add3A_180 = arith.addi %mul3A_178, %add3A_179 : i32
        %dma_wait3A_181 = arith.constant 1 : i32
        %dma_wait3A_182 = arith.constant 0 : i32
        %dma_wait3A_183 = arith.constant 0 : i32
        %dma_wait3A_184 = tpu.memref_slice %arg10[%dma_wait3A_181, %dma_wait3A_182, %dma_wait3A_183] : memref<2x128x128xf32, #tpu.memory_space<vmem>> -> memref<1x128x128xf32, #tpu.memory_space<vmem>>
        %dma_wait3A_185 = tpu.memref_squeeze %dma_wait3A_184 : memref<1x128x128xf32, #tpu.memory_space<vmem>> -> memref<128x128xf32, #tpu.memory_space<vmem>>
        %dma_wait3A_186 = arith.constant 0 : i32
        %dma_wait3A_187 = tpu.memref_slice %arg8[%add3A_180, %dma_wait3A_186] : memref<56x128xi32, #tpu.memory_space<vmem>> -> memref<1x128xi32, #tpu.memory_space<vmem>>
        %dma_wait3A_188 = tpu.memref_squeeze %dma_wait3A_187 : memref<1x128xi32, #tpu.memory_space<vmem>> -> memref<128xi32, #tpu.memory_space<vmem>>
        %dma_wait3A_189 = arith.constant 0 : i32
        %dma_wait3A_190 = arith.constant 0 : i32
        %dma_wait3A_191 = tpu.memref_slice %arg2[%dma_wait3A_189, %dma_wait3A_190] : memref<10000x128xf32, #tpu.memory_space<hbm>> -> memref<10000x128xf32, #tpu.memory_space<hbm>>
        tpu.wait_indirect_dma semaphore(%arg13 : memref<!tpu.dma_semaphore, #tpu.memory_space<semaphore_mem>>) src(%dma_wait3A_191 : memref<10000x128xf32, #tpu.memory_space<hbm>>) dst(%dma_wait3A_185 : memref<128x128xf32, #tpu.memory_space<vmem>>)
        %run_scoped3A_192 = arith.constant 1 : i32
        "tpu.region"() ({
          %run_scoped3A_200 = tpu.sem_alloc : memref<!tpu.dma_semaphore, #tpu.memory_space<semaphore_mem>>
          %dma_start3A_201 = arith.constant 0 : i32
          %dma_start3A_202 = arith.constant 0 : i32
          %dma_start3A_203 = tpu.memref_slice %arg10[%run_scoped3A_192, %dma_start3A_201, %dma_start3A_202] : memref<2x128x128xf32, #tpu.memory_space<vmem>> -> memref<1x128x128xf32, #tpu.memory_space<vmem>>
          %dma_start3A_204 = tpu.memref_squeeze %dma_start3A_203 : memref<1x128x128xf32, #tpu.memory_space<vmem>> -> memref<128x128xf32, #tpu.memory_space<vmem>>
          %dma_start3A_205 = arith.constant 0 : i32
          %dma_start3A_206 = tpu.memref_slice %arg9[%add3A_180, %dma_start3A_205] : memref<56x128xi32, #tpu.memory_space<vmem>> -> memref<1x128xi32, #tpu.memory_space<vmem>>
          %dma_start3A_207 = tpu.memref_squeeze %dma_start3A_206 : memref<1x128xi32, #tpu.memory_space<vmem>> -> memref<128xi32, #tpu.memory_space<vmem>>
          %dma_start3A_208 = arith.constant 0 : i32
          %dma_start3A_209 = arith.constant 0 : i32
          %dma_start3A_210 = tpu.memref_slice %arg11[%dma_start3A_208, %dma_start3A_209] : memref<10240x128xf32, #tpu.memory_space<vmem_shared>> -> memref<10240x128xf32, #tpu.memory_space<vmem_shared>>
          tpu.enqueue_indirect_dma source(%dma_start3A_204 : memref<128x128xf32, #tpu.memory_space<vmem>>) target(%dma_start3A_210 : memref<10240x128xf32, #tpu.memory_space<vmem_shared>>) offsets(%dma_start3A_207 : memref<128xi32, #tpu.memory_space<vmem>>) semaphore(%run_scoped3A_200 : memref<!tpu.dma_semaphore, #tpu.memory_space<semaphore_mem>>) {add = true}
          %dma_wait3A_211 = arith.constant 0 : i32
          %dma_wait3A_212 = arith.constant 0 : i32
          %dma_wait3A_213 = tpu.memref_slice %arg10[%run_scoped3A_192, %dma_wait3A_211, %dma_wait3A_212] : memref<2x128x128xf32, #tpu.memory_space<vmem>> -> memref<1x128x128xf32, #tpu.memory_space<vmem>>
          %dma_wait3A_214 = tpu.memref_squeeze %dma_wait3A_213 : memref<1x128x128xf32, #tpu.memory_space<vmem>> -> memref<128x128xf32, #tpu.memory_space<vmem>>
          %dma_wait3A_215 = arith.constant 0 : i32
          %dma_wait3A_216 = tpu.memref_slice %arg9[%add3A_180, %dma_wait3A_215] : memref<56x128xi32, #tpu.memory_space<vmem>> -> memref<1x128xi32, #tpu.memory_space<vmem>>
          %dma_wait3A_217 = tpu.memref_squeeze %dma_wait3A_216 : memref<1x128xi32, #tpu.memory_space<vmem>> -> memref<128xi32, #tpu.memory_space<vmem>>
          %dma_wait3A_218 = arith.constant 0 : i32
          %dma_wait3A_219 = arith.constant 0 : i32
          %dma_wait3A_220 = tpu.memref_slice %arg11[%dma_wait3A_218, %dma_wait3A_219] : memref<10240x128xf32, #tpu.memory_space<vmem_shared>> -> memref<10240x128xf32, #tpu.memory_space<vmem_shared>>
          tpu.wait_indirect_dma semaphore(%run_scoped3A_200 : memref<!tpu.dma_semaphore, #tpu.memory_space<semaphore_mem>>) src(%dma_wait3A_214 : memref<128x128xf32, #tpu.memory_space<vmem>>) dst(%dma_wait3A_220 : memref<10240x128xf32, #tpu.memory_space<vmem_shared>>)
          tpu.yield
        }) : () -> ()
        %add3A_193 = arith.constant 2 : i32
        %add3A_194 = arith.addi %add3A_180, %add3A_193 : i32
        %lt3A_195 = arith.constant 48 : i32
        %lt3A_196 = arith.cmpi slt, %add3A_194, %lt3A_195 : i32
        %convert_element_type3A_197 = arith.extui %lt3A_196 : i1 to i32
        %cond3A_198 = arith.constant 0 : i32
        %cond3A_199 = arith.cmpi ne, %convert_element_type3A_197, %cond3A_198 : i32
        scf.if %cond3A_199 {
          %add3A_200 = arith.constant 2 : i32
          %add3A_201 = arith.addi %add3A_180, %add3A_200 : i32
          %dma_start3A_202 = arith.constant 1 : i32
          %dma_start3A_203 = arith.constant 0 : i32
          %dma_start3A_204 = arith.constant 0 : i32
          %dma_start3A_205 = tpu.memref_slice %arg10[%dma_start3A_202, %dma_start3A_203, %dma_start3A_204] : memref<2x128x128xf32, #tpu.memory_space<vmem>> -> memref<1x128x128xf32, #tpu.memory_space<vmem>>
          %dma_start3A_206 = tpu.memref_squeeze %dma_start3A_205 : memref<1x128x128xf32, #tpu.memory_space<vmem>> -> memref<128x128xf32, #tpu.memory_space<vmem>>
          %dma_start3A_207 = arith.constant 0 : i32
          %dma_start3A_208 = tpu.memref_slice %arg8[%add3A_201, %dma_start3A_207] : memref<56x128xi32, #tpu.memory_space<vmem>> -> memref<1x128xi32, #tpu.memory_space<vmem>>
          %dma_start3A_209 = tpu.memref_squeeze %dma_start3A_208 : memref<1x128xi32, #tpu.memory_space<vmem>> -> memref<128xi32, #tpu.memory_space<vmem>>
          %dma_start3A_210 = arith.constant 0 : i32
          %dma_start3A_211 = arith.constant 0 : i32
          %dma_start3A_212 = tpu.memref_slice %arg2[%dma_start3A_210, %dma_start3A_211] : memref<10000x128xf32, #tpu.memory_space<hbm>> -> memref<10000x128xf32, #tpu.memory_space<hbm>>
          tpu.enqueue_indirect_dma source(%dma_start3A_212 : memref<10000x128xf32, #tpu.memory_space<hbm>>) target(%dma_start3A_206 : memref<128x128xf32, #tpu.memory_space<vmem>>) offsets(%dma_start3A_209 : memref<128xi32, #tpu.memory_space<vmem>>) semaphore(%arg13 : memref<!tpu.dma_semaphore, #tpu.memory_space<semaphore_mem>>)
        } else {
        }
      }
      %scan3A_94 = arith.constant 24 : i32
      "tpu.region"() ({
        %run_scoped3A_155 = tpu.sem_alloc : memref<!tpu.dma_semaphore, #tpu.memory_space<semaphore_mem>>
        %dma_start3A_156 = arith.constant 0 : i32
        %dma_start3A_157 = arith.constant 0 : i32
        %dma_start3A_158 = tpu.memref_slice %arg8[%dma_start3A_156, %dma_start3A_157] : memref<56x128xi32, #tpu.memory_space<vmem>> -> memref<48x128xi32, #tpu.memory_space<vmem>>
        %dma_start3A_159 = arith.constant 0 : i32
        %dma_start3A_160 = arith.constant 0 : i32
        %dma_start3A_161 = tpu.memref_slice %arg3[%arg1, %dma_start3A_159, %dma_start3A_160] : memref<16x152x128xi32, #tpu.memory_space<hbm>> -> memref<1x152x128xi32, #tpu.memory_space<hbm>>
        %dma_start3A_162 = tpu.memref_squeeze %dma_start3A_161 : memref<1x152x128xi32, #tpu.memory_space<hbm>> -> memref<152x128xi32, #tpu.memory_space<hbm>>
        %dma_start3A_163 = arith.constant 48 : i32
        %dma_start3A_164 = arith.constant 0 : i32
        %dma_start3A_165 = tpu.memref_slice %dma_start3A_162[%dma_start3A_163, %dma_start3A_164] : memref<152x128xi32, #tpu.memory_space<hbm>> -> memref<48x128xi32, #tpu.memory_space<hbm>>
        %dma_start3A_166 = arith.constant 0 : i32
        %dma_start3A_167 = arith.constant 0 : i32
        %dma_start3A_168 = tpu.memref_slice %arg8[%dma_start3A_166, %dma_start3A_167] : memref<56x128xi32, #tpu.memory_space<vmem>> -> memref<48x128xi32, #tpu.memory_space<vmem>>
        %dma_start3A_169 = arith.constant 0 : i32
        %dma_start3A_170 = arith.constant 0 : i32
        %dma_start3A_171 = tpu.memref_slice %arg3[%arg1, %dma_start3A_169, %dma_start3A_170] : memref<16x152x128xi32, #tpu.memory_space<hbm>> -> memref<1x152x128xi32, #tpu.memory_space<hbm>>
        %dma_start3A_172 = tpu.memref_squeeze %dma_start3A_171 : memref<1x152x128xi32, #tpu.memory_space<hbm>> -> memref<152x128xi32, #tpu.memory_space<hbm>>
        %dma_start3A_173 = arith.constant 48 : i32
        %dma_start3A_174 = arith.constant 0 : i32
        %dma_start3A_175 = tpu.memref_slice %dma_start3A_172[%dma_start3A_173, %dma_start3A_174] : memref<152x128xi32, #tpu.memory_space<hbm>> -> memref<48x128xi32, #tpu.memory_space<hbm>>
        tpu.enqueue_dma source(%dma_start3A_175 : memref<48x128xi32, #tpu.memory_space<hbm>>) target(%dma_start3A_168 : memref<48x128xi32, #tpu.memory_space<vmem>>) target_semaphore(%run_scoped3A_155 : memref<!tpu.dma_semaphore, #tpu.memory_space<semaphore_mem>>)
        %dma_wait3A = arith.constant 0 : i32
        %dma_wait3A_176 = arith.constant 0 : i32
        %dma_wait3A_177 = tpu.memref_slice %arg8[%dma_wait3A, %dma_wait3A_176] : memref<56x128xi32, #tpu.memory_space<vmem>> -> memref<48x128xi32, #tpu.memory_space<vmem>>
        %dma_wait3A_178 = arith.constant 0 : i32
        %dma_wait3A_179 = arith.constant 0 : i32
        %dma_wait3A_180 = tpu.memref_slice %arg3[%arg1, %dma_wait3A_178, %dma_wait3A_179] : memref<16x152x128xi32, #tpu.memory_space<hbm>> -> memref<1x152x128xi32, #tpu.memory_space<hbm>>
        %dma_wait3A_181 = tpu.memref_squeeze %dma_wait3A_180 : memref<1x152x128xi32, #tpu.memory_space<hbm>> -> memref<152x128xi32, #tpu.memory_space<hbm>>
        %dma_wait3A_182 = arith.constant 48 : i32
        %dma_wait3A_183 = arith.constant 0 : i32
        %dma_wait3A_184 = tpu.memref_slice %dma_wait3A_181[%dma_wait3A_182, %dma_wait3A_183] : memref<152x128xi32, #tpu.memory_space<hbm>> -> memref<48x128xi32, #tpu.memory_space<hbm>>
        %dma_wait3A_185 = arith.constant 0 : i32
        %dma_wait3A_186 = arith.constant 0 : i32
        %dma_wait3A_187 = tpu.memref_slice %arg8[%dma_wait3A_185, %dma_wait3A_186] : memref<56x128xi32, #tpu.memory_space<vmem>> -> memref<48x128xi32, #tpu.memory_space<vmem>>
        %dma_wait3A_188 = arith.constant 0 : i32
        %dma_wait3A_189 = arith.constant 0 : i32
        %dma_wait3A_190 = tpu.memref_slice %arg3[%arg1, %dma_wait3A_188, %dma_wait3A_189] : memref<16x152x128xi32, #tpu.memory_space<hbm>> -> memref<1x152x128xi32, #tpu.memory_space<hbm>>
        %dma_wait3A_191 = tpu.memref_squeeze %dma_wait3A_190 : memref<1x152x128xi32, #tpu.memory_space<hbm>> -> memref<152x128xi32, #tpu.memory_space<hbm>>
        %dma_wait3A_192 = arith.constant 48 : i32
        %dma_wait3A_193 = arith.constant 0 : i32
        %dma_wait3A_194 = tpu.memref_slice %dma_wait3A_191[%dma_wait3A_192, %dma_wait3A_193] : memref<152x128xi32, #tpu.memory_space<hbm>> -> memref<48x128xi32, #tpu.memory_space<hbm>>
        tpu.wait_dma2 semaphore(%run_scoped3A_155 : memref<!tpu.dma_semaphore, #tpu.memory_space<semaphore_mem>>) src(%dma_wait3A_194 : memref<48x128xi32, #tpu.memory_space<hbm>>) dst(%dma_wait3A_187 : memref<48x128xi32, #tpu.memory_space<vmem>>)
        tpu.yield
      }) : () -> ()
      "tpu.region"() ({
        %run_scoped3A_155 = tpu.sem_alloc : memref<!tpu.dma_semaphore, #tpu.memory_space<semaphore_mem>>
        %dma_start3A_156 = arith.constant 0 : i32
        %dma_start3A_157 = arith.constant 0 : i32
        %dma_start3A_158 = tpu.memref_slice %arg9[%dma_start3A_156, %dma_start3A_157] : memref<56x128xi32, #tpu.memory_space<vmem>> -> memref<48x128xi32, #tpu.memory_space<vmem>>
        %dma_start3A_159 = arith.constant 0 : i32
        %dma_start3A_160 = arith.constant 0 : i32
        %dma_start3A_161 = tpu.memref_slice %arg4[%arg1, %dma_start3A_159, %dma_start3A_160] : memref<16x152x128xi32, #tpu.memory_space<hbm>> -> memref<1x152x128xi32, #tpu.memory_space<hbm>>
        %dma_start3A_162 = tpu.memref_squeeze %dma_start3A_161 : memref<1x152x128xi32, #tpu.memory_space<hbm>> -> memref<152x128xi32, #tpu.memory_space<hbm>>
        %dma_start3A_163 = arith.constant 48 : i32
        %dma_start3A_164 = arith.constant 0 : i32
        %dma_start3A_165 = tpu.memref_slice %dma_start3A_162[%dma_start3A_163, %dma_start3A_164] : memref<152x128xi32, #tpu.memory_space<hbm>> -> memref<48x128xi32, #tpu.memory_space<hbm>>
        %dma_start3A_166 = arith.constant 0 : i32
        %dma_start3A_167 = arith.constant 0 : i32
        %dma_start3A_168 = tpu.memref_slice %arg9[%dma_start3A_166, %dma_start3A_167] : memref<56x128xi32, #tpu.memory_space<vmem>> -> memref<48x128xi32, #tpu.memory_space<vmem>>
        %dma_start3A_169 = arith.constant 0 : i32
        %dma_start3A_170 = arith.constant 0 : i32
        %dma_start3A_171 = tpu.memref_slice %arg4[%arg1, %dma_start3A_169, %dma_start3A_170] : memref<16x152x128xi32, #tpu.memory_space<hbm>> -> memref<1x152x128xi32, #tpu.memory_space<hbm>>
        %dma_start3A_172 = tpu.memref_squeeze %dma_start3A_171 : memref<1x152x128xi32, #tpu.memory_space<hbm>> -> memref<152x128xi32, #tpu.memory_space<hbm>>
        %dma_start3A_173 = arith.constant 48 : i32
        %dma_start3A_174 = arith.constant 0 : i32
        %dma_start3A_175 = tpu.memref_slice %dma_start3A_172[%dma_start3A_173, %dma_start3A_174] : memref<152x128xi32, #tpu.memory_space<hbm>> -> memref<48x128xi32, #tpu.memory_space<hbm>>
        tpu.enqueue_dma source(%dma_start3A_175 : memref<48x128xi32, #tpu.memory_space<hbm>>) target(%dma_start3A_168 : memref<48x128xi32, #tpu.memory_space<vmem>>) target_semaphore(%run_scoped3A_155 : memref<!tpu.dma_semaphore, #tpu.memory_space<semaphore_mem>>)
        %dma_wait3A = arith.constant 0 : i32
        %dma_wait3A_176 = arith.constant 0 : i32
        %dma_wait3A_177 = tpu.memref_slice %arg9[%dma_wait3A, %dma_wait3A_176] : memref<56x128xi32, #tpu.memory_space<vmem>> -> memref<48x128xi32, #tpu.memory_space<vmem>>
        %dma_wait3A_178 = arith.constant 0 : i32
        %dma_wait3A_179 = arith.constant 0 : i32
        %dma_wait3A_180 = tpu.memref_slice %arg4[%arg1, %dma_wait3A_178, %dma_wait3A_179] : memref<16x152x128xi32, #tpu.memory_space<hbm>> -> memref<1x152x128xi32, #tpu.memory_space<hbm>>
        %dma_wait3A_181 = tpu.memref_squeeze %dma_wait3A_180 : memref<1x152x128xi32, #tpu.memory_space<hbm>> -> memref<152x128xi32, #tpu.memory_space<hbm>>
        %dma_wait3A_182 = arith.constant 48 : i32
        %dma_wait3A_183 = arith.constant 0 : i32
        %dma_wait3A_184 = tpu.memref_slice %dma_wait3A_181[%dma_wait3A_182, %dma_wait3A_183] : memref<152x128xi32, #tpu.memory_space<hbm>> -> memref<48x128xi32, #tpu.memory_space<hbm>>
        %dma_wait3A_185 = arith.constant 0 : i32
        %dma_wait3A_186 = arith.constant 0 : i32
        %dma_wait3A_187 = tpu.memref_slice %arg9[%dma_wait3A_185, %dma_wait3A_186] : memref<56x128xi32, #tpu.memory_space<vmem>> -> memref<48x128xi32, #tpu.memory_space<vmem>>
        %dma_wait3A_188 = arith.constant 0 : i32
        %dma_wait3A_189 = arith.constant 0 : i32
        %dma_wait3A_190 = tpu.memref_slice %arg4[%arg1, %dma_wait3A_188, %dma_wait3A_189] : memref<16x152x128xi32, #tpu.memory_space<hbm>> -> memref<1x152x128xi32, #tpu.memory_space<hbm>>
        %dma_wait3A_191 = tpu.memref_squeeze %dma_wait3A_190 : memref<1x152x128xi32, #tpu.memory_space<hbm>> -> memref<152x128xi32, #tpu.memory_space<hbm>>
        %dma_wait3A_192 = arith.constant 48 : i32
        %dma_wait3A_193 = arith.constant 0 : i32
        %dma_wait3A_194 = tpu.memref_slice %dma_wait3A_191[%dma_wait3A_192, %dma_wait3A_193] : memref<152x128xi32, #tpu.memory_space<hbm>> -> memref<48x128xi32, #tpu.memory_space<hbm>>
        tpu.wait_dma2 semaphore(%run_scoped3A_155 : memref<!tpu.dma_semaphore, #tpu.memory_space<semaphore_mem>>) src(%dma_wait3A_194 : memref<48x128xi32, #tpu.memory_space<hbm>>) dst(%dma_wait3A_187 : memref<48x128xi32, #tpu.memory_space<vmem>>)
        tpu.yield
      }) : () -> ()
      %dma_start3A_95 = arith.constant 0 : i32
      %dma_start3A_96 = arith.constant 0 : i32
      %dma_start3A_97 = arith.constant 0 : i32
      %dma_start3A_98 = arith.constant 0 : i32
      %dma_start3A_99 = tpu.memref_slice %arg10[%dma_start3A_96, %dma_start3A_97, %dma_start3A_98] : memref<2x128x128xf32, #tpu.memory_space<vmem>> -> memref<1x128x128xf32, #tpu.memory_space<vmem>>
      %dma_start3A_100 = tpu.memref_squeeze %dma_start3A_99 : memref<1x128x128xf32, #tpu.memory_space<vmem>> -> memref<128x128xf32, #tpu.memory_space<vmem>>
      %dma_start3A_101 = arith.constant 0 : i32
      %dma_start3A_102 = tpu.memref_slice %arg8[%dma_start3A_95, %dma_start3A_101] : memref<56x128xi32, #tpu.memory_space<vmem>> -> memref<1x128xi32, #tpu.memory_space<vmem>>
      %dma_start3A_103 = tpu.memref_squeeze %dma_start3A_102 : memref<1x128xi32, #tpu.memory_space<vmem>> -> memref<128xi32, #tpu.memory_space<vmem>>
      %dma_start3A_104 = arith.constant 0 : i32
      %dma_start3A_105 = arith.constant 0 : i32
      %dma_start3A_106 = tpu.memref_slice %arg2[%dma_start3A_104, %dma_start3A_105] : memref<10000x128xf32, #tpu.memory_space<hbm>> -> memref<10000x128xf32, #tpu.memory_space<hbm>>
      tpu.enqueue_indirect_dma source(%dma_start3A_106 : memref<10000x128xf32, #tpu.memory_space<hbm>>) target(%dma_start3A_100 : memref<128x128xf32, #tpu.memory_space<vmem>>) offsets(%dma_start3A_103 : memref<128xi32, #tpu.memory_space<vmem>>) semaphore(%arg12 : memref<!tpu.dma_semaphore, #tpu.memory_space<semaphore_mem>>)
      %dma_start3A_107 = arith.constant 1 : i32
      %dma_start3A_108 = arith.constant 1 : i32
      %dma_start3A_109 = arith.constant 0 : i32
      %dma_start3A_110 = arith.constant 0 : i32
      %dma_start3A_111 = tpu.memref_slice %arg10[%dma_start3A_108, %dma_start3A_109, %dma_start3A_110] : memref<2x128x128xf32, #tpu.memory_space<vmem>> -> memref<1x128x128xf32, #tpu.memory_space<vmem>>
      %dma_start3A_112 = tpu.memref_squeeze %dma_start3A_111 : memref<1x128x128xf32, #tpu.memory_space<vmem>> -> memref<128x128xf32, #tpu.memory_space<vmem>>
      %dma_start3A_113 = arith.constant 0 : i32
      %dma_start3A_114 = tpu.memref_slice %arg8[%dma_start3A_107, %dma_start3A_113] : memref<56x128xi32, #tpu.memory_space<vmem>> -> memref<1x128xi32, #tpu.memory_space<vmem>>
      %dma_start3A_115 = tpu.memref_squeeze %dma_start3A_114 : memref<1x128xi32, #tpu.memory_space<vmem>> -> memref<128xi32, #tpu.memory_space<vmem>>
      %dma_start3A_116 = arith.constant 0 : i32
      %dma_start3A_117 = arith.constant 0 : i32
      %dma_start3A_118 = tpu.memref_slice %arg2[%dma_start3A_116, %dma_start3A_117] : memref<10000x128xf32, #tpu.memory_space<hbm>> -> memref<10000x128xf32, #tpu.memory_space<hbm>>
      tpu.enqueue_indirect_dma source(%dma_start3A_118 : memref<10000x128xf32, #tpu.memory_space<hbm>>) target(%dma_start3A_112 : memref<128x128xf32, #tpu.memory_space<vmem>>) offsets(%dma_start3A_115 : memref<128xi32, #tpu.memory_space<vmem>>) semaphore(%arg13 : memref<!tpu.dma_semaphore, #tpu.memory_space<semaphore_mem>>)
      %scan3A_119 = arith.constant 0 : i32
      %scan3A_120 = arith.constant 0 : i32
      %scan3A_121 = arith.constant 24 : i32
      %scan3A_122 = arith.addi %scan3A_120, %scan3A_121 : i32
      %scan3A_123 = arith.constant 1 : i32
      scf.for %scan3A_155 = %scan3A_120 to %scan3A_122 step %scan3A_123  : i32 {
        %mul3A_156 = arith.constant 2 : i32
        %mul3A_157 = arith.muli %scan3A_155, %mul3A_156 : i32
        %add3A_158 = arith.constant 0 : i32
        %add3A_159 = arith.addi %mul3A_157, %add3A_158 : i32
        %dma_wait3A = arith.constant 0 : i32
        %dma_wait3A_160 = arith.constant 0 : i32
        %dma_wait3A_161 = arith.constant 0 : i32
        %dma_wait3A_162 = tpu.memref_slice %arg10[%dma_wait3A, %dma_wait3A_160, %dma_wait3A_161] : memref<2x128x128xf32, #tpu.memory_space<vmem>> -> memref<1x128x128xf32, #tpu.memory_space<vmem>>
        %dma_wait3A_163 = tpu.memref_squeeze %dma_wait3A_162 : memref<1x128x128xf32, #tpu.memory_space<vmem>> -> memref<128x128xf32, #tpu.memory_space<vmem>>
        %dma_wait3A_164 = arith.constant 0 : i32
        %dma_wait3A_165 = tpu.memref_slice %arg8[%add3A_159, %dma_wait3A_164] : memref<56x128xi32, #tpu.memory_space<vmem>> -> memref<1x128xi32, #tpu.memory_space<vmem>>
        %dma_wait3A_166 = tpu.memref_squeeze %dma_wait3A_165 : memref<1x128xi32, #tpu.memory_space<vmem>> -> memref<128xi32, #tpu.memory_space<vmem>>
        %dma_wait3A_167 = arith.constant 0 : i32
        %dma_wait3A_168 = arith.constant 0 : i32
        %dma_wait3A_169 = tpu.memref_slice %arg2[%dma_wait3A_167, %dma_wait3A_168] : memref<10000x128xf32, #tpu.memory_space<hbm>> -> memref<10000x128xf32, #tpu.memory_space<hbm>>
        tpu.wait_indirect_dma semaphore(%arg12 : memref<!tpu.dma_semaphore, #tpu.memory_space<semaphore_mem>>) src(%dma_wait3A_169 : memref<10000x128xf32, #tpu.memory_space<hbm>>) dst(%dma_wait3A_163 : memref<128x128xf32, #tpu.memory_space<vmem>>)
        %run_scoped3A_170 = arith.constant 0 : i32
        "tpu.region"() ({
          %run_scoped3A_200 = tpu.sem_alloc : memref<!tpu.dma_semaphore, #tpu.memory_space<semaphore_mem>>
          %dma_start3A_201 = arith.constant 0 : i32
          %dma_start3A_202 = arith.constant 0 : i32
          %dma_start3A_203 = tpu.memref_slice %arg10[%run_scoped3A_170, %dma_start3A_201, %dma_start3A_202] : memref<2x128x128xf32, #tpu.memory_space<vmem>> -> memref<1x128x128xf32, #tpu.memory_space<vmem>>
          %dma_start3A_204 = tpu.memref_squeeze %dma_start3A_203 : memref<1x128x128xf32, #tpu.memory_space<vmem>> -> memref<128x128xf32, #tpu.memory_space<vmem>>
          %dma_start3A_205 = arith.constant 0 : i32
          %dma_start3A_206 = tpu.memref_slice %arg9[%add3A_159, %dma_start3A_205] : memref<56x128xi32, #tpu.memory_space<vmem>> -> memref<1x128xi32, #tpu.memory_space<vmem>>
          %dma_start3A_207 = tpu.memref_squeeze %dma_start3A_206 : memref<1x128xi32, #tpu.memory_space<vmem>> -> memref<128xi32, #tpu.memory_space<vmem>>
          %dma_start3A_208 = arith.constant 0 : i32
          %dma_start3A_209 = arith.constant 0 : i32
          %dma_start3A_210 = tpu.memref_slice %arg11[%dma_start3A_208, %dma_start3A_209] : memref<10240x128xf32, #tpu.memory_space<vmem_shared>> -> memref<10240x128xf32, #tpu.memory_space<vmem_shared>>
          tpu.enqueue_indirect_dma source(%dma_start3A_204 : memref<128x128xf32, #tpu.memory_space<vmem>>) target(%dma_start3A_210 : memref<10240x128xf32, #tpu.memory_space<vmem_shared>>) offsets(%dma_start3A_207 : memref<128xi32, #tpu.memory_space<vmem>>) semaphore(%run_scoped3A_200 : memref<!tpu.dma_semaphore, #tpu.memory_space<semaphore_mem>>) {add = true}
          %dma_wait3A_211 = arith.constant 0 : i32
          %dma_wait3A_212 = arith.constant 0 : i32
          %dma_wait3A_213 = tpu.memref_slice %arg10[%run_scoped3A_170, %dma_wait3A_211, %dma_wait3A_212] : memref<2x128x128xf32, #tpu.memory_space<vmem>> -> memref<1x128x128xf32, #tpu.memory_space<vmem>>
          %dma_wait3A_214 = tpu.memref_squeeze %dma_wait3A_213 : memref<1x128x128xf32, #tpu.memory_space<vmem>> -> memref<128x128xf32, #tpu.memory_space<vmem>>
          %dma_wait3A_215 = arith.constant 0 : i32
          %dma_wait3A_216 = tpu.memref_slice %arg9[%add3A_159, %dma_wait3A_215] : memref<56x128xi32, #tpu.memory_space<vmem>> -> memref<1x128xi32, #tpu.memory_space<vmem>>
          %dma_wait3A_217 = tpu.memref_squeeze %dma_wait3A_216 : memref<1x128xi32, #tpu.memory_space<vmem>> -> memref<128xi32, #tpu.memory_space<vmem>>
          %dma_wait3A_218 = arith.constant 0 : i32
          %dma_wait3A_219 = arith.constant 0 : i32
          %dma_wait3A_220 = tpu.memref_slice %arg11[%dma_wait3A_218, %dma_wait3A_219] : memref<10240x128xf32, #tpu.memory_space<vmem_shared>> -> memref<10240x128xf32, #tpu.memory_space<vmem_shared>>
          tpu.wait_indirect_dma semaphore(%run_scoped3A_200 : memref<!tpu.dma_semaphore, #tpu.memory_space<semaphore_mem>>) src(%dma_wait3A_214 : memref<128x128xf32, #tpu.memory_space<vmem>>) dst(%dma_wait3A_220 : memref<10240x128xf32, #tpu.memory_space<vmem_shared>>)
          tpu.yield
        }) : () -> ()
        %add3A_171 = arith.constant 2 : i32
        %add3A_172 = arith.addi %add3A_159, %add3A_171 : i32
        %lt3A = arith.constant 48 : i32
        %lt3A_173 = arith.cmpi slt, %add3A_172, %lt3A : i32
        %convert_element_type3A_174 = arith.extui %lt3A_173 : i1 to i32
        %cond3A_175 = arith.constant 0 : i32
        %cond3A_176 = arith.cmpi ne, %convert_element_type3A_174, %cond3A_175 : i32
        scf.if %cond3A_176 {
          %add3A_200 = arith.constant 2 : i32
          %add3A_201 = arith.addi %add3A_159, %add3A_200 : i32
          %dma_start3A_202 = arith.constant 0 : i32
          %dma_start3A_203 = arith.constant 0 : i32
          %dma_start3A_204 = arith.constant 0 : i32
          %dma_start3A_205 = tpu.memref_slice %arg10[%dma_start3A_202, %dma_start3A_203, %dma_start3A_204] : memref<2x128x128xf32, #tpu.memory_space<vmem>> -> memref<1x128x128xf32, #tpu.memory_space<vmem>>
          %dma_start3A_206 = tpu.memref_squeeze %dma_start3A_205 : memref<1x128x128xf32, #tpu.memory_space<vmem>> -> memref<128x128xf32, #tpu.memory_space<vmem>>
          %dma_start3A_207 = arith.constant 0 : i32
          %dma_start3A_208 = tpu.memref_slice %arg8[%add3A_201, %dma_start3A_207] : memref<56x128xi32, #tpu.memory_space<vmem>> -> memref<1x128xi32, #tpu.memory_space<vmem>>
          %dma_start3A_209 = tpu.memref_squeeze %dma_start3A_208 : memref<1x128xi32, #tpu.memory_space<vmem>> -> memref<128xi32, #tpu.memory_space<vmem>>
          %dma_start3A_210 = arith.constant 0 : i32
          %dma_start3A_211 = arith.constant 0 : i32
          %dma_start3A_212 = tpu.memref_slice %arg2[%dma_start3A_210, %dma_start3A_211] : memref<10000x128xf32, #tpu.memory_space<hbm>> -> memref<10000x128xf32, #tpu.memory_space<hbm>>
          tpu.enqueue_indirect_dma source(%dma_start3A_212 : memref<10000x128xf32, #tpu.memory_space<hbm>>) target(%dma_start3A_206 : memref<128x128xf32, #tpu.memory_space<vmem>>) offsets(%dma_start3A_209 : memref<128xi32, #tpu.memory_space<vmem>>) semaphore(%arg12 : memref<!tpu.dma_semaphore, #tpu.memory_space<semaphore_mem>>)
        } else {
        }
        %mul3A_177 = arith.constant 2 : i32
        %mul3A_178 = arith.muli %scan3A_155, %mul3A_177 : i32
        %add3A_179 = arith.constant 1 : i32
        %add3A_180 = arith.addi %mul3A_178, %add3A_179 : i32
        %dma_wait3A_181 = arith.constant 1 : i32
        %dma_wait3A_182 = arith.constant 0 : i32
        %dma_wait3A_183 = arith.constant 0 : i32
        %dma_wait3A_184 = tpu.memref_slice %arg10[%dma_wait3A_181, %dma_wait3A_182, %dma_wait3A_183] : memref<2x128x128xf32, #tpu.memory_space<vmem>> -> memref<1x128x128xf32, #tpu.memory_space<vmem>>
        %dma_wait3A_185 = tpu.memref_squeeze %dma_wait3A_184 : memref<1x128x128xf32, #tpu.memory_space<vmem>> -> memref<128x128xf32, #tpu.memory_space<vmem>>
        %dma_wait3A_186 = arith.constant 0 : i32
        %dma_wait3A_187 = tpu.memref_slice %arg8[%add3A_180, %dma_wait3A_186] : memref<56x128xi32, #tpu.memory_space<vmem>> -> memref<1x128xi32, #tpu.memory_space<vmem>>
        %dma_wait3A_188 = tpu.memref_squeeze %dma_wait3A_187 : memref<1x128xi32, #tpu.memory_space<vmem>> -> memref<128xi32, #tpu.memory_space<vmem>>
        %dma_wait3A_189 = arith.constant 0 : i32
        %dma_wait3A_190 = arith.constant 0 : i32
        %dma_wait3A_191 = tpu.memref_slice %arg2[%dma_wait3A_189, %dma_wait3A_190] : memref<10000x128xf32, #tpu.memory_space<hbm>> -> memref<10000x128xf32, #tpu.memory_space<hbm>>
        tpu.wait_indirect_dma semaphore(%arg13 : memref<!tpu.dma_semaphore, #tpu.memory_space<semaphore_mem>>) src(%dma_wait3A_191 : memref<10000x128xf32, #tpu.memory_space<hbm>>) dst(%dma_wait3A_185 : memref<128x128xf32, #tpu.memory_space<vmem>>)
        %run_scoped3A_192 = arith.constant 1 : i32
        "tpu.region"() ({
          %run_scoped3A_200 = tpu.sem_alloc : memref<!tpu.dma_semaphore, #tpu.memory_space<semaphore_mem>>
          %dma_start3A_201 = arith.constant 0 : i32
          %dma_start3A_202 = arith.constant 0 : i32
          %dma_start3A_203 = tpu.memref_slice %arg10[%run_scoped3A_192, %dma_start3A_201, %dma_start3A_202] : memref<2x128x128xf32, #tpu.memory_space<vmem>> -> memref<1x128x128xf32, #tpu.memory_space<vmem>>
          %dma_start3A_204 = tpu.memref_squeeze %dma_start3A_203 : memref<1x128x128xf32, #tpu.memory_space<vmem>> -> memref<128x128xf32, #tpu.memory_space<vmem>>
          %dma_start3A_205 = arith.constant 0 : i32
          %dma_start3A_206 = tpu.memref_slice %arg9[%add3A_180, %dma_start3A_205] : memref<56x128xi32, #tpu.memory_space<vmem>> -> memref<1x128xi32, #tpu.memory_space<vmem>>
          %dma_start3A_207 = tpu.memref_squeeze %dma_start3A_206 : memref<1x128xi32, #tpu.memory_space<vmem>> -> memref<128xi32, #tpu.memory_space<vmem>>
          %dma_start3A_208 = arith.constant 0 : i32
          %dma_start3A_209 = arith.constant 0 : i32
          %dma_start3A_210 = tpu.memref_slice %arg11[%dma_start3A_208, %dma_start3A_209] : memref<10240x128xf32, #tpu.memory_space<vmem_shared>> -> memref<10240x128xf32, #tpu.memory_space<vmem_shared>>
          tpu.enqueue_indirect_dma source(%dma_start3A_204 : memref<128x128xf32, #tpu.memory_space<vmem>>) target(%dma_start3A_210 : memref<10240x128xf32, #tpu.memory_space<vmem_shared>>) offsets(%dma_start3A_207 : memref<128xi32, #tpu.memory_space<vmem>>) semaphore(%run_scoped3A_200 : memref<!tpu.dma_semaphore, #tpu.memory_space<semaphore_mem>>) {add = true}
          %dma_wait3A_211 = arith.constant 0 : i32
          %dma_wait3A_212 = arith.constant 0 : i32
          %dma_wait3A_213 = tpu.memref_slice %arg10[%run_scoped3A_192, %dma_wait3A_211, %dma_wait3A_212] : memref<2x128x128xf32, #tpu.memory_space<vmem>> -> memref<1x128x128xf32, #tpu.memory_space<vmem>>
          %dma_wait3A_214 = tpu.memref_squeeze %dma_wait3A_213 : memref<1x128x128xf32, #tpu.memory_space<vmem>> -> memref<128x128xf32, #tpu.memory_space<vmem>>
          %dma_wait3A_215 = arith.constant 0 : i32
          %dma_wait3A_216 = tpu.memref_slice %arg9[%add3A_180, %dma_wait3A_215] : memref<56x128xi32, #tpu.memory_space<vmem>> -> memref<1x128xi32, #tpu.memory_space<vmem>>
          %dma_wait3A_217 = tpu.memref_squeeze %dma_wait3A_216 : memref<1x128xi32, #tpu.memory_space<vmem>> -> memref<128xi32, #tpu.memory_space<vmem>>
          %dma_wait3A_218 = arith.constant 0 : i32
          %dma_wait3A_219 = arith.constant 0 : i32
          %dma_wait3A_220 = tpu.memref_slice %arg11[%dma_wait3A_218, %dma_wait3A_219] : memref<10240x128xf32, #tpu.memory_space<vmem_shared>> -> memref<10240x128xf32, #tpu.memory_space<vmem_shared>>
          tpu.wait_indirect_dma semaphore(%run_scoped3A_200 : memref<!tpu.dma_semaphore, #tpu.memory_space<semaphore_mem>>) src(%dma_wait3A_214 : memref<128x128xf32, #tpu.memory_space<vmem>>) dst(%dma_wait3A_220 : memref<10240x128xf32, #tpu.memory_space<vmem_shared>>)
          tpu.yield
        }) : () -> ()
        %add3A_193 = arith.constant 2 : i32
        %add3A_194 = arith.addi %add3A_180, %add3A_193 : i32
        %lt3A_195 = arith.constant 48 : i32
        %lt3A_196 = arith.cmpi slt, %add3A_194, %lt3A_195 : i32
        %convert_element_type3A_197 = arith.extui %lt3A_196 : i1 to i32
        %cond3A_198 = arith.constant 0 : i32
        %cond3A_199 = arith.cmpi ne, %convert_element_type3A_197, %cond3A_198 : i32
        scf.if %cond3A_199 {
          %add3A_200 = arith.constant 2 : i32
          %add3A_201 = arith.addi %add3A_180, %add3A_200 : i32
          %dma_start3A_202 = arith.constant 1 : i32
          %dma_start3A_203 = arith.constant 0 : i32
          %dma_start3A_204 = arith.constant 0 : i32
          %dma_start3A_205 = tpu.memref_slice %arg10[%dma_start3A_202, %dma_start3A_203, %dma_start3A_204] : memref<2x128x128xf32, #tpu.memory_space<vmem>> -> memref<1x128x128xf32, #tpu.memory_space<vmem>>
          %dma_start3A_206 = tpu.memref_squeeze %dma_start3A_205 : memref<1x128x128xf32, #tpu.memory_space<vmem>> -> memref<128x128xf32, #tpu.memory_space<vmem>>
          %dma_start3A_207 = arith.constant 0 : i32
          %dma_start3A_208 = tpu.memref_slice %arg8[%add3A_201, %dma_start3A_207] : memref<56x128xi32, #tpu.memory_space<vmem>> -> memref<1x128xi32, #tpu.memory_space<vmem>>
          %dma_start3A_209 = tpu.memref_squeeze %dma_start3A_208 : memref<1x128xi32, #tpu.memory_space<vmem>> -> memref<128xi32, #tpu.memory_space<vmem>>
          %dma_start3A_210 = arith.constant 0 : i32
          %dma_start3A_211 = arith.constant 0 : i32
          %dma_start3A_212 = tpu.memref_slice %arg2[%dma_start3A_210, %dma_start3A_211] : memref<10000x128xf32, #tpu.memory_space<hbm>> -> memref<10000x128xf32, #tpu.memory_space<hbm>>
          tpu.enqueue_indirect_dma source(%dma_start3A_212 : memref<10000x128xf32, #tpu.memory_space<hbm>>) target(%dma_start3A_206 : memref<128x128xf32, #tpu.memory_space<vmem>>) offsets(%dma_start3A_209 : memref<128xi32, #tpu.memory_space<vmem>>) semaphore(%arg13 : memref<!tpu.dma_semaphore, #tpu.memory_space<semaphore_mem>>)
        } else {
        }
      }
      %scan3A_124 = arith.constant 24 : i32
      "tpu.region"() ({
        %run_scoped3A_155 = tpu.sem_alloc : memref<!tpu.dma_semaphore, #tpu.memory_space<semaphore_mem>>
        %dma_start3A_156 = arith.constant 0 : i32
        %dma_start3A_157 = arith.constant 0 : i32
        %dma_start3A_158 = tpu.memref_slice %arg8[%dma_start3A_156, %dma_start3A_157] : memref<56x128xi32, #tpu.memory_space<vmem>> -> memref<56x128xi32, #tpu.memory_space<vmem>>
        %dma_start3A_159 = arith.constant 0 : i32
        %dma_start3A_160 = arith.constant 0 : i32
        %dma_start3A_161 = tpu.memref_slice %arg3[%arg1, %dma_start3A_159, %dma_start3A_160] : memref<16x152x128xi32, #tpu.memory_space<hbm>> -> memref<1x152x128xi32, #tpu.memory_space<hbm>>
        %dma_start3A_162 = tpu.memref_squeeze %dma_start3A_161 : memref<1x152x128xi32, #tpu.memory_space<hbm>> -> memref<152x128xi32, #tpu.memory_space<hbm>>
        %dma_start3A_163 = arith.constant 96 : i32
        %dma_start3A_164 = arith.constant 0 : i32
        %dma_start3A_165 = tpu.memref_slice %dma_start3A_162[%dma_start3A_163, %dma_start3A_164] : memref<152x128xi32, #tpu.memory_space<hbm>> -> memref<56x128xi32, #tpu.memory_space<hbm>>
        %dma_start3A_166 = arith.constant 0 : i32
        %dma_start3A_167 = arith.constant 0 : i32
        %dma_start3A_168 = tpu.memref_slice %arg8[%dma_start3A_166, %dma_start3A_167] : memref<56x128xi32, #tpu.memory_space<vmem>> -> memref<56x128xi32, #tpu.memory_space<vmem>>
        %dma_start3A_169 = arith.constant 0 : i32
        %dma_start3A_170 = arith.constant 0 : i32
        %dma_start3A_171 = tpu.memref_slice %arg3[%arg1, %dma_start3A_169, %dma_start3A_170] : memref<16x152x128xi32, #tpu.memory_space<hbm>> -> memref<1x152x128xi32, #tpu.memory_space<hbm>>
        %dma_start3A_172 = tpu.memref_squeeze %dma_start3A_171 : memref<1x152x128xi32, #tpu.memory_space<hbm>> -> memref<152x128xi32, #tpu.memory_space<hbm>>
        %dma_start3A_173 = arith.constant 96 : i32
        %dma_start3A_174 = arith.constant 0 : i32
        %dma_start3A_175 = tpu.memref_slice %dma_start3A_172[%dma_start3A_173, %dma_start3A_174] : memref<152x128xi32, #tpu.memory_space<hbm>> -> memref<56x128xi32, #tpu.memory_space<hbm>>
        tpu.enqueue_dma source(%dma_start3A_175 : memref<56x128xi32, #tpu.memory_space<hbm>>) target(%dma_start3A_168 : memref<56x128xi32, #tpu.memory_space<vmem>>) target_semaphore(%run_scoped3A_155 : memref<!tpu.dma_semaphore, #tpu.memory_space<semaphore_mem>>)
        %dma_wait3A = arith.constant 0 : i32
        %dma_wait3A_176 = arith.constant 0 : i32
        %dma_wait3A_177 = tpu.memref_slice %arg8[%dma_wait3A, %dma_wait3A_176] : memref<56x128xi32, #tpu.memory_space<vmem>> -> memref<56x128xi32, #tpu.memory_space<vmem>>
        %dma_wait3A_178 = arith.constant 0 : i32
        %dma_wait3A_179 = arith.constant 0 : i32
        %dma_wait3A_180 = tpu.memref_slice %arg3[%arg1, %dma_wait3A_178, %dma_wait3A_179] : memref<16x152x128xi32, #tpu.memory_space<hbm>> -> memref<1x152x128xi32, #tpu.memory_space<hbm>>
        %dma_wait3A_181 = tpu.memref_squeeze %dma_wait3A_180 : memref<1x152x128xi32, #tpu.memory_space<hbm>> -> memref<152x128xi32, #tpu.memory_space<hbm>>
        %dma_wait3A_182 = arith.constant 96 : i32
        %dma_wait3A_183 = arith.constant 0 : i32
        %dma_wait3A_184 = tpu.memref_slice %dma_wait3A_181[%dma_wait3A_182, %dma_wait3A_183] : memref<152x128xi32, #tpu.memory_space<hbm>> -> memref<56x128xi32, #tpu.memory_space<hbm>>
        %dma_wait3A_185 = arith.constant 0 : i32
        %dma_wait3A_186 = arith.constant 0 : i32
        %dma_wait3A_187 = tpu.memref_slice %arg8[%dma_wait3A_185, %dma_wait3A_186] : memref<56x128xi32, #tpu.memory_space<vmem>> -> memref<56x128xi32, #tpu.memory_space<vmem>>
        %dma_wait3A_188 = arith.constant 0 : i32
        %dma_wait3A_189 = arith.constant 0 : i32
        %dma_wait3A_190 = tpu.memref_slice %arg3[%arg1, %dma_wait3A_188, %dma_wait3A_189] : memref<16x152x128xi32, #tpu.memory_space<hbm>> -> memref<1x152x128xi32, #tpu.memory_space<hbm>>
        %dma_wait3A_191 = tpu.memref_squeeze %dma_wait3A_190 : memref<1x152x128xi32, #tpu.memory_space<hbm>> -> memref<152x128xi32, #tpu.memory_space<hbm>>
        %dma_wait3A_192 = arith.constant 96 : i32
        %dma_wait3A_193 = arith.constant 0 : i32
        %dma_wait3A_194 = tpu.memref_slice %dma_wait3A_191[%dma_wait3A_192, %dma_wait3A_193] : memref<152x128xi32, #tpu.memory_space<hbm>> -> memref<56x128xi32, #tpu.memory_space<hbm>>
        tpu.wait_dma2 semaphore(%run_scoped3A_155 : memref<!tpu.dma_semaphore, #tpu.memory_space<semaphore_mem>>) src(%dma_wait3A_194 : memref<56x128xi32, #tpu.memory_space<hbm>>) dst(%dma_wait3A_187 : memref<56x128xi32, #tpu.memory_space<vmem>>)
        tpu.yield
      }) : () -> ()
      "tpu.region"() ({
        %run_scoped3A_155 = tpu.sem_alloc : memref<!tpu.dma_semaphore, #tpu.memory_space<semaphore_mem>>
        %dma_start3A_156 = arith.constant 0 : i32
        %dma_start3A_157 = arith.constant 0 : i32
        %dma_start3A_158 = tpu.memref_slice %arg9[%dma_start3A_156, %dma_start3A_157] : memref<56x128xi32, #tpu.memory_space<vmem>> -> memref<56x128xi32, #tpu.memory_space<vmem>>
        %dma_start3A_159 = arith.constant 0 : i32
        %dma_start3A_160 = arith.constant 0 : i32
        %dma_start3A_161 = tpu.memref_slice %arg4[%arg1, %dma_start3A_159, %dma_start3A_160] : memref<16x152x128xi32, #tpu.memory_space<hbm>> -> memref<1x152x128xi32, #tpu.memory_space<hbm>>
        %dma_start3A_162 = tpu.memref_squeeze %dma_start3A_161 : memref<1x152x128xi32, #tpu.memory_space<hbm>> -> memref<152x128xi32, #tpu.memory_space<hbm>>
        %dma_start3A_163 = arith.constant 96 : i32
        %dma_start3A_164 = arith.constant 0 : i32
        %dma_start3A_165 = tpu.memref_slice %dma_start3A_162[%dma_start3A_163, %dma_start3A_164] : memref<152x128xi32, #tpu.memory_space<hbm>> -> memref<56x128xi32, #tpu.memory_space<hbm>>
        %dma_start3A_166 = arith.constant 0 : i32
        %dma_start3A_167 = arith.constant 0 : i32
        %dma_start3A_168 = tpu.memref_slice %arg9[%dma_start3A_166, %dma_start3A_167] : memref<56x128xi32, #tpu.memory_space<vmem>> -> memref<56x128xi32, #tpu.memory_space<vmem>>
        %dma_start3A_169 = arith.constant 0 : i32
        %dma_start3A_170 = arith.constant 0 : i32
        %dma_start3A_171 = tpu.memref_slice %arg4[%arg1, %dma_start3A_169, %dma_start3A_170] : memref<16x152x128xi32, #tpu.memory_space<hbm>> -> memref<1x152x128xi32, #tpu.memory_space<hbm>>
        %dma_start3A_172 = tpu.memref_squeeze %dma_start3A_171 : memref<1x152x128xi32, #tpu.memory_space<hbm>> -> memref<152x128xi32, #tpu.memory_space<hbm>>
        %dma_start3A_173 = arith.constant 96 : i32
        %dma_start3A_174 = arith.constant 0 : i32
        %dma_start3A_175 = tpu.memref_slice %dma_start3A_172[%dma_start3A_173, %dma_start3A_174] : memref<152x128xi32, #tpu.memory_space<hbm>> -> memref<56x128xi32, #tpu.memory_space<hbm>>
        tpu.enqueue_dma source(%dma_start3A_175 : memref<56x128xi32, #tpu.memory_space<hbm>>) target(%dma_start3A_168 : memref<56x128xi32, #tpu.memory_space<vmem>>) target_semaphore(%run_scoped3A_155 : memref<!tpu.dma_semaphore, #tpu.memory_space<semaphore_mem>>)
        %dma_wait3A = arith.constant 0 : i32
        %dma_wait3A_176 = arith.constant 0 : i32
        %dma_wait3A_177 = tpu.memref_slice %arg9[%dma_wait3A, %dma_wait3A_176] : memref<56x128xi32, #tpu.memory_space<vmem>> -> memref<56x128xi32, #tpu.memory_space<vmem>>
        %dma_wait3A_178 = arith.constant 0 : i32
        %dma_wait3A_179 = arith.constant 0 : i32
        %dma_wait3A_180 = tpu.memref_slice %arg4[%arg1, %dma_wait3A_178, %dma_wait3A_179] : memref<16x152x128xi32, #tpu.memory_space<hbm>> -> memref<1x152x128xi32, #tpu.memory_space<hbm>>
        %dma_wait3A_181 = tpu.memref_squeeze %dma_wait3A_180 : memref<1x152x128xi32, #tpu.memory_space<hbm>> -> memref<152x128xi32, #tpu.memory_space<hbm>>
        %dma_wait3A_182 = arith.constant 96 : i32
        %dma_wait3A_183 = arith.constant 0 : i32
        %dma_wait3A_184 = tpu.memref_slice %dma_wait3A_181[%dma_wait3A_182, %dma_wait3A_183] : memref<152x128xi32, #tpu.memory_space<hbm>> -> memref<56x128xi32, #tpu.memory_space<hbm>>
        %dma_wait3A_185 = arith.constant 0 : i32
        %dma_wait3A_186 = arith.constant 0 : i32
        %dma_wait3A_187 = tpu.memref_slice %arg9[%dma_wait3A_185, %dma_wait3A_186] : memref<56x128xi32, #tpu.memory_space<vmem>> -> memref<56x128xi32, #tpu.memory_space<vmem>>
        %dma_wait3A_188 = arith.constant 0 : i32
        %dma_wait3A_189 = arith.constant 0 : i32
        %dma_wait3A_190 = tpu.memref_slice %arg4[%arg1, %dma_wait3A_188, %dma_wait3A_189] : memref<16x152x128xi32, #tpu.memory_space<hbm>> -> memref<1x152x128xi32, #tpu.memory_space<hbm>>
        %dma_wait3A_191 = tpu.memref_squeeze %dma_wait3A_190 : memref<1x152x128xi32, #tpu.memory_space<hbm>> -> memref<152x128xi32, #tpu.memory_space<hbm>>
        %dma_wait3A_192 = arith.constant 96 : i32
        %dma_wait3A_193 = arith.constant 0 : i32
        %dma_wait3A_194 = tpu.memref_slice %dma_wait3A_191[%dma_wait3A_192, %dma_wait3A_193] : memref<152x128xi32, #tpu.memory_space<hbm>> -> memref<56x128xi32, #tpu.memory_space<hbm>>
        tpu.wait_dma2 semaphore(%run_scoped3A_155 : memref<!tpu.dma_semaphore, #tpu.memory_space<semaphore_mem>>) src(%dma_wait3A_194 : memref<56x128xi32, #tpu.memory_space<hbm>>) dst(%dma_wait3A_187 : memref<56x128xi32, #tpu.memory_space<vmem>>)
        tpu.yield
      }) : () -> ()
      %dma_start3A_125 = arith.constant 0 : i32
      %dma_start3A_126 = arith.constant 0 : i32
      %dma_start3A_127 = arith.constant 0 : i32
      %dma_start3A_128 = arith.constant 0 : i32
      %dma_start3A_129 = tpu.memref_slice %arg10[%dma_start3A_126, %dma_start3A_127, %dma_start3A_128] : memref<2x128x128xf32, #tpu.memory_space<vmem>> -> memref<1x128x128xf32, #tpu.memory_space<vmem>>
      %dma_start3A_130 = tpu.memref_squeeze %dma_start3A_129 : memref<1x128x128xf32, #tpu.memory_space<vmem>> -> memref<128x128xf32, #tpu.memory_space<vmem>>
      %dma_start3A_131 = arith.constant 0 : i32
      %dma_start3A_132 = tpu.memref_slice %arg8[%dma_start3A_125, %dma_start3A_131] : memref<56x128xi32, #tpu.memory_space<vmem>> -> memref<1x128xi32, #tpu.memory_space<vmem>>
      %dma_start3A_133 = tpu.memref_squeeze %dma_start3A_132 : memref<1x128xi32, #tpu.memory_space<vmem>> -> memref<128xi32, #tpu.memory_space<vmem>>
      %dma_start3A_134 = arith.constant 0 : i32
      %dma_start3A_135 = arith.constant 0 : i32
      %dma_start3A_136 = tpu.memref_slice %arg2[%dma_start3A_134, %dma_start3A_135] : memref<10000x128xf32, #tpu.memory_space<hbm>> -> memref<10000x128xf32, #tpu.memory_space<hbm>>
      tpu.enqueue_indirect_dma source(%dma_start3A_136 : memref<10000x128xf32, #tpu.memory_space<hbm>>) target(%dma_start3A_130 : memref<128x128xf32, #tpu.memory_space<vmem>>) offsets(%dma_start3A_133 : memref<128xi32, #tpu.memory_space<vmem>>) semaphore(%arg12 : memref<!tpu.dma_semaphore, #tpu.memory_space<semaphore_mem>>)
      %dma_start3A_137 = arith.constant 1 : i32
      %dma_start3A_138 = arith.constant 1 : i32
      %dma_start3A_139 = arith.constant 0 : i32
      %dma_start3A_140 = arith.constant 0 : i32
      %dma_start3A_141 = tpu.memref_slice %arg10[%dma_start3A_138, %dma_start3A_139, %dma_start3A_140] : memref<2x128x128xf32, #tpu.memory_space<vmem>> -> memref<1x128x128xf32, #tpu.memory_space<vmem>>
      %dma_start3A_142 = tpu.memref_squeeze %dma_start3A_141 : memref<1x128x128xf32, #tpu.memory_space<vmem>> -> memref<128x128xf32, #tpu.memory_space<vmem>>
      %dma_start3A_143 = arith.constant 0 : i32
      %dma_start3A_144 = tpu.memref_slice %arg8[%dma_start3A_137, %dma_start3A_143] : memref<56x128xi32, #tpu.memory_space<vmem>> -> memref<1x128xi32, #tpu.memory_space<vmem>>
      %dma_start3A_145 = tpu.memref_squeeze %dma_start3A_144 : memref<1x128xi32, #tpu.memory_space<vmem>> -> memref<128xi32, #tpu.memory_space<vmem>>
      %dma_start3A_146 = arith.constant 0 : i32
      %dma_start3A_147 = arith.constant 0 : i32
      %dma_start3A_148 = tpu.memref_slice %arg2[%dma_start3A_146, %dma_start3A_147] : memref<10000x128xf32, #tpu.memory_space<hbm>> -> memref<10000x128xf32, #tpu.memory_space<hbm>>
      tpu.enqueue_indirect_dma source(%dma_start3A_148 : memref<10000x128xf32, #tpu.memory_space<hbm>>) target(%dma_start3A_142 : memref<128x128xf32, #tpu.memory_space<vmem>>) offsets(%dma_start3A_145 : memref<128xi32, #tpu.memory_space<vmem>>) semaphore(%arg13 : memref<!tpu.dma_semaphore, #tpu.memory_space<semaphore_mem>>)
      %scan3A_149 = arith.constant 0 : i32
      %scan3A_150 = arith.constant 0 : i32
      %scan3A_151 = arith.constant 28 : i32
      %scan3A_152 = arith.addi %scan3A_150, %scan3A_151 : i32
      %scan3A_153 = arith.constant 1 : i32
      scf.for %scan3A_155 = %scan3A_150 to %scan3A_152 step %scan3A_153  : i32 {
        %mul3A_156 = arith.constant 2 : i32
        %mul3A_157 = arith.muli %scan3A_155, %mul3A_156 : i32
        %add3A_158 = arith.constant 0 : i32
        %add3A_159 = arith.addi %mul3A_157, %add3A_158 : i32
        %dma_wait3A = arith.constant 0 : i32
        %dma_wait3A_160 = arith.constant 0 : i32
        %dma_wait3A_161 = arith.constant 0 : i32
        %dma_wait3A_162 = tpu.memref_slice %arg10[%dma_wait3A, %dma_wait3A_160, %dma_wait3A_161] : memref<2x128x128xf32, #tpu.memory_space<vmem>> -> memref<1x128x128xf32, #tpu.memory_space<vmem>>
        %dma_wait3A_163 = tpu.memref_squeeze %dma_wait3A_162 : memref<1x128x128xf32, #tpu.memory_space<vmem>> -> memref<128x128xf32, #tpu.memory_space<vmem>>
        %dma_wait3A_164 = arith.constant 0 : i32
        %dma_wait3A_165 = tpu.memref_slice %arg8[%add3A_159, %dma_wait3A_164] : memref<56x128xi32, #tpu.memory_space<vmem>> -> memref<1x128xi32, #tpu.memory_space<vmem>>
        %dma_wait3A_166 = tpu.memref_squeeze %dma_wait3A_165 : memref<1x128xi32, #tpu.memory_space<vmem>> -> memref<128xi32, #tpu.memory_space<vmem>>
        %dma_wait3A_167 = arith.constant 0 : i32
        %dma_wait3A_168 = arith.constant 0 : i32
        %dma_wait3A_169 = tpu.memref_slice %arg2[%dma_wait3A_167, %dma_wait3A_168] : memref<10000x128xf32, #tpu.memory_space<hbm>> -> memref<10000x128xf32, #tpu.memory_space<hbm>>
        tpu.wait_indirect_dma semaphore(%arg12 : memref<!tpu.dma_semaphore, #tpu.memory_space<semaphore_mem>>) src(%dma_wait3A_169 : memref<10000x128xf32, #tpu.memory_space<hbm>>) dst(%dma_wait3A_163 : memref<128x128xf32, #tpu.memory_space<vmem>>)
        %run_scoped3A_170 = arith.constant 0 : i32
        "tpu.region"() ({
          %run_scoped3A_200 = tpu.sem_alloc : memref<!tpu.dma_semaphore, #tpu.memory_space<semaphore_mem>>
          %dma_start3A_201 = arith.constant 0 : i32
          %dma_start3A_202 = arith.constant 0 : i32
          %dma_start3A_203 = tpu.memref_slice %arg10[%run_scoped3A_170, %dma_start3A_201, %dma_start3A_202] : memref<2x128x128xf32, #tpu.memory_space<vmem>> -> memref<1x128x128xf32, #tpu.memory_space<vmem>>
          %dma_start3A_204 = tpu.memref_squeeze %dma_start3A_203 : memref<1x128x128xf32, #tpu.memory_space<vmem>> -> memref<128x128xf32, #tpu.memory_space<vmem>>
          %dma_start3A_205 = arith.constant 0 : i32
          %dma_start3A_206 = tpu.memref_slice %arg9[%add3A_159, %dma_start3A_205] : memref<56x128xi32, #tpu.memory_space<vmem>> -> memref<1x128xi32, #tpu.memory_space<vmem>>
          %dma_start3A_207 = tpu.memref_squeeze %dma_start3A_206 : memref<1x128xi32, #tpu.memory_space<vmem>> -> memref<128xi32, #tpu.memory_space<vmem>>
          %dma_start3A_208 = arith.constant 0 : i32
          %dma_start3A_209 = arith.constant 0 : i32
          %dma_start3A_210 = tpu.memref_slice %arg11[%dma_start3A_208, %dma_start3A_209] : memref<10240x128xf32, #tpu.memory_space<vmem_shared>> -> memref<10240x128xf32, #tpu.memory_space<vmem_shared>>
          tpu.enqueue_indirect_dma source(%dma_start3A_204 : memref<128x128xf32, #tpu.memory_space<vmem>>) target(%dma_start3A_210 : memref<10240x128xf32, #tpu.memory_space<vmem_shared>>) offsets(%dma_start3A_207 : memref<128xi32, #tpu.memory_space<vmem>>) semaphore(%run_scoped3A_200 : memref<!tpu.dma_semaphore, #tpu.memory_space<semaphore_mem>>) {add = true}
          %dma_wait3A_211 = arith.constant 0 : i32
          %dma_wait3A_212 = arith.constant 0 : i32
          %dma_wait3A_213 = tpu.memref_slice %arg10[%run_scoped3A_170, %dma_wait3A_211, %dma_wait3A_212] : memref<2x128x128xf32, #tpu.memory_space<vmem>> -> memref<1x128x128xf32, #tpu.memory_space<vmem>>
          %dma_wait3A_214 = tpu.memref_squeeze %dma_wait3A_213 : memref<1x128x128xf32, #tpu.memory_space<vmem>> -> memref<128x128xf32, #tpu.memory_space<vmem>>
          %dma_wait3A_215 = arith.constant 0 : i32
          %dma_wait3A_216 = tpu.memref_slice %arg9[%add3A_159, %dma_wait3A_215] : memref<56x128xi32, #tpu.memory_space<vmem>> -> memref<1x128xi32, #tpu.memory_space<vmem>>
          %dma_wait3A_217 = tpu.memref_squeeze %dma_wait3A_216 : memref<1x128xi32, #tpu.memory_space<vmem>> -> memref<128xi32, #tpu.memory_space<vmem>>
          %dma_wait3A_218 = arith.constant 0 : i32
          %dma_wait3A_219 = arith.constant 0 : i32
          %dma_wait3A_220 = tpu.memref_slice %arg11[%dma_wait3A_218, %dma_wait3A_219] : memref<10240x128xf32, #tpu.memory_space<vmem_shared>> -> memref<10240x128xf32, #tpu.memory_space<vmem_shared>>
          tpu.wait_indirect_dma semaphore(%run_scoped3A_200 : memref<!tpu.dma_semaphore, #tpu.memory_space<semaphore_mem>>) src(%dma_wait3A_214 : memref<128x128xf32, #tpu.memory_space<vmem>>) dst(%dma_wait3A_220 : memref<10240x128xf32, #tpu.memory_space<vmem_shared>>)
          tpu.yield
        }) : () -> ()
        %add3A_171 = arith.constant 2 : i32
        %add3A_172 = arith.addi %add3A_159, %add3A_171 : i32
        %lt3A = arith.constant 56 : i32
        %lt3A_173 = arith.cmpi slt, %add3A_172, %lt3A : i32
        %convert_element_type3A_174 = arith.extui %lt3A_173 : i1 to i32
        %cond3A_175 = arith.constant 0 : i32
        %cond3A_176 = arith.cmpi ne, %convert_element_type3A_174, %cond3A_175 : i32
        scf.if %cond3A_176 {
          %add3A_200 = arith.constant 2 : i32
          %add3A_201 = arith.addi %add3A_159, %add3A_200 : i32
          %dma_start3A_202 = arith.constant 0 : i32
          %dma_start3A_203 = arith.constant 0 : i32
          %dma_start3A_204 = arith.constant 0 : i32
          %dma_start3A_205 = tpu.memref_slice %arg10[%dma_start3A_202, %dma_start3A_203, %dma_start3A_204] : memref<2x128x128xf32, #tpu.memory_space<vmem>> -> memref<1x128x128xf32, #tpu.memory_space<vmem>>
          %dma_start3A_206 = tpu.memref_squeeze %dma_start3A_205 : memref<1x128x128xf32, #tpu.memory_space<vmem>> -> memref<128x128xf32, #tpu.memory_space<vmem>>
          %dma_start3A_207 = arith.constant 0 : i32
          %dma_start3A_208 = tpu.memref_slice %arg8[%add3A_201, %dma_start3A_207] : memref<56x128xi32, #tpu.memory_space<vmem>> -> memref<1x128xi32, #tpu.memory_space<vmem>>
          %dma_start3A_209 = tpu.memref_squeeze %dma_start3A_208 : memref<1x128xi32, #tpu.memory_space<vmem>> -> memref<128xi32, #tpu.memory_space<vmem>>
          %dma_start3A_210 = arith.constant 0 : i32
          %dma_start3A_211 = arith.constant 0 : i32
          %dma_start3A_212 = tpu.memref_slice %arg2[%dma_start3A_210, %dma_start3A_211] : memref<10000x128xf32, #tpu.memory_space<hbm>> -> memref<10000x128xf32, #tpu.memory_space<hbm>>
          tpu.enqueue_indirect_dma source(%dma_start3A_212 : memref<10000x128xf32, #tpu.memory_space<hbm>>) target(%dma_start3A_206 : memref<128x128xf32, #tpu.memory_space<vmem>>) offsets(%dma_start3A_209 : memref<128xi32, #tpu.memory_space<vmem>>) semaphore(%arg12 : memref<!tpu.dma_semaphore, #tpu.memory_space<semaphore_mem>>)
        } else {
        }
        %mul3A_177 = arith.constant 2 : i32
        %mul3A_178 = arith.muli %scan3A_155, %mul3A_177 : i32
        %add3A_179 = arith.constant 1 : i32
        %add3A_180 = arith.addi %mul3A_178, %add3A_179 : i32
        %dma_wait3A_181 = arith.constant 1 : i32
        %dma_wait3A_182 = arith.constant 0 : i32
        %dma_wait3A_183 = arith.constant 0 : i32
        %dma_wait3A_184 = tpu.memref_slice %arg10[%dma_wait3A_181, %dma_wait3A_182, %dma_wait3A_183] : memref<2x128x128xf32, #tpu.memory_space<vmem>> -> memref<1x128x128xf32, #tpu.memory_space<vmem>>
        %dma_wait3A_185 = tpu.memref_squeeze %dma_wait3A_184 : memref<1x128x128xf32, #tpu.memory_space<vmem>> -> memref<128x128xf32, #tpu.memory_space<vmem>>
        %dma_wait3A_186 = arith.constant 0 : i32
        %dma_wait3A_187 = tpu.memref_slice %arg8[%add3A_180, %dma_wait3A_186] : memref<56x128xi32, #tpu.memory_space<vmem>> -> memref<1x128xi32, #tpu.memory_space<vmem>>
        %dma_wait3A_188 = tpu.memref_squeeze %dma_wait3A_187 : memref<1x128xi32, #tpu.memory_space<vmem>> -> memref<128xi32, #tpu.memory_space<vmem>>
        %dma_wait3A_189 = arith.constant 0 : i32
        %dma_wait3A_190 = arith.constant 0 : i32
        %dma_wait3A_191 = tpu.memref_slice %arg2[%dma_wait3A_189, %dma_wait3A_190] : memref<10000x128xf32, #tpu.memory_space<hbm>> -> memref<10000x128xf32, #tpu.memory_space<hbm>>
        tpu.wait_indirect_dma semaphore(%arg13 : memref<!tpu.dma_semaphore, #tpu.memory_space<semaphore_mem>>) src(%dma_wait3A_191 : memref<10000x128xf32, #tpu.memory_space<hbm>>) dst(%dma_wait3A_185 : memref<128x128xf32, #tpu.memory_space<vmem>>)
        %run_scoped3A_192 = arith.constant 1 : i32
        "tpu.region"() ({
          %run_scoped3A_200 = tpu.sem_alloc : memref<!tpu.dma_semaphore, #tpu.memory_space<semaphore_mem>>
          %dma_start3A_201 = arith.constant 0 : i32
          %dma_start3A_202 = arith.constant 0 : i32
          %dma_start3A_203 = tpu.memref_slice %arg10[%run_scoped3A_192, %dma_start3A_201, %dma_start3A_202] : memref<2x128x128xf32, #tpu.memory_space<vmem>> -> memref<1x128x128xf32, #tpu.memory_space<vmem>>
          %dma_start3A_204 = tpu.memref_squeeze %dma_start3A_203 : memref<1x128x128xf32, #tpu.memory_space<vmem>> -> memref<128x128xf32, #tpu.memory_space<vmem>>
          %dma_start3A_205 = arith.constant 0 : i32
          %dma_start3A_206 = tpu.memref_slice %arg9[%add3A_180, %dma_start3A_205] : memref<56x128xi32, #tpu.memory_space<vmem>> -> memref<1x128xi32, #tpu.memory_space<vmem>>
          %dma_start3A_207 = tpu.memref_squeeze %dma_start3A_206 : memref<1x128xi32, #tpu.memory_space<vmem>> -> memref<128xi32, #tpu.memory_space<vmem>>
          %dma_start3A_208 = arith.constant 0 : i32
          %dma_start3A_209 = arith.constant 0 : i32
          %dma_start3A_210 = tpu.memref_slice %arg11[%dma_start3A_208, %dma_start3A_209] : memref<10240x128xf32, #tpu.memory_space<vmem_shared>> -> memref<10240x128xf32, #tpu.memory_space<vmem_shared>>
          tpu.enqueue_indirect_dma source(%dma_start3A_204 : memref<128x128xf32, #tpu.memory_space<vmem>>) target(%dma_start3A_210 : memref<10240x128xf32, #tpu.memory_space<vmem_shared>>) offsets(%dma_start3A_207 : memref<128xi32, #tpu.memory_space<vmem>>) semaphore(%run_scoped3A_200 : memref<!tpu.dma_semaphore, #tpu.memory_space<semaphore_mem>>) {add = true}
          %dma_wait3A_211 = arith.constant 0 : i32
          %dma_wait3A_212 = arith.constant 0 : i32
          %dma_wait3A_213 = tpu.memref_slice %arg10[%run_scoped3A_192, %dma_wait3A_211, %dma_wait3A_212] : memref<2x128x128xf32, #tpu.memory_space<vmem>> -> memref<1x128x128xf32, #tpu.memory_space<vmem>>
          %dma_wait3A_214 = tpu.memref_squeeze %dma_wait3A_213 : memref<1x128x128xf32, #tpu.memory_space<vmem>> -> memref<128x128xf32, #tpu.memory_space<vmem>>
          %dma_wait3A_215 = arith.constant 0 : i32
          %dma_wait3A_216 = tpu.memref_slice %arg9[%add3A_180, %dma_wait3A_215] : memref<56x128xi32, #tpu.memory_space<vmem>> -> memref<1x128xi32, #tpu.memory_space<vmem>>
          %dma_wait3A_217 = tpu.memref_squeeze %dma_wait3A_216 : memref<1x128xi32, #tpu.memory_space<vmem>> -> memref<128xi32, #tpu.memory_space<vmem>>
          %dma_wait3A_218 = arith.constant 0 : i32
          %dma_wait3A_219 = arith.constant 0 : i32
          %dma_wait3A_220 = tpu.memref_slice %arg11[%dma_wait3A_218, %dma_wait3A_219] : memref<10240x128xf32, #tpu.memory_space<vmem_shared>> -> memref<10240x128xf32, #tpu.memory_space<vmem_shared>>
          tpu.wait_indirect_dma semaphore(%run_scoped3A_200 : memref<!tpu.dma_semaphore, #tpu.memory_space<semaphore_mem>>) src(%dma_wait3A_214 : memref<128x128xf32, #tpu.memory_space<vmem>>) dst(%dma_wait3A_220 : memref<10240x128xf32, #tpu.memory_space<vmem_shared>>)
          tpu.yield
        }) : () -> ()
        %add3A_193 = arith.constant 2 : i32
        %add3A_194 = arith.addi %add3A_180, %add3A_193 : i32
        %lt3A_195 = arith.constant 56 : i32
        %lt3A_196 = arith.cmpi slt, %add3A_194, %lt3A_195 : i32
        %convert_element_type3A_197 = arith.extui %lt3A_196 : i1 to i32
        %cond3A_198 = arith.constant 0 : i32
        %cond3A_199 = arith.cmpi ne, %convert_element_type3A_197, %cond3A_198 : i32
        scf.if %cond3A_199 {
          %add3A_200 = arith.constant 2 : i32
          %add3A_201 = arith.addi %add3A_180, %add3A_200 : i32
          %dma_start3A_202 = arith.constant 1 : i32
          %dma_start3A_203 = arith.constant 0 : i32
          %dma_start3A_204 = arith.constant 0 : i32
          %dma_start3A_205 = tpu.memref_slice %arg10[%dma_start3A_202, %dma_start3A_203, %dma_start3A_204] : memref<2x128x128xf32, #tpu.memory_space<vmem>> -> memref<1x128x128xf32, #tpu.memory_space<vmem>>
          %dma_start3A_206 = tpu.memref_squeeze %dma_start3A_205 : memref<1x128x128xf32, #tpu.memory_space<vmem>> -> memref<128x128xf32, #tpu.memory_space<vmem>>
          %dma_start3A_207 = arith.constant 0 : i32
          %dma_start3A_208 = tpu.memref_slice %arg8[%add3A_201, %dma_start3A_207] : memref<56x128xi32, #tpu.memory_space<vmem>> -> memref<1x128xi32, #tpu.memory_space<vmem>>
          %dma_start3A_209 = tpu.memref_squeeze %dma_start3A_208 : memref<1x128xi32, #tpu.memory_space<vmem>> -> memref<128xi32, #tpu.memory_space<vmem>>
          %dma_start3A_210 = arith.constant 0 : i32
          %dma_start3A_211 = arith.constant 0 : i32
          %dma_start3A_212 = tpu.memref_slice %arg2[%dma_start3A_210, %dma_start3A_211] : memref<10000x128xf32, #tpu.memory_space<hbm>> -> memref<10000x128xf32, #tpu.memory_space<hbm>>
          tpu.enqueue_indirect_dma source(%dma_start3A_212 : memref<10000x128xf32, #tpu.memory_space<hbm>>) target(%dma_start3A_206 : memref<128x128xf32, #tpu.memory_space<vmem>>) offsets(%dma_start3A_209 : memref<128xi32, #tpu.memory_space<vmem>>) semaphore(%arg13 : memref<!tpu.dma_semaphore, #tpu.memory_space<semaphore_mem>>)
        } else {
        }
      }
      %scan3A_154 = arith.constant 28 : i32
    } else {
    }
    %eq3A_30 = arith.constant 1 : i32
    %eq3A_31 = arith.cmpi eq, %arg0, %eq3A_30 : i32
    %convert_element_type3A_32 = arith.extui %eq3A_31 : i1 to i32
    %cond3A_33 = arith.constant 0 : i32
    %cond3A_34 = arith.cmpi ne, %convert_element_type3A_32, %cond3A_33 : i32
    scf.if %cond3A_34 {
      "tpu.region"() ({
        %run_scoped3A_95 = tpu.sem_alloc : memref<!tpu.dma_semaphore, #tpu.memory_space<semaphore_mem>>
        %dma_start3A_96 = arith.constant 0 : i32
        %dma_start3A_97 = arith.constant 0 : i32
        %dma_start3A_98 = tpu.memref_slice %arg8[%dma_start3A_96, %dma_start3A_97] : memref<56x128xi32, #tpu.memory_space<vmem>> -> memref<8x128xi32, #tpu.memory_space<vmem>>
        %dma_start3A_99 = arith.constant 0 : i32
        %dma_start3A_100 = arith.constant 0 : i32
        %dma_start3A_101 = tpu.memref_slice %arg5[%arg1, %dma_start3A_99, %dma_start3A_100] : memref<16x8x128xi32, #tpu.memory_space<hbm>> -> memref<1x8x128xi32, #tpu.memory_space<hbm>>
        %dma_start3A_102 = tpu.memref_squeeze %dma_start3A_101 : memref<1x8x128xi32, #tpu.memory_space<hbm>> -> memref<8x128xi32, #tpu.memory_space<hbm>>
        %dma_start3A_103 = arith.constant 0 : i32
        %dma_start3A_104 = arith.constant 0 : i32
        %dma_start3A_105 = tpu.memref_slice %dma_start3A_102[%dma_start3A_103, %dma_start3A_104] : memref<8x128xi32, #tpu.memory_space<hbm>> -> memref<8x128xi32, #tpu.memory_space<hbm>>
        %dma_start3A_106 = arith.constant 0 : i32
        %dma_start3A_107 = arith.constant 0 : i32
        %dma_start3A_108 = tpu.memref_slice %arg8[%dma_start3A_106, %dma_start3A_107] : memref<56x128xi32, #tpu.memory_space<vmem>> -> memref<8x128xi32, #tpu.memory_space<vmem>>
        %dma_start3A_109 = arith.constant 0 : i32
        %dma_start3A_110 = arith.constant 0 : i32
        %dma_start3A_111 = tpu.memref_slice %arg5[%arg1, %dma_start3A_109, %dma_start3A_110] : memref<16x8x128xi32, #tpu.memory_space<hbm>> -> memref<1x8x128xi32, #tpu.memory_space<hbm>>
        %dma_start3A_112 = tpu.memref_squeeze %dma_start3A_111 : memref<1x8x128xi32, #tpu.memory_space<hbm>> -> memref<8x128xi32, #tpu.memory_space<hbm>>
        %dma_start3A_113 = arith.constant 0 : i32
        %dma_start3A_114 = arith.constant 0 : i32
        %dma_start3A_115 = tpu.memref_slice %dma_start3A_112[%dma_start3A_113, %dma_start3A_114] : memref<8x128xi32, #tpu.memory_space<hbm>> -> memref<8x128xi32, #tpu.memory_space<hbm>>
        tpu.enqueue_dma source(%dma_start3A_115 : memref<8x128xi32, #tpu.memory_space<hbm>>) target(%dma_start3A_108 : memref<8x128xi32, #tpu.memory_space<vmem>>) target_semaphore(%run_scoped3A_95 : memref<!tpu.dma_semaphore, #tpu.memory_space<semaphore_mem>>)
        %dma_wait3A = arith.constant 0 : i32
        %dma_wait3A_116 = arith.constant 0 : i32
        %dma_wait3A_117 = tpu.memref_slice %arg8[%dma_wait3A, %dma_wait3A_116] : memref<56x128xi32, #tpu.memory_space<vmem>> -> memref<8x128xi32, #tpu.memory_space<vmem>>
        %dma_wait3A_118 = arith.constant 0 : i32
        %dma_wait3A_119 = arith.constant 0 : i32
        %dma_wait3A_120 = tpu.memref_slice %arg5[%arg1, %dma_wait3A_118, %dma_wait3A_119] : memref<16x8x128xi32, #tpu.memory_space<hbm>> -> memref<1x8x128xi32, #tpu.memory_space<hbm>>
        %dma_wait3A_121 = tpu.memref_squeeze %dma_wait3A_120 : memref<1x8x128xi32, #tpu.memory_space<hbm>> -> memref<8x128xi32, #tpu.memory_space<hbm>>
        %dma_wait3A_122 = arith.constant 0 : i32
        %dma_wait3A_123 = arith.constant 0 : i32
        %dma_wait3A_124 = tpu.memref_slice %dma_wait3A_121[%dma_wait3A_122, %dma_wait3A_123] : memref<8x128xi32, #tpu.memory_space<hbm>> -> memref<8x128xi32, #tpu.memory_space<hbm>>
        %dma_wait3A_125 = arith.constant 0 : i32
        %dma_wait3A_126 = arith.constant 0 : i32
        %dma_wait3A_127 = tpu.memref_slice %arg8[%dma_wait3A_125, %dma_wait3A_126] : memref<56x128xi32, #tpu.memory_space<vmem>> -> memref<8x128xi32, #tpu.memory_space<vmem>>
        %dma_wait3A_128 = arith.constant 0 : i32
        %dma_wait3A_129 = arith.constant 0 : i32
        %dma_wait3A_130 = tpu.memref_slice %arg5[%arg1, %dma_wait3A_128, %dma_wait3A_129] : memref<16x8x128xi32, #tpu.memory_space<hbm>> -> memref<1x8x128xi32, #tpu.memory_space<hbm>>
        %dma_wait3A_131 = tpu.memref_squeeze %dma_wait3A_130 : memref<1x8x128xi32, #tpu.memory_space<hbm>> -> memref<8x128xi32, #tpu.memory_space<hbm>>
        %dma_wait3A_132 = arith.constant 0 : i32
        %dma_wait3A_133 = arith.constant 0 : i32
        %dma_wait3A_134 = tpu.memref_slice %dma_wait3A_131[%dma_wait3A_132, %dma_wait3A_133] : memref<8x128xi32, #tpu.memory_space<hbm>> -> memref<8x128xi32, #tpu.memory_space<hbm>>
        tpu.wait_dma2 semaphore(%run_scoped3A_95 : memref<!tpu.dma_semaphore, #tpu.memory_space<semaphore_mem>>) src(%dma_wait3A_134 : memref<8x128xi32, #tpu.memory_space<hbm>>) dst(%dma_wait3A_127 : memref<8x128xi32, #tpu.memory_space<vmem>>)
        tpu.yield
      }) : () -> ()
      "tpu.region"() ({
        %run_scoped3A_95 = tpu.sem_alloc : memref<!tpu.dma_semaphore, #tpu.memory_space<semaphore_mem>>
        %dma_start3A_96 = arith.constant 0 : i32
        %dma_start3A_97 = arith.constant 0 : i32
        %dma_start3A_98 = tpu.memref_slice %arg9[%dma_start3A_96, %dma_start3A_97] : memref<56x128xi32, #tpu.memory_space<vmem>> -> memref<8x128xi32, #tpu.memory_space<vmem>>
        %dma_start3A_99 = arith.constant 0 : i32
        %dma_start3A_100 = arith.constant 0 : i32
        %dma_start3A_101 = tpu.memref_slice %arg6[%arg1, %dma_start3A_99, %dma_start3A_100] : memref<16x8x128xi32, #tpu.memory_space<hbm>> -> memref<1x8x128xi32, #tpu.memory_space<hbm>>
        %dma_start3A_102 = tpu.memref_squeeze %dma_start3A_101 : memref<1x8x128xi32, #tpu.memory_space<hbm>> -> memref<8x128xi32, #tpu.memory_space<hbm>>
        %dma_start3A_103 = arith.constant 0 : i32
        %dma_start3A_104 = arith.constant 0 : i32
        %dma_start3A_105 = tpu.memref_slice %dma_start3A_102[%dma_start3A_103, %dma_start3A_104] : memref<8x128xi32, #tpu.memory_space<hbm>> -> memref<8x128xi32, #tpu.memory_space<hbm>>
        %dma_start3A_106 = arith.constant 0 : i32
        %dma_start3A_107 = arith.constant 0 : i32
        %dma_start3A_108 = tpu.memref_slice %arg9[%dma_start3A_106, %dma_start3A_107] : memref<56x128xi32, #tpu.memory_space<vmem>> -> memref<8x128xi32, #tpu.memory_space<vmem>>
        %dma_start3A_109 = arith.constant 0 : i32
        %dma_start3A_110 = arith.constant 0 : i32
        %dma_start3A_111 = tpu.memref_slice %arg6[%arg1, %dma_start3A_109, %dma_start3A_110] : memref<16x8x128xi32, #tpu.memory_space<hbm>> -> memref<1x8x128xi32, #tpu.memory_space<hbm>>
        %dma_start3A_112 = tpu.memref_squeeze %dma_start3A_111 : memref<1x8x128xi32, #tpu.memory_space<hbm>> -> memref<8x128xi32, #tpu.memory_space<hbm>>
        %dma_start3A_113 = arith.constant 0 : i32
        %dma_start3A_114 = arith.constant 0 : i32
        %dma_start3A_115 = tpu.memref_slice %dma_start3A_112[%dma_start3A_113, %dma_start3A_114] : memref<8x128xi32, #tpu.memory_space<hbm>> -> memref<8x128xi32, #tpu.memory_space<hbm>>
        tpu.enqueue_dma source(%dma_start3A_115 : memref<8x128xi32, #tpu.memory_space<hbm>>) target(%dma_start3A_108 : memref<8x128xi32, #tpu.memory_space<vmem>>) target_semaphore(%run_scoped3A_95 : memref<!tpu.dma_semaphore, #tpu.memory_space<semaphore_mem>>)
        %dma_wait3A = arith.constant 0 : i32
        %dma_wait3A_116 = arith.constant 0 : i32
        %dma_wait3A_117 = tpu.memref_slice %arg9[%dma_wait3A, %dma_wait3A_116] : memref<56x128xi32, #tpu.memory_space<vmem>> -> memref<8x128xi32, #tpu.memory_space<vmem>>
        %dma_wait3A_118 = arith.constant 0 : i32
        %dma_wait3A_119 = arith.constant 0 : i32
        %dma_wait3A_120 = tpu.memref_slice %arg6[%arg1, %dma_wait3A_118, %dma_wait3A_119] : memref<16x8x128xi32, #tpu.memory_space<hbm>> -> memref<1x8x128xi32, #tpu.memory_space<hbm>>
        %dma_wait3A_121 = tpu.memref_squeeze %dma_wait3A_120 : memref<1x8x128xi32, #tpu.memory_space<hbm>> -> memref<8x128xi32, #tpu.memory_space<hbm>>
        %dma_wait3A_122 = arith.constant 0 : i32
        %dma_wait3A_123 = arith.constant 0 : i32
        %dma_wait3A_124 = tpu.memref_slice %dma_wait3A_121[%dma_wait3A_122, %dma_wait3A_123] : memref<8x128xi32, #tpu.memory_space<hbm>> -> memref<8x128xi32, #tpu.memory_space<hbm>>
        %dma_wait3A_125 = arith.constant 0 : i32
        %dma_wait3A_126 = arith.constant 0 : i32
        %dma_wait3A_127 = tpu.memref_slice %arg9[%dma_wait3A_125, %dma_wait3A_126] : memref<56x128xi32, #tpu.memory_space<vmem>> -> memref<8x128xi32, #tpu.memory_space<vmem>>
        %dma_wait3A_128 = arith.constant 0 : i32
        %dma_wait3A_129 = arith.constant 0 : i32
        %dma_wait3A_130 = tpu.memref_slice %arg6[%arg1, %dma_wait3A_128, %dma_wait3A_129] : memref<16x8x128xi32, #tpu.memory_space<hbm>> -> memref<1x8x128xi32, #tpu.memory_space<hbm>>
        %dma_wait3A_131 = tpu.memref_squeeze %dma_wait3A_130 : memref<1x8x128xi32, #tpu.memory_space<hbm>> -> memref<8x128xi32, #tpu.memory_space<hbm>>
        %dma_wait3A_132 = arith.constant 0 : i32
        %dma_wait3A_133 = arith.constant 0 : i32
        %dma_wait3A_134 = tpu.memref_slice %dma_wait3A_131[%dma_wait3A_132, %dma_wait3A_133] : memref<8x128xi32, #tpu.memory_space<hbm>> -> memref<8x128xi32, #tpu.memory_space<hbm>>
        tpu.wait_dma2 semaphore(%run_scoped3A_95 : memref<!tpu.dma_semaphore, #tpu.memory_space<semaphore_mem>>) src(%dma_wait3A_134 : memref<8x128xi32, #tpu.memory_space<hbm>>) dst(%dma_wait3A_127 : memref<8x128xi32, #tpu.memory_space<vmem>>)
        tpu.yield
      }) : () -> ()
      %dma_start3A = arith.constant 0 : i32
      %dma_start3A_66 = arith.constant 0 : i32
      %dma_start3A_67 = arith.constant 0 : i32
      %dma_start3A_68 = arith.constant 0 : i32
      %dma_start3A_69 = tpu.memref_slice %arg10[%dma_start3A_66, %dma_start3A_67, %dma_start3A_68] : memref<2x128x128xf32, #tpu.memory_space<vmem>> -> memref<1x128x128xf32, #tpu.memory_space<vmem>>
      %dma_start3A_70 = tpu.memref_squeeze %dma_start3A_69 : memref<1x128x128xf32, #tpu.memory_space<vmem>> -> memref<128x128xf32, #tpu.memory_space<vmem>>
      %dma_start3A_71 = arith.constant 0 : i32
      %dma_start3A_72 = tpu.memref_slice %arg8[%dma_start3A, %dma_start3A_71] : memref<56x128xi32, #tpu.memory_space<vmem>> -> memref<1x128xi32, #tpu.memory_space<vmem>>
      %dma_start3A_73 = tpu.memref_squeeze %dma_start3A_72 : memref<1x128xi32, #tpu.memory_space<vmem>> -> memref<128xi32, #tpu.memory_space<vmem>>
      %dma_start3A_74 = arith.constant 0 : i32
      %dma_start3A_75 = arith.constant 0 : i32
      %dma_start3A_76 = tpu.memref_slice %arg2[%dma_start3A_74, %dma_start3A_75] : memref<10000x128xf32, #tpu.memory_space<hbm>> -> memref<10000x128xf32, #tpu.memory_space<hbm>>
      tpu.enqueue_indirect_dma source(%dma_start3A_76 : memref<10000x128xf32, #tpu.memory_space<hbm>>) target(%dma_start3A_70 : memref<128x128xf32, #tpu.memory_space<vmem>>) offsets(%dma_start3A_73 : memref<128xi32, #tpu.memory_space<vmem>>) semaphore(%arg12 : memref<!tpu.dma_semaphore, #tpu.memory_space<semaphore_mem>>)
      %dma_start3A_77 = arith.constant 1 : i32
      %dma_start3A_78 = arith.constant 1 : i32
      %dma_start3A_79 = arith.constant 0 : i32
      %dma_start3A_80 = arith.constant 0 : i32
      %dma_start3A_81 = tpu.memref_slice %arg10[%dma_start3A_78, %dma_start3A_79, %dma_start3A_80] : memref<2x128x128xf32, #tpu.memory_space<vmem>> -> memref<1x128x128xf32, #tpu.memory_space<vmem>>
      %dma_start3A_82 = tpu.memref_squeeze %dma_start3A_81 : memref<1x128x128xf32, #tpu.memory_space<vmem>> -> memref<128x128xf32, #tpu.memory_space<vmem>>
      %dma_start3A_83 = arith.constant 0 : i32
      %dma_start3A_84 = tpu.memref_slice %arg8[%dma_start3A_77, %dma_start3A_83] : memref<56x128xi32, #tpu.memory_space<vmem>> -> memref<1x128xi32, #tpu.memory_space<vmem>>
      %dma_start3A_85 = tpu.memref_squeeze %dma_start3A_84 : memref<1x128xi32, #tpu.memory_space<vmem>> -> memref<128xi32, #tpu.memory_space<vmem>>
      %dma_start3A_86 = arith.constant 0 : i32
      %dma_start3A_87 = arith.constant 0 : i32
      %dma_start3A_88 = tpu.memref_slice %arg2[%dma_start3A_86, %dma_start3A_87] : memref<10000x128xf32, #tpu.memory_space<hbm>> -> memref<10000x128xf32, #tpu.memory_space<hbm>>
      tpu.enqueue_indirect_dma source(%dma_start3A_88 : memref<10000x128xf32, #tpu.memory_space<hbm>>) target(%dma_start3A_82 : memref<128x128xf32, #tpu.memory_space<vmem>>) offsets(%dma_start3A_85 : memref<128xi32, #tpu.memory_space<vmem>>) semaphore(%arg13 : memref<!tpu.dma_semaphore, #tpu.memory_space<semaphore_mem>>)
      %scan3A_89 = arith.constant 0 : i32
      %scan3A_90 = arith.constant 0 : i32
      %scan3A_91 = arith.constant 4 : i32
      %scan3A_92 = arith.addi %scan3A_90, %scan3A_91 : i32
      %scan3A_93 = arith.constant 1 : i32
      scf.for %scan3A_95 = %scan3A_90 to %scan3A_92 step %scan3A_93  : i32 {
        %mul3A_96 = arith.constant 2 : i32
        %mul3A_97 = arith.muli %scan3A_95, %mul3A_96 : i32
        %add3A_98 = arith.constant 0 : i32
        %add3A_99 = arith.addi %mul3A_97, %add3A_98 : i32
        %dma_wait3A = arith.constant 0 : i32
        %dma_wait3A_100 = arith.constant 0 : i32
        %dma_wait3A_101 = arith.constant 0 : i32
        %dma_wait3A_102 = tpu.memref_slice %arg10[%dma_wait3A, %dma_wait3A_100, %dma_wait3A_101] : memref<2x128x128xf32, #tpu.memory_space<vmem>> -> memref<1x128x128xf32, #tpu.memory_space<vmem>>
        %dma_wait3A_103 = tpu.memref_squeeze %dma_wait3A_102 : memref<1x128x128xf32, #tpu.memory_space<vmem>> -> memref<128x128xf32, #tpu.memory_space<vmem>>
        %dma_wait3A_104 = arith.constant 0 : i32
        %dma_wait3A_105 = tpu.memref_slice %arg8[%add3A_99, %dma_wait3A_104] : memref<56x128xi32, #tpu.memory_space<vmem>> -> memref<1x128xi32, #tpu.memory_space<vmem>>
        %dma_wait3A_106 = tpu.memref_squeeze %dma_wait3A_105 : memref<1x128xi32, #tpu.memory_space<vmem>> -> memref<128xi32, #tpu.memory_space<vmem>>
        %dma_wait3A_107 = arith.constant 0 : i32
        %dma_wait3A_108 = arith.constant 0 : i32
        %dma_wait3A_109 = tpu.memref_slice %arg2[%dma_wait3A_107, %dma_wait3A_108] : memref<10000x128xf32, #tpu.memory_space<hbm>> -> memref<10000x128xf32, #tpu.memory_space<hbm>>
        tpu.wait_indirect_dma semaphore(%arg12 : memref<!tpu.dma_semaphore, #tpu.memory_space<semaphore_mem>>) src(%dma_wait3A_109 : memref<10000x128xf32, #tpu.memory_space<hbm>>) dst(%dma_wait3A_103 : memref<128x128xf32, #tpu.memory_space<vmem>>)
        %run_scoped3A_110 = arith.constant 0 : i32
        "tpu.region"() ({
          %run_scoped3A_140 = tpu.sem_alloc : memref<!tpu.dma_semaphore, #tpu.memory_space<semaphore_mem>>
          %dma_start3A_141 = arith.constant 0 : i32
          %dma_start3A_142 = arith.constant 0 : i32
          %dma_start3A_143 = tpu.memref_slice %arg10[%run_scoped3A_110, %dma_start3A_141, %dma_start3A_142] : memref<2x128x128xf32, #tpu.memory_space<vmem>> -> memref<1x128x128xf32, #tpu.memory_space<vmem>>
          %dma_start3A_144 = tpu.memref_squeeze %dma_start3A_143 : memref<1x128x128xf32, #tpu.memory_space<vmem>> -> memref<128x128xf32, #tpu.memory_space<vmem>>
          %dma_start3A_145 = arith.constant 0 : i32
          %dma_start3A_146 = tpu.memref_slice %arg9[%add3A_99, %dma_start3A_145] : memref<56x128xi32, #tpu.memory_space<vmem>> -> memref<1x128xi32, #tpu.memory_space<vmem>>
          %dma_start3A_147 = tpu.memref_squeeze %dma_start3A_146 : memref<1x128xi32, #tpu.memory_space<vmem>> -> memref<128xi32, #tpu.memory_space<vmem>>
          %dma_start3A_148 = arith.constant 0 : i32
          %dma_start3A_149 = arith.constant 0 : i32
          %dma_start3A_150 = tpu.memref_slice %arg11[%dma_start3A_148, %dma_start3A_149] : memref<10240x128xf32, #tpu.memory_space<vmem_shared>> -> memref<10240x128xf32, #tpu.memory_space<vmem_shared>>
          tpu.enqueue_indirect_dma source(%dma_start3A_144 : memref<128x128xf32, #tpu.memory_space<vmem>>) target(%dma_start3A_150 : memref<10240x128xf32, #tpu.memory_space<vmem_shared>>) offsets(%dma_start3A_147 : memref<128xi32, #tpu.memory_space<vmem>>) semaphore(%run_scoped3A_140 : memref<!tpu.dma_semaphore, #tpu.memory_space<semaphore_mem>>) {add = true}
          %dma_wait3A_151 = arith.constant 0 : i32
          %dma_wait3A_152 = arith.constant 0 : i32
          %dma_wait3A_153 = tpu.memref_slice %arg10[%run_scoped3A_110, %dma_wait3A_151, %dma_wait3A_152] : memref<2x128x128xf32, #tpu.memory_space<vmem>> -> memref<1x128x128xf32, #tpu.memory_space<vmem>>
          %dma_wait3A_154 = tpu.memref_squeeze %dma_wait3A_153 : memref<1x128x128xf32, #tpu.memory_space<vmem>> -> memref<128x128xf32, #tpu.memory_space<vmem>>
          %dma_wait3A_155 = arith.constant 0 : i32
          %dma_wait3A_156 = tpu.memref_slice %arg9[%add3A_99, %dma_wait3A_155] : memref<56x128xi32, #tpu.memory_space<vmem>> -> memref<1x128xi32, #tpu.memory_space<vmem>>
          %dma_wait3A_157 = tpu.memref_squeeze %dma_wait3A_156 : memref<1x128xi32, #tpu.memory_space<vmem>> -> memref<128xi32, #tpu.memory_space<vmem>>
          %dma_wait3A_158 = arith.constant 0 : i32
          %dma_wait3A_159 = arith.constant 0 : i32
          %dma_wait3A_160 = tpu.memref_slice %arg11[%dma_wait3A_158, %dma_wait3A_159] : memref<10240x128xf32, #tpu.memory_space<vmem_shared>> -> memref<10240x128xf32, #tpu.memory_space<vmem_shared>>
          tpu.wait_indirect_dma semaphore(%run_scoped3A_140 : memref<!tpu.dma_semaphore, #tpu.memory_space<semaphore_mem>>) src(%dma_wait3A_154 : memref<128x128xf32, #tpu.memory_space<vmem>>) dst(%dma_wait3A_160 : memref<10240x128xf32, #tpu.memory_space<vmem_shared>>)
          tpu.yield
        }) : () -> ()
        %add3A_111 = arith.constant 2 : i32
        %add3A_112 = arith.addi %add3A_99, %add3A_111 : i32
        %lt3A = arith.constant 8 : i32
        %lt3A_113 = arith.cmpi slt, %add3A_112, %lt3A : i32
        %convert_element_type3A_114 = arith.extui %lt3A_113 : i1 to i32
        %cond3A_115 = arith.constant 0 : i32
        %cond3A_116 = arith.cmpi ne, %convert_element_type3A_114, %cond3A_115 : i32
        scf.if %cond3A_116 {
          %add3A_140 = arith.constant 2 : i32
          %add3A_141 = arith.addi %add3A_99, %add3A_140 : i32
          %dma_start3A_142 = arith.constant 0 : i32
          %dma_start3A_143 = arith.constant 0 : i32
          %dma_start3A_144 = arith.constant 0 : i32
          %dma_start3A_145 = tpu.memref_slice %arg10[%dma_start3A_142, %dma_start3A_143, %dma_start3A_144] : memref<2x128x128xf32, #tpu.memory_space<vmem>> -> memref<1x128x128xf32, #tpu.memory_space<vmem>>
          %dma_start3A_146 = tpu.memref_squeeze %dma_start3A_145 : memref<1x128x128xf32, #tpu.memory_space<vmem>> -> memref<128x128xf32, #tpu.memory_space<vmem>>
          %dma_start3A_147 = arith.constant 0 : i32
          %dma_start3A_148 = tpu.memref_slice %arg8[%add3A_141, %dma_start3A_147] : memref<56x128xi32, #tpu.memory_space<vmem>> -> memref<1x128xi32, #tpu.memory_space<vmem>>
          %dma_start3A_149 = tpu.memref_squeeze %dma_start3A_148 : memref<1x128xi32, #tpu.memory_space<vmem>> -> memref<128xi32, #tpu.memory_space<vmem>>
          %dma_start3A_150 = arith.constant 0 : i32
          %dma_start3A_151 = arith.constant 0 : i32
          %dma_start3A_152 = tpu.memref_slice %arg2[%dma_start3A_150, %dma_start3A_151] : memref<10000x128xf32, #tpu.memory_space<hbm>> -> memref<10000x128xf32, #tpu.memory_space<hbm>>
          tpu.enqueue_indirect_dma source(%dma_start3A_152 : memref<10000x128xf32, #tpu.memory_space<hbm>>) target(%dma_start3A_146 : memref<128x128xf32, #tpu.memory_space<vmem>>) offsets(%dma_start3A_149 : memref<128xi32, #tpu.memory_space<vmem>>) semaphore(%arg12 : memref<!tpu.dma_semaphore, #tpu.memory_space<semaphore_mem>>)
        } else {
        }
        %mul3A_117 = arith.constant 2 : i32
        %mul3A_118 = arith.muli %scan3A_95, %mul3A_117 : i32
        %add3A_119 = arith.constant 1 : i32
        %add3A_120 = arith.addi %mul3A_118, %add3A_119 : i32
        %dma_wait3A_121 = arith.constant 1 : i32
        %dma_wait3A_122 = arith.constant 0 : i32
        %dma_wait3A_123 = arith.constant 0 : i32
        %dma_wait3A_124 = tpu.memref_slice %arg10[%dma_wait3A_121, %dma_wait3A_122, %dma_wait3A_123] : memref<2x128x128xf32, #tpu.memory_space<vmem>> -> memref<1x128x128xf32, #tpu.memory_space<vmem>>
        %dma_wait3A_125 = tpu.memref_squeeze %dma_wait3A_124 : memref<1x128x128xf32, #tpu.memory_space<vmem>> -> memref<128x128xf32, #tpu.memory_space<vmem>>
        %dma_wait3A_126 = arith.constant 0 : i32
        %dma_wait3A_127 = tpu.memref_slice %arg8[%add3A_120, %dma_wait3A_126] : memref<56x128xi32, #tpu.memory_space<vmem>> -> memref<1x128xi32, #tpu.memory_space<vmem>>
        %dma_wait3A_128 = tpu.memref_squeeze %dma_wait3A_127 : memref<1x128xi32, #tpu.memory_space<vmem>> -> memref<128xi32, #tpu.memory_space<vmem>>
        %dma_wait3A_129 = arith.constant 0 : i32
        %dma_wait3A_130 = arith.constant 0 : i32
        %dma_wait3A_131 = tpu.memref_slice %arg2[%dma_wait3A_129, %dma_wait3A_130] : memref<10000x128xf32, #tpu.memory_space<hbm>> -> memref<10000x128xf32, #tpu.memory_space<hbm>>
        tpu.wait_indirect_dma semaphore(%arg13 : memref<!tpu.dma_semaphore, #tpu.memory_space<semaphore_mem>>) src(%dma_wait3A_131 : memref<10000x128xf32, #tpu.memory_space<hbm>>) dst(%dma_wait3A_125 : memref<128x128xf32, #tpu.memory_space<vmem>>)
        %run_scoped3A_132 = arith.constant 1 : i32
        "tpu.region"() ({
          %run_scoped3A_140 = tpu.sem_alloc : memref<!tpu.dma_semaphore, #tpu.memory_space<semaphore_mem>>
          %dma_start3A_141 = arith.constant 0 : i32
          %dma_start3A_142 = arith.constant 0 : i32
          %dma_start3A_143 = tpu.memref_slice %arg10[%run_scoped3A_132, %dma_start3A_141, %dma_start3A_142] : memref<2x128x128xf32, #tpu.memory_space<vmem>> -> memref<1x128x128xf32, #tpu.memory_space<vmem>>
          %dma_start3A_144 = tpu.memref_squeeze %dma_start3A_143 : memref<1x128x128xf32, #tpu.memory_space<vmem>> -> memref<128x128xf32, #tpu.memory_space<vmem>>
          %dma_start3A_145 = arith.constant 0 : i32
          %dma_start3A_146 = tpu.memref_slice %arg9[%add3A_120, %dma_start3A_145] : memref<56x128xi32, #tpu.memory_space<vmem>> -> memref<1x128xi32, #tpu.memory_space<vmem>>
          %dma_start3A_147 = tpu.memref_squeeze %dma_start3A_146 : memref<1x128xi32, #tpu.memory_space<vmem>> -> memref<128xi32, #tpu.memory_space<vmem>>
          %dma_start3A_148 = arith.constant 0 : i32
          %dma_start3A_149 = arith.constant 0 : i32
          %dma_start3A_150 = tpu.memref_slice %arg11[%dma_start3A_148, %dma_start3A_149] : memref<10240x128xf32, #tpu.memory_space<vmem_shared>> -> memref<10240x128xf32, #tpu.memory_space<vmem_shared>>
          tpu.enqueue_indirect_dma source(%dma_start3A_144 : memref<128x128xf32, #tpu.memory_space<vmem>>) target(%dma_start3A_150 : memref<10240x128xf32, #tpu.memory_space<vmem_shared>>) offsets(%dma_start3A_147 : memref<128xi32, #tpu.memory_space<vmem>>) semaphore(%run_scoped3A_140 : memref<!tpu.dma_semaphore, #tpu.memory_space<semaphore_mem>>) {add = true}
          %dma_wait3A_151 = arith.constant 0 : i32
          %dma_wait3A_152 = arith.constant 0 : i32
          %dma_wait3A_153 = tpu.memref_slice %arg10[%run_scoped3A_132, %dma_wait3A_151, %dma_wait3A_152] : memref<2x128x128xf32, #tpu.memory_space<vmem>> -> memref<1x128x128xf32, #tpu.memory_space<vmem>>
          %dma_wait3A_154 = tpu.memref_squeeze %dma_wait3A_153 : memref<1x128x128xf32, #tpu.memory_space<vmem>> -> memref<128x128xf32, #tpu.memory_space<vmem>>
          %dma_wait3A_155 = arith.constant 0 : i32
          %dma_wait3A_156 = tpu.memref_slice %arg9[%add3A_120, %dma_wait3A_155] : memref<56x128xi32, #tpu.memory_space<vmem>> -> memref<1x128xi32, #tpu.memory_space<vmem>>
          %dma_wait3A_157 = tpu.memref_squeeze %dma_wait3A_156 : memref<1x128xi32, #tpu.memory_space<vmem>> -> memref<128xi32, #tpu.memory_space<vmem>>
          %dma_wait3A_158 = arith.constant 0 : i32
          %dma_wait3A_159 = arith.constant 0 : i32
          %dma_wait3A_160 = tpu.memref_slice %arg11[%dma_wait3A_158, %dma_wait3A_159] : memref<10240x128xf32, #tpu.memory_space<vmem_shared>> -> memref<10240x128xf32, #tpu.memory_space<vmem_shared>>
          tpu.wait_indirect_dma semaphore(%run_scoped3A_140 : memref<!tpu.dma_semaphore, #tpu.memory_space<semaphore_mem>>) src(%dma_wait3A_154 : memref<128x128xf32, #tpu.memory_space<vmem>>) dst(%dma_wait3A_160 : memref<10240x128xf32, #tpu.memory_space<vmem_shared>>)
          tpu.yield
        }) : () -> ()
        %add3A_133 = arith.constant 2 : i32
        %add3A_134 = arith.addi %add3A_120, %add3A_133 : i32
        %lt3A_135 = arith.constant 8 : i32
        %lt3A_136 = arith.cmpi slt, %add3A_134, %lt3A_135 : i32
        %convert_element_type3A_137 = arith.extui %lt3A_136 : i1 to i32
        %cond3A_138 = arith.constant 0 : i32
        %cond3A_139 = arith.cmpi ne, %convert_element_type3A_137, %cond3A_138 : i32
        scf.if %cond3A_139 {
          %add3A_140 = arith.constant 2 : i32
          %add3A_141 = arith.addi %add3A_120, %add3A_140 : i32
          %dma_start3A_142 = arith.constant 1 : i32
          %dma_start3A_143 = arith.constant 0 : i32
          %dma_start3A_144 = arith.constant 0 : i32
          %dma_start3A_145 = tpu.memref_slice %arg10[%dma_start3A_142, %dma_start3A_143, %dma_start3A_144] : memref<2x128x128xf32, #tpu.memory_space<vmem>> -> memref<1x128x128xf32, #tpu.memory_space<vmem>>
          %dma_start3A_146 = tpu.memref_squeeze %dma_start3A_145 : memref<1x128x128xf32, #tpu.memory_space<vmem>> -> memref<128x128xf32, #tpu.memory_space<vmem>>
          %dma_start3A_147 = arith.constant 0 : i32
          %dma_start3A_148 = tpu.memref_slice %arg8[%add3A_141, %dma_start3A_147] : memref<56x128xi32, #tpu.memory_space<vmem>> -> memref<1x128xi32, #tpu.memory_space<vmem>>
          %dma_start3A_149 = tpu.memref_squeeze %dma_start3A_148 : memref<1x128xi32, #tpu.memory_space<vmem>> -> memref<128xi32, #tpu.memory_space<vmem>>
          %dma_start3A_150 = arith.constant 0 : i32
          %dma_start3A_151 = arith.constant 0 : i32
          %dma_start3A_152 = tpu.memref_slice %arg2[%dma_start3A_150, %dma_start3A_151] : memref<10000x128xf32, #tpu.memory_space<hbm>> -> memref<10000x128xf32, #tpu.memory_space<hbm>>
          tpu.enqueue_indirect_dma source(%dma_start3A_152 : memref<10000x128xf32, #tpu.memory_space<hbm>>) target(%dma_start3A_146 : memref<128x128xf32, #tpu.memory_space<vmem>>) offsets(%dma_start3A_149 : memref<128xi32, #tpu.memory_space<vmem>>) semaphore(%arg13 : memref<!tpu.dma_semaphore, #tpu.memory_space<semaphore_mem>>)
        } else {
        }
      }
      %scan3A_94 = arith.constant 4 : i32
    } else {
    }
    %barrier3A_35 = arith.constant 0 : index
    tpu.barrier barrier_id(%barrier3A_35)
    %mul3A_36 = arith.constant 640 : i32
    %mul3A_37 = arith.muli %arg1, %mul3A_36 : i32
    %add3A_38 = arith.constant 0 : i32
    %add3A_39 = arith.addi %mul3A_37, %add3A_38 : i32
    %run_scoped3A_40 = arith.constant 0 : i32
    "tpu.region"() ({
      %run_scoped3A_66 = tpu.sem_alloc : memref<!tpu.dma_semaphore, #tpu.memory_space<semaphore_mem>>
      %dma_start3A = arith.constant 0 : i32
      %dma_start3A_67 = arith.constant 0 : i32
      %dma_start3A_68 = tpu.memref_slice %arg10[%run_scoped3A_40, %dma_start3A, %dma_start3A_67] : memref<2x128x128xf32, #tpu.memory_space<vmem>> -> memref<1x128x128xf32, #tpu.memory_space<vmem>>
      %dma_start3A_69 = tpu.memref_squeeze %dma_start3A_68 : memref<1x128x128xf32, #tpu.memory_space<vmem>> -> memref<128x128xf32, #tpu.memory_space<vmem>>
      %dma_start3A_70 = arith.constant 0 : i32
      %dma_start3A_71 = tpu.memref_slice %arg11[%add3A_39, %dma_start3A_70] : memref<10240x128xf32, #tpu.memory_space<vmem_shared>> -> memref<128x128xf32, #tpu.memory_space<vmem_shared>>
      %dma_start3A_72 = arith.constant 0 : i32
      %dma_start3A_73 = arith.constant 0 : i32
      %dma_start3A_74 = tpu.memref_slice %arg10[%run_scoped3A_40, %dma_start3A_72, %dma_start3A_73] : memref<2x128x128xf32, #tpu.memory_space<vmem>> -> memref<1x128x128xf32, #tpu.memory_space<vmem>>
      %dma_start3A_75 = tpu.memref_squeeze %dma_start3A_74 : memref<1x128x128xf32, #tpu.memory_space<vmem>> -> memref<128x128xf32, #tpu.memory_space<vmem>>
      %dma_start3A_76 = arith.constant 0 : i32
      %dma_start3A_77 = tpu.memref_slice %arg11[%add3A_39, %dma_start3A_76] : memref<10240x128xf32, #tpu.memory_space<vmem_shared>> -> memref<128x128xf32, #tpu.memory_space<vmem_shared>>
      tpu.enqueue_dma source(%dma_start3A_77 : memref<128x128xf32, #tpu.memory_space<vmem_shared>>) target(%dma_start3A_75 : memref<128x128xf32, #tpu.memory_space<vmem>>) target_semaphore(%run_scoped3A_66 : memref<!tpu.dma_semaphore, #tpu.memory_space<semaphore_mem>>)
      %dma_wait3A = arith.constant 0 : i32
      %dma_wait3A_78 = arith.constant 0 : i32
      %dma_wait3A_79 = tpu.memref_slice %arg10[%run_scoped3A_40, %dma_wait3A, %dma_wait3A_78] : memref<2x128x128xf32, #tpu.memory_space<vmem>> -> memref<1x128x128xf32, #tpu.memory_space<vmem>>
      %dma_wait3A_80 = tpu.memref_squeeze %dma_wait3A_79 : memref<1x128x128xf32, #tpu.memory_space<vmem>> -> memref<128x128xf32, #tpu.memory_space<vmem>>
      %dma_wait3A_81 = arith.constant 0 : i32
      %dma_wait3A_82 = tpu.memref_slice %arg11[%add3A_39, %dma_wait3A_81] : memref<10240x128xf32, #tpu.memory_space<vmem_shared>> -> memref<128x128xf32, #tpu.memory_space<vmem_shared>>
      %dma_wait3A_83 = arith.constant 0 : i32
      %dma_wait3A_84 = arith.constant 0 : i32
      %dma_wait3A_85 = tpu.memref_slice %arg10[%run_scoped3A_40, %dma_wait3A_83, %dma_wait3A_84] : memref<2x128x128xf32, #tpu.memory_space<vmem>> -> memref<1x128x128xf32, #tpu.memory_space<vmem>>
      %dma_wait3A_86 = tpu.memref_squeeze %dma_wait3A_85 : memref<1x128x128xf32, #tpu.memory_space<vmem>> -> memref<128x128xf32, #tpu.memory_space<vmem>>
      %dma_wait3A_87 = arith.constant 0 : i32
      %dma_wait3A_88 = tpu.memref_slice %arg11[%add3A_39, %dma_wait3A_87] : memref<10240x128xf32, #tpu.memory_space<vmem_shared>> -> memref<128x128xf32, #tpu.memory_space<vmem_shared>>
      tpu.wait_dma2 semaphore(%run_scoped3A_66 : memref<!tpu.dma_semaphore, #tpu.memory_space<semaphore_mem>>) src(%dma_wait3A_88 : memref<128x128xf32, #tpu.memory_space<vmem_shared>>) dst(%dma_wait3A_86 : memref<128x128xf32, #tpu.memory_space<vmem>>)
      tpu.yield
    }) : () -> ()
    %run_scoped3A_41 = arith.constant 0 : i32
    "tpu.region"() ({
      %run_scoped3A_66 = tpu.sem_alloc : memref<!tpu.dma_semaphore, #tpu.memory_space<semaphore_mem>>
      %dma_start3A = arith.constant 0 : i32
      %dma_start3A_67 = arith.constant 0 : i32
      %dma_start3A_68 = tpu.memref_slice %arg10[%run_scoped3A_41, %dma_start3A, %dma_start3A_67] : memref<2x128x128xf32, #tpu.memory_space<vmem>> -> memref<1x128x128xf32, #tpu.memory_space<vmem>>
      %dma_start3A_69 = tpu.memref_squeeze %dma_start3A_68 : memref<1x128x128xf32, #tpu.memory_space<vmem>> -> memref<128x128xf32, #tpu.memory_space<vmem>>
      %dma_start3A_70 = arith.constant 0 : i32
      %dma_start3A_71 = tpu.memref_slice %arg7[%arg0, %add3A_39, %dma_start3A_70] : memref<2x10240x128xf32, #tpu.memory_space<hbm>> -> memref<1x128x128xf32, #tpu.memory_space<hbm>>
      %dma_start3A_72 = tpu.memref_squeeze %dma_start3A_71 : memref<1x128x128xf32, #tpu.memory_space<hbm>> -> memref<128x128xf32, #tpu.memory_space<hbm>>
      %dma_start3A_73 = arith.constant 0 : i32
      %dma_start3A_74 = tpu.memref_slice %arg7[%arg0, %add3A_39, %dma_start3A_73] : memref<2x10240x128xf32, #tpu.memory_space<hbm>> -> memref<1x128x128xf32, #tpu.memory_space<hbm>>
      %dma_start3A_75 = tpu.memref_squeeze %dma_start3A_74 : memref<1x128x128xf32, #tpu.memory_space<hbm>> -> memref<128x128xf32, #tpu.memory_space<hbm>>
      %dma_start3A_76 = arith.constant 0 : i32
      %dma_start3A_77 = arith.constant 0 : i32
      %dma_start3A_78 = tpu.memref_slice %arg10[%run_scoped3A_41, %dma_start3A_76, %dma_start3A_77] : memref<2x128x128xf32, #tpu.memory_space<vmem>> -> memref<1x128x128xf32, #tpu.memory_space<vmem>>
      %dma_start3A_79 = tpu.memref_squeeze %dma_start3A_78 : memref<1x128x128xf32, #tpu.memory_space<vmem>> -> memref<128x128xf32, #tpu.memory_space<vmem>>
      tpu.enqueue_dma source(%dma_start3A_79 : memref<128x128xf32, #tpu.memory_space<vmem>>) target(%dma_start3A_75 : memref<128x128xf32, #tpu.memory_space<hbm>>) target_semaphore(%run_scoped3A_66 : memref<!tpu.dma_semaphore, #tpu.memory_space<semaphore_mem>>)
      %dma_wait3A = arith.constant 0 : i32
      %dma_wait3A_80 = arith.constant 0 : i32
      %dma_wait3A_81 = tpu.memref_slice %arg10[%run_scoped3A_41, %dma_wait3A, %dma_wait3A_80] : memref<2x128x128xf32, #tpu.memory_space<vmem>> -> memref<1x128x128xf32, #tpu.memory_space<vmem>>
      %dma_wait3A_82 = tpu.memref_squeeze %dma_wait3A_81 : memref<1x128x128xf32, #tpu.memory_space<vmem>> -> memref<128x128xf32, #tpu.memory_space<vmem>>
      %dma_wait3A_83 = arith.constant 0 : i32
      %dma_wait3A_84 = tpu.memref_slice %arg7[%arg0, %add3A_39, %dma_wait3A_83] : memref<2x10240x128xf32, #tpu.memory_space<hbm>> -> memref<1x128x128xf32, #tpu.memory_space<hbm>>
      %dma_wait3A_85 = tpu.memref_squeeze %dma_wait3A_84 : memref<1x128x128xf32, #tpu.memory_space<hbm>> -> memref<128x128xf32, #tpu.memory_space<hbm>>
      %dma_wait3A_86 = arith.constant 0 : i32
      %dma_wait3A_87 = tpu.memref_slice %arg7[%arg0, %add3A_39, %dma_wait3A_86] : memref<2x10240x128xf32, #tpu.memory_space<hbm>> -> memref<1x128x128xf32, #tpu.memory_space<hbm>>
      %dma_wait3A_88 = tpu.memref_squeeze %dma_wait3A_87 : memref<1x128x128xf32, #tpu.memory_space<hbm>> -> memref<128x128xf32, #tpu.memory_space<hbm>>
      %dma_wait3A_89 = arith.constant 0 : i32
      %dma_wait3A_90 = arith.constant 0 : i32
      %dma_wait3A_91 = tpu.memref_slice %arg10[%run_scoped3A_41, %dma_wait3A_89, %dma_wait3A_90] : memref<2x128x128xf32, #tpu.memory_space<vmem>> -> memref<1x128x128xf32, #tpu.memory_space<vmem>>
      %dma_wait3A_92 = tpu.memref_squeeze %dma_wait3A_91 : memref<1x128x128xf32, #tpu.memory_space<vmem>> -> memref<128x128xf32, #tpu.memory_space<vmem>>
      tpu.wait_dma2 semaphore(%run_scoped3A_66 : memref<!tpu.dma_semaphore, #tpu.memory_space<semaphore_mem>>) src(%dma_wait3A_92 : memref<128x128xf32, #tpu.memory_space<vmem>>) dst(%dma_wait3A_88 : memref<128x128xf32, #tpu.memory_space<hbm>>)
      tpu.yield
    }) : () -> ()
    %mul3A_42 = arith.constant 640 : i32
    %mul3A_43 = arith.muli %arg1, %mul3A_42 : i32
    %add3A_44 = arith.constant 128 : i32
    %add3A_45 = arith.addi %mul3A_43, %add3A_44 : i32
    %run_scoped3A_46 = arith.constant 0 : i32
    "tpu.region"() ({
      %run_scoped3A_66 = tpu.sem_alloc : memref<!tpu.dma_semaphore, #tpu.memory_space<semaphore_mem>>
      %dma_start3A = arith.constant 0 : i32
      %dma_start3A_67 = arith.constant 0 : i32
      %dma_start3A_68 = tpu.memref_slice %arg10[%run_scoped3A_46, %dma_start3A, %dma_start3A_67] : memref<2x128x128xf32, #tpu.memory_space<vmem>> -> memref<1x128x128xf32, #tpu.memory_space<vmem>>
      %dma_start3A_69 = tpu.memref_squeeze %dma_start3A_68 : memref<1x128x128xf32, #tpu.memory_space<vmem>> -> memref<128x128xf32, #tpu.memory_space<vmem>>
      %dma_start3A_70 = arith.constant 0 : i32
      %dma_start3A_71 = tpu.memref_slice %arg11[%add3A_45, %dma_start3A_70] : memref<10240x128xf32, #tpu.memory_space<vmem_shared>> -> memref<128x128xf32, #tpu.memory_space<vmem_shared>>
      %dma_start3A_72 = arith.constant 0 : i32
      %dma_start3A_73 = arith.constant 0 : i32
      %dma_start3A_74 = tpu.memref_slice %arg10[%run_scoped3A_46, %dma_start3A_72, %dma_start3A_73] : memref<2x128x128xf32, #tpu.memory_space<vmem>> -> memref<1x128x128xf32, #tpu.memory_space<vmem>>
      %dma_start3A_75 = tpu.memref_squeeze %dma_start3A_74 : memref<1x128x128xf32, #tpu.memory_space<vmem>> -> memref<128x128xf32, #tpu.memory_space<vmem>>
      %dma_start3A_76 = arith.constant 0 : i32
      %dma_start3A_77 = tpu.memref_slice %arg11[%add3A_45, %dma_start3A_76] : memref<10240x128xf32, #tpu.memory_space<vmem_shared>> -> memref<128x128xf32, #tpu.memory_space<vmem_shared>>
      tpu.enqueue_dma source(%dma_start3A_77 : memref<128x128xf32, #tpu.memory_space<vmem_shared>>) target(%dma_start3A_75 : memref<128x128xf32, #tpu.memory_space<vmem>>) target_semaphore(%run_scoped3A_66 : memref<!tpu.dma_semaphore, #tpu.memory_space<semaphore_mem>>)
      %dma_wait3A = arith.constant 0 : i32
      %dma_wait3A_78 = arith.constant 0 : i32
      %dma_wait3A_79 = tpu.memref_slice %arg10[%run_scoped3A_46, %dma_wait3A, %dma_wait3A_78] : memref<2x128x128xf32, #tpu.memory_space<vmem>> -> memref<1x128x128xf32, #tpu.memory_space<vmem>>
      %dma_wait3A_80 = tpu.memref_squeeze %dma_wait3A_79 : memref<1x128x128xf32, #tpu.memory_space<vmem>> -> memref<128x128xf32, #tpu.memory_space<vmem>>
      %dma_wait3A_81 = arith.constant 0 : i32
      %dma_wait3A_82 = tpu.memref_slice %arg11[%add3A_45, %dma_wait3A_81] : memref<10240x128xf32, #tpu.memory_space<vmem_shared>> -> memref<128x128xf32, #tpu.memory_space<vmem_shared>>
      %dma_wait3A_83 = arith.constant 0 : i32
      %dma_wait3A_84 = arith.constant 0 : i32
      %dma_wait3A_85 = tpu.memref_slice %arg10[%run_scoped3A_46, %dma_wait3A_83, %dma_wait3A_84] : memref<2x128x128xf32, #tpu.memory_space<vmem>> -> memref<1x128x128xf32, #tpu.memory_space<vmem>>
      %dma_wait3A_86 = tpu.memref_squeeze %dma_wait3A_85 : memref<1x128x128xf32, #tpu.memory_space<vmem>> -> memref<128x128xf32, #tpu.memory_space<vmem>>
      %dma_wait3A_87 = arith.constant 0 : i32
      %dma_wait3A_88 = tpu.memref_slice %arg11[%add3A_45, %dma_wait3A_87] : memref<10240x128xf32, #tpu.memory_space<vmem_shared>> -> memref<128x128xf32, #tpu.memory_space<vmem_shared>>
      tpu.wait_dma2 semaphore(%run_scoped3A_66 : memref<!tpu.dma_semaphore, #tpu.memory_space<semaphore_mem>>) src(%dma_wait3A_88 : memref<128x128xf32, #tpu.memory_space<vmem_shared>>) dst(%dma_wait3A_86 : memref<128x128xf32, #tpu.memory_space<vmem>>)
      tpu.yield
    }) : () -> ()
    %run_scoped3A_47 = arith.constant 0 : i32
    "tpu.region"() ({
      %run_scoped3A_66 = tpu.sem_alloc : memref<!tpu.dma_semaphore, #tpu.memory_space<semaphore_mem>>
      %dma_start3A = arith.constant 0 : i32
      %dma_start3A_67 = arith.constant 0 : i32
      %dma_start3A_68 = tpu.memref_slice %arg10[%run_scoped3A_47, %dma_start3A, %dma_start3A_67] : memref<2x128x128xf32, #tpu.memory_space<vmem>> -> memref<1x128x128xf32, #tpu.memory_space<vmem>>
      %dma_start3A_69 = tpu.memref_squeeze %dma_start3A_68 : memref<1x128x128xf32, #tpu.memory_space<vmem>> -> memref<128x128xf32, #tpu.memory_space<vmem>>
      %dma_start3A_70 = arith.constant 0 : i32
      %dma_start3A_71 = tpu.memref_slice %arg7[%arg0, %add3A_45, %dma_start3A_70] : memref<2x10240x128xf32, #tpu.memory_space<hbm>> -> memref<1x128x128xf32, #tpu.memory_space<hbm>>
      %dma_start3A_72 = tpu.memref_squeeze %dma_start3A_71 : memref<1x128x128xf32, #tpu.memory_space<hbm>> -> memref<128x128xf32, #tpu.memory_space<hbm>>
      %dma_start3A_73 = arith.constant 0 : i32
      %dma_start3A_74 = tpu.memref_slice %arg7[%arg0, %add3A_45, %dma_start3A_73] : memref<2x10240x128xf32, #tpu.memory_space<hbm>> -> memref<1x128x128xf32, #tpu.memory_space<hbm>>
      %dma_start3A_75 = tpu.memref_squeeze %dma_start3A_74 : memref<1x128x128xf32, #tpu.memory_space<hbm>> -> memref<128x128xf32, #tpu.memory_space<hbm>>
      %dma_start3A_76 = arith.constant 0 : i32
      %dma_start3A_77 = arith.constant 0 : i32
      %dma_start3A_78 = tpu.memref_slice %arg10[%run_scoped3A_47, %dma_start3A_76, %dma_start3A_77] : memref<2x128x128xf32, #tpu.memory_space<vmem>> -> memref<1x128x128xf32, #tpu.memory_space<vmem>>
      %dma_start3A_79 = tpu.memref_squeeze %dma_start3A_78 : memref<1x128x128xf32, #tpu.memory_space<vmem>> -> memref<128x128xf32, #tpu.memory_space<vmem>>
      tpu.enqueue_dma source(%dma_start3A_79 : memref<128x128xf32, #tpu.memory_space<vmem>>) target(%dma_start3A_75 : memref<128x128xf32, #tpu.memory_space<hbm>>) target_semaphore(%run_scoped3A_66 : memref<!tpu.dma_semaphore, #tpu.memory_space<semaphore_mem>>)
      %dma_wait3A = arith.constant 0 : i32
      %dma_wait3A_80 = arith.constant 0 : i32
      %dma_wait3A_81 = tpu.memref_slice %arg10[%run_scoped3A_47, %dma_wait3A, %dma_wait3A_80] : memref<2x128x128xf32, #tpu.memory_space<vmem>> -> memref<1x128x128xf32, #tpu.memory_space<vmem>>
      %dma_wait3A_82 = tpu.memref_squeeze %dma_wait3A_81 : memref<1x128x128xf32, #tpu.memory_space<vmem>> -> memref<128x128xf32, #tpu.memory_space<vmem>>
      %dma_wait3A_83 = arith.constant 0 : i32
      %dma_wait3A_84 = tpu.memref_slice %arg7[%arg0, %add3A_45, %dma_wait3A_83] : memref<2x10240x128xf32, #tpu.memory_space<hbm>> -> memref<1x128x128xf32, #tpu.memory_space<hbm>>
      %dma_wait3A_85 = tpu.memref_squeeze %dma_wait3A_84 : memref<1x128x128xf32, #tpu.memory_space<hbm>> -> memref<128x128xf32, #tpu.memory_space<hbm>>
      %dma_wait3A_86 = arith.constant 0 : i32
      %dma_wait3A_87 = tpu.memref_slice %arg7[%arg0, %add3A_45, %dma_wait3A_86] : memref<2x10240x128xf32, #tpu.memory_space<hbm>> -> memref<1x128x128xf32, #tpu.memory_space<hbm>>
      %dma_wait3A_88 = tpu.memref_squeeze %dma_wait3A_87 : memref<1x128x128xf32, #tpu.memory_space<hbm>> -> memref<128x128xf32, #tpu.memory_space<hbm>>
      %dma_wait3A_89 = arith.constant 0 : i32
      %dma_wait3A_90 = arith.constant 0 : i32
      %dma_wait3A_91 = tpu.memref_slice %arg10[%run_scoped3A_47, %dma_wait3A_89, %dma_wait3A_90] : memref<2x128x128xf32, #tpu.memory_space<vmem>> -> memref<1x128x128xf32, #tpu.memory_space<vmem>>
      %dma_wait3A_92 = tpu.memref_squeeze %dma_wait3A_91 : memref<1x128x128xf32, #tpu.memory_space<vmem>> -> memref<128x128xf32, #tpu.memory_space<vmem>>
      tpu.wait_dma2 semaphore(%run_scoped3A_66 : memref<!tpu.dma_semaphore, #tpu.memory_space<semaphore_mem>>) src(%dma_wait3A_92 : memref<128x128xf32, #tpu.memory_space<vmem>>) dst(%dma_wait3A_88 : memref<128x128xf32, #tpu.memory_space<hbm>>)
      tpu.yield
    }) : () -> ()
    %mul3A_48 = arith.constant 640 : i32
    %mul3A_49 = arith.muli %arg1, %mul3A_48 : i32
    %add3A_50 = arith.constant 256 : i32
    %add3A_51 = arith.addi %mul3A_49, %add3A_50 : i32
    %run_scoped3A_52 = arith.constant 0 : i32
    "tpu.region"() ({
      %run_scoped3A_66 = tpu.sem_alloc : memref<!tpu.dma_semaphore, #tpu.memory_space<semaphore_mem>>
      %dma_start3A = arith.constant 0 : i32
      %dma_start3A_67 = arith.constant 0 : i32
      %dma_start3A_68 = tpu.memref_slice %arg10[%run_scoped3A_52, %dma_start3A, %dma_start3A_67] : memref<2x128x128xf32, #tpu.memory_space<vmem>> -> memref<1x128x128xf32, #tpu.memory_space<vmem>>
      %dma_start3A_69 = tpu.memref_squeeze %dma_start3A_68 : memref<1x128x128xf32, #tpu.memory_space<vmem>> -> memref<128x128xf32, #tpu.memory_space<vmem>>
      %dma_start3A_70 = arith.constant 0 : i32
      %dma_start3A_71 = tpu.memref_slice %arg11[%add3A_51, %dma_start3A_70] : memref<10240x128xf32, #tpu.memory_space<vmem_shared>> -> memref<128x128xf32, #tpu.memory_space<vmem_shared>>
      %dma_start3A_72 = arith.constant 0 : i32
      %dma_start3A_73 = arith.constant 0 : i32
      %dma_start3A_74 = tpu.memref_slice %arg10[%run_scoped3A_52, %dma_start3A_72, %dma_start3A_73] : memref<2x128x128xf32, #tpu.memory_space<vmem>> -> memref<1x128x128xf32, #tpu.memory_space<vmem>>
      %dma_start3A_75 = tpu.memref_squeeze %dma_start3A_74 : memref<1x128x128xf32, #tpu.memory_space<vmem>> -> memref<128x128xf32, #tpu.memory_space<vmem>>
      %dma_start3A_76 = arith.constant 0 : i32
      %dma_start3A_77 = tpu.memref_slice %arg11[%add3A_51, %dma_start3A_76] : memref<10240x128xf32, #tpu.memory_space<vmem_shared>> -> memref<128x128xf32, #tpu.memory_space<vmem_shared>>
      tpu.enqueue_dma source(%dma_start3A_77 : memref<128x128xf32, #tpu.memory_space<vmem_shared>>) target(%dma_start3A_75 : memref<128x128xf32, #tpu.memory_space<vmem>>) target_semaphore(%run_scoped3A_66 : memref<!tpu.dma_semaphore, #tpu.memory_space<semaphore_mem>>)
      %dma_wait3A = arith.constant 0 : i32
      %dma_wait3A_78 = arith.constant 0 : i32
      %dma_wait3A_79 = tpu.memref_slice %arg10[%run_scoped3A_52, %dma_wait3A, %dma_wait3A_78] : memref<2x128x128xf32, #tpu.memory_space<vmem>> -> memref<1x128x128xf32, #tpu.memory_space<vmem>>
      %dma_wait3A_80 = tpu.memref_squeeze %dma_wait3A_79 : memref<1x128x128xf32, #tpu.memory_space<vmem>> -> memref<128x128xf32, #tpu.memory_space<vmem>>
      %dma_wait3A_81 = arith.constant 0 : i32
      %dma_wait3A_82 = tpu.memref_slice %arg11[%add3A_51, %dma_wait3A_81] : memref<10240x128xf32, #tpu.memory_space<vmem_shared>> -> memref<128x128xf32, #tpu.memory_space<vmem_shared>>
      %dma_wait3A_83 = arith.constant 0 : i32
      %dma_wait3A_84 = arith.constant 0 : i32
      %dma_wait3A_85 = tpu.memref_slice %arg10[%run_scoped3A_52, %dma_wait3A_83, %dma_wait3A_84] : memref<2x128x128xf32, #tpu.memory_space<vmem>> -> memref<1x128x128xf32, #tpu.memory_space<vmem>>
      %dma_wait3A_86 = tpu.memref_squeeze %dma_wait3A_85 : memref<1x128x128xf32, #tpu.memory_space<vmem>> -> memref<128x128xf32, #tpu.memory_space<vmem>>
      %dma_wait3A_87 = arith.constant 0 : i32
      %dma_wait3A_88 = tpu.memref_slice %arg11[%add3A_51, %dma_wait3A_87] : memref<10240x128xf32, #tpu.memory_space<vmem_shared>> -> memref<128x128xf32, #tpu.memory_space<vmem_shared>>
      tpu.wait_dma2 semaphore(%run_scoped3A_66 : memref<!tpu.dma_semaphore, #tpu.memory_space<semaphore_mem>>) src(%dma_wait3A_88 : memref<128x128xf32, #tpu.memory_space<vmem_shared>>) dst(%dma_wait3A_86 : memref<128x128xf32, #tpu.memory_space<vmem>>)
      tpu.yield
    }) : () -> ()
    %run_scoped3A_53 = arith.constant 0 : i32
    "tpu.region"() ({
      %run_scoped3A_66 = tpu.sem_alloc : memref<!tpu.dma_semaphore, #tpu.memory_space<semaphore_mem>>
      %dma_start3A = arith.constant 0 : i32
      %dma_start3A_67 = arith.constant 0 : i32
      %dma_start3A_68 = tpu.memref_slice %arg10[%run_scoped3A_53, %dma_start3A, %dma_start3A_67] : memref<2x128x128xf32, #tpu.memory_space<vmem>> -> memref<1x128x128xf32, #tpu.memory_space<vmem>>
      %dma_start3A_69 = tpu.memref_squeeze %dma_start3A_68 : memref<1x128x128xf32, #tpu.memory_space<vmem>> -> memref<128x128xf32, #tpu.memory_space<vmem>>
      %dma_start3A_70 = arith.constant 0 : i32
      %dma_start3A_71 = tpu.memref_slice %arg7[%arg0, %add3A_51, %dma_start3A_70] : memref<2x10240x128xf32, #tpu.memory_space<hbm>> -> memref<1x128x128xf32, #tpu.memory_space<hbm>>
      %dma_start3A_72 = tpu.memref_squeeze %dma_start3A_71 : memref<1x128x128xf32, #tpu.memory_space<hbm>> -> memref<128x128xf32, #tpu.memory_space<hbm>>
      %dma_start3A_73 = arith.constant 0 : i32
      %dma_start3A_74 = tpu.memref_slice %arg7[%arg0, %add3A_51, %dma_start3A_73] : memref<2x10240x128xf32, #tpu.memory_space<hbm>> -> memref<1x128x128xf32, #tpu.memory_space<hbm>>
      %dma_start3A_75 = tpu.memref_squeeze %dma_start3A_74 : memref<1x128x128xf32, #tpu.memory_space<hbm>> -> memref<128x128xf32, #tpu.memory_space<hbm>>
      %dma_start3A_76 = arith.constant 0 : i32
      %dma_start3A_77 = arith.constant 0 : i32
      %dma_start3A_78 = tpu.memref_slice %arg10[%run_scoped3A_53, %dma_start3A_76, %dma_start3A_77] : memref<2x128x128xf32, #tpu.memory_space<vmem>> -> memref<1x128x128xf32, #tpu.memory_space<vmem>>
      %dma_start3A_79 = tpu.memref_squeeze %dma_start3A_78 : memref<1x128x128xf32, #tpu.memory_space<vmem>> -> memref<128x128xf32, #tpu.memory_space<vmem>>
      tpu.enqueue_dma source(%dma_start3A_79 : memref<128x128xf32, #tpu.memory_space<vmem>>) target(%dma_start3A_75 : memref<128x128xf32, #tpu.memory_space<hbm>>) target_semaphore(%run_scoped3A_66 : memref<!tpu.dma_semaphore, #tpu.memory_space<semaphore_mem>>)
      %dma_wait3A = arith.constant 0 : i32
      %dma_wait3A_80 = arith.constant 0 : i32
      %dma_wait3A_81 = tpu.memref_slice %arg10[%run_scoped3A_53, %dma_wait3A, %dma_wait3A_80] : memref<2x128x128xf32, #tpu.memory_space<vmem>> -> memref<1x128x128xf32, #tpu.memory_space<vmem>>
      %dma_wait3A_82 = tpu.memref_squeeze %dma_wait3A_81 : memref<1x128x128xf32, #tpu.memory_space<vmem>> -> memref<128x128xf32, #tpu.memory_space<vmem>>
      %dma_wait3A_83 = arith.constant 0 : i32
      %dma_wait3A_84 = tpu.memref_slice %arg7[%arg0, %add3A_51, %dma_wait3A_83] : memref<2x10240x128xf32, #tpu.memory_space<hbm>> -> memref<1x128x128xf32, #tpu.memory_space<hbm>>
      %dma_wait3A_85 = tpu.memref_squeeze %dma_wait3A_84 : memref<1x128x128xf32, #tpu.memory_space<hbm>> -> memref<128x128xf32, #tpu.memory_space<hbm>>
      %dma_wait3A_86 = arith.constant 0 : i32
      %dma_wait3A_87 = tpu.memref_slice %arg7[%arg0, %add3A_51, %dma_wait3A_86] : memref<2x10240x128xf32, #tpu.memory_space<hbm>> -> memref<1x128x128xf32, #tpu.memory_space<hbm>>
      %dma_wait3A_88 = tpu.memref_squeeze %dma_wait3A_87 : memref<1x128x128xf32, #tpu.memory_space<hbm>> -> memref<128x128xf32, #tpu.memory_space<hbm>>
      %dma_wait3A_89 = arith.constant 0 : i32
      %dma_wait3A_90 = arith.constant 0 : i32
      %dma_wait3A_91 = tpu.memref_slice %arg10[%run_scoped3A_53, %dma_wait3A_89, %dma_wait3A_90] : memref<2x128x128xf32, #tpu.memory_space<vmem>> -> memref<1x128x128xf32, #tpu.memory_space<vmem>>
      %dma_wait3A_92 = tpu.memref_squeeze %dma_wait3A_91 : memref<1x128x128xf32, #tpu.memory_space<vmem>> -> memref<128x128xf32, #tpu.memory_space<vmem>>
      tpu.wait_dma2 semaphore(%run_scoped3A_66 : memref<!tpu.dma_semaphore, #tpu.memory_space<semaphore_mem>>) src(%dma_wait3A_92 : memref<128x128xf32, #tpu.memory_space<vmem>>) dst(%dma_wait3A_88 : memref<128x128xf32, #tpu.memory_space<hbm>>)
      tpu.yield
    }) : () -> ()
    %mul3A_54 = arith.constant 640 : i32
    %mul3A_55 = arith.muli %arg1, %mul3A_54 : i32
    %add3A_56 = arith.constant 384 : i32
    %add3A_57 = arith.addi %mul3A_55, %add3A_56 : i32
    %run_scoped3A_58 = arith.constant 0 : i32
    "tpu.region"() ({
      %run_scoped3A_66 = tpu.sem_alloc : memref<!tpu.dma_semaphore, #tpu.memory_space<semaphore_mem>>
      %dma_start3A = arith.constant 0 : i32
      %dma_start3A_67 = arith.constant 0 : i32
      %dma_start3A_68 = tpu.memref_slice %arg10[%run_scoped3A_58, %dma_start3A, %dma_start3A_67] : memref<2x128x128xf32, #tpu.memory_space<vmem>> -> memref<1x128x128xf32, #tpu.memory_space<vmem>>
      %dma_start3A_69 = tpu.memref_squeeze %dma_start3A_68 : memref<1x128x128xf32, #tpu.memory_space<vmem>> -> memref<128x128xf32, #tpu.memory_space<vmem>>
      %dma_start3A_70 = arith.constant 0 : i32
      %dma_start3A_71 = tpu.memref_slice %arg11[%add3A_57, %dma_start3A_70] : memref<10240x128xf32, #tpu.memory_space<vmem_shared>> -> memref<128x128xf32, #tpu.memory_space<vmem_shared>>
      %dma_start3A_72 = arith.constant 0 : i32
      %dma_start3A_73 = arith.constant 0 : i32
      %dma_start3A_74 = tpu.memref_slice %arg10[%run_scoped3A_58, %dma_start3A_72, %dma_start3A_73] : memref<2x128x128xf32, #tpu.memory_space<vmem>> -> memref<1x128x128xf32, #tpu.memory_space<vmem>>
      %dma_start3A_75 = tpu.memref_squeeze %dma_start3A_74 : memref<1x128x128xf32, #tpu.memory_space<vmem>> -> memref<128x128xf32, #tpu.memory_space<vmem>>
      %dma_start3A_76 = arith.constant 0 : i32
      %dma_start3A_77 = tpu.memref_slice %arg11[%add3A_57, %dma_start3A_76] : memref<10240x128xf32, #tpu.memory_space<vmem_shared>> -> memref<128x128xf32, #tpu.memory_space<vmem_shared>>
      tpu.enqueue_dma source(%dma_start3A_77 : memref<128x128xf32, #tpu.memory_space<vmem_shared>>) target(%dma_start3A_75 : memref<128x128xf32, #tpu.memory_space<vmem>>) target_semaphore(%run_scoped3A_66 : memref<!tpu.dma_semaphore, #tpu.memory_space<semaphore_mem>>)
      %dma_wait3A = arith.constant 0 : i32
      %dma_wait3A_78 = arith.constant 0 : i32
      %dma_wait3A_79 = tpu.memref_slice %arg10[%run_scoped3A_58, %dma_wait3A, %dma_wait3A_78] : memref<2x128x128xf32, #tpu.memory_space<vmem>> -> memref<1x128x128xf32, #tpu.memory_space<vmem>>
      %dma_wait3A_80 = tpu.memref_squeeze %dma_wait3A_79 : memref<1x128x128xf32, #tpu.memory_space<vmem>> -> memref<128x128xf32, #tpu.memory_space<vmem>>
      %dma_wait3A_81 = arith.constant 0 : i32
      %dma_wait3A_82 = tpu.memref_slice %arg11[%add3A_57, %dma_wait3A_81] : memref<10240x128xf32, #tpu.memory_space<vmem_shared>> -> memref<128x128xf32, #tpu.memory_space<vmem_shared>>
      %dma_wait3A_83 = arith.constant 0 : i32
      %dma_wait3A_84 = arith.constant 0 : i32
      %dma_wait3A_85 = tpu.memref_slice %arg10[%run_scoped3A_58, %dma_wait3A_83, %dma_wait3A_84] : memref<2x128x128xf32, #tpu.memory_space<vmem>> -> memref<1x128x128xf32, #tpu.memory_space<vmem>>
      %dma_wait3A_86 = tpu.memref_squeeze %dma_wait3A_85 : memref<1x128x128xf32, #tpu.memory_space<vmem>> -> memref<128x128xf32, #tpu.memory_space<vmem>>
      %dma_wait3A_87 = arith.constant 0 : i32
      %dma_wait3A_88 = tpu.memref_slice %arg11[%add3A_57, %dma_wait3A_87] : memref<10240x128xf32, #tpu.memory_space<vmem_shared>> -> memref<128x128xf32, #tpu.memory_space<vmem_shared>>
      tpu.wait_dma2 semaphore(%run_scoped3A_66 : memref<!tpu.dma_semaphore, #tpu.memory_space<semaphore_mem>>) src(%dma_wait3A_88 : memref<128x128xf32, #tpu.memory_space<vmem_shared>>) dst(%dma_wait3A_86 : memref<128x128xf32, #tpu.memory_space<vmem>>)
      tpu.yield
    }) : () -> ()
    %run_scoped3A_59 = arith.constant 0 : i32
    "tpu.region"() ({
      %run_scoped3A_66 = tpu.sem_alloc : memref<!tpu.dma_semaphore, #tpu.memory_space<semaphore_mem>>
      %dma_start3A = arith.constant 0 : i32
      %dma_start3A_67 = arith.constant 0 : i32
      %dma_start3A_68 = tpu.memref_slice %arg10[%run_scoped3A_59, %dma_start3A, %dma_start3A_67] : memref<2x128x128xf32, #tpu.memory_space<vmem>> -> memref<1x128x128xf32, #tpu.memory_space<vmem>>
      %dma_start3A_69 = tpu.memref_squeeze %dma_start3A_68 : memref<1x128x128xf32, #tpu.memory_space<vmem>> -> memref<128x128xf32, #tpu.memory_space<vmem>>
      %dma_start3A_70 = arith.constant 0 : i32
      %dma_start3A_71 = tpu.memref_slice %arg7[%arg0, %add3A_57, %dma_start3A_70] : memref<2x10240x128xf32, #tpu.memory_space<hbm>> -> memref<1x128x128xf32, #tpu.memory_space<hbm>>
      %dma_start3A_72 = tpu.memref_squeeze %dma_start3A_71 : memref<1x128x128xf32, #tpu.memory_space<hbm>> -> memref<128x128xf32, #tpu.memory_space<hbm>>
      %dma_start3A_73 = arith.constant 0 : i32
      %dma_start3A_74 = tpu.memref_slice %arg7[%arg0, %add3A_57, %dma_start3A_73] : memref<2x10240x128xf32, #tpu.memory_space<hbm>> -> memref<1x128x128xf32, #tpu.memory_space<hbm>>
      %dma_start3A_75 = tpu.memref_squeeze %dma_start3A_74 : memref<1x128x128xf32, #tpu.memory_space<hbm>> -> memref<128x128xf32, #tpu.memory_space<hbm>>
      %dma_start3A_76 = arith.constant 0 : i32
      %dma_start3A_77 = arith.constant 0 : i32
      %dma_start3A_78 = tpu.memref_slice %arg10[%run_scoped3A_59, %dma_start3A_76, %dma_start3A_77] : memref<2x128x128xf32, #tpu.memory_space<vmem>> -> memref<1x128x128xf32, #tpu.memory_space<vmem>>
      %dma_start3A_79 = tpu.memref_squeeze %dma_start3A_78 : memref<1x128x128xf32, #tpu.memory_space<vmem>> -> memref<128x128xf32, #tpu.memory_space<vmem>>
      tpu.enqueue_dma source(%dma_start3A_79 : memref<128x128xf32, #tpu.memory_space<vmem>>) target(%dma_start3A_75 : memref<128x128xf32, #tpu.memory_space<hbm>>) target_semaphore(%run_scoped3A_66 : memref<!tpu.dma_semaphore, #tpu.memory_space<semaphore_mem>>)
      %dma_wait3A = arith.constant 0 : i32
      %dma_wait3A_80 = arith.constant 0 : i32
      %dma_wait3A_81 = tpu.memref_slice %arg10[%run_scoped3A_59, %dma_wait3A, %dma_wait3A_80] : memref<2x128x128xf32, #tpu.memory_space<vmem>> -> memref<1x128x128xf32, #tpu.memory_space<vmem>>
      %dma_wait3A_82 = tpu.memref_squeeze %dma_wait3A_81 : memref<1x128x128xf32, #tpu.memory_space<vmem>> -> memref<128x128xf32, #tpu.memory_space<vmem>>
      %dma_wait3A_83 = arith.constant 0 : i32
      %dma_wait3A_84 = tpu.memref_slice %arg7[%arg0, %add3A_57, %dma_wait3A_83] : memref<2x10240x128xf32, #tpu.memory_space<hbm>> -> memref<1x128x128xf32, #tpu.memory_space<hbm>>
      %dma_wait3A_85 = tpu.memref_squeeze %dma_wait3A_84 : memref<1x128x128xf32, #tpu.memory_space<hbm>> -> memref<128x128xf32, #tpu.memory_space<hbm>>
      %dma_wait3A_86 = arith.constant 0 : i32
      %dma_wait3A_87 = tpu.memref_slice %arg7[%arg0, %add3A_57, %dma_wait3A_86] : memref<2x10240x128xf32, #tpu.memory_space<hbm>> -> memref<1x128x128xf32, #tpu.memory_space<hbm>>
      %dma_wait3A_88 = tpu.memref_squeeze %dma_wait3A_87 : memref<1x128x128xf32, #tpu.memory_space<hbm>> -> memref<128x128xf32, #tpu.memory_space<hbm>>
      %dma_wait3A_89 = arith.constant 0 : i32
      %dma_wait3A_90 = arith.constant 0 : i32
      %dma_wait3A_91 = tpu.memref_slice %arg10[%run_scoped3A_59, %dma_wait3A_89, %dma_wait3A_90] : memref<2x128x128xf32, #tpu.memory_space<vmem>> -> memref<1x128x128xf32, #tpu.memory_space<vmem>>
      %dma_wait3A_92 = tpu.memref_squeeze %dma_wait3A_91 : memref<1x128x128xf32, #tpu.memory_space<vmem>> -> memref<128x128xf32, #tpu.memory_space<vmem>>
      tpu.wait_dma2 semaphore(%run_scoped3A_66 : memref<!tpu.dma_semaphore, #tpu.memory_space<semaphore_mem>>) src(%dma_wait3A_92 : memref<128x128xf32, #tpu.memory_space<vmem>>) dst(%dma_wait3A_88 : memref<128x128xf32, #tpu.memory_space<hbm>>)
      tpu.yield
    }) : () -> ()
    %mul3A_60 = arith.constant 640 : i32
    %mul3A_61 = arith.muli %arg1, %mul3A_60 : i32
    %add3A_62 = arith.constant 512 : i32
    %add3A_63 = arith.addi %mul3A_61, %add3A_62 : i32
    %run_scoped3A_64 = arith.constant 0 : i32
    "tpu.region"() ({
      %run_scoped3A_66 = tpu.sem_alloc : memref<!tpu.dma_semaphore, #tpu.memory_space<semaphore_mem>>
      %dma_start3A = arith.constant 0 : i32
      %dma_start3A_67 = arith.constant 0 : i32
      %dma_start3A_68 = tpu.memref_slice %arg10[%run_scoped3A_64, %dma_start3A, %dma_start3A_67] : memref<2x128x128xf32, #tpu.memory_space<vmem>> -> memref<1x128x128xf32, #tpu.memory_space<vmem>>
      %dma_start3A_69 = tpu.memref_squeeze %dma_start3A_68 : memref<1x128x128xf32, #tpu.memory_space<vmem>> -> memref<128x128xf32, #tpu.memory_space<vmem>>
      %dma_start3A_70 = arith.constant 0 : i32
      %dma_start3A_71 = tpu.memref_slice %arg11[%add3A_63, %dma_start3A_70] : memref<10240x128xf32, #tpu.memory_space<vmem_shared>> -> memref<128x128xf32, #tpu.memory_space<vmem_shared>>
      %dma_start3A_72 = arith.constant 0 : i32
      %dma_start3A_73 = arith.constant 0 : i32
      %dma_start3A_74 = tpu.memref_slice %arg10[%run_scoped3A_64, %dma_start3A_72, %dma_start3A_73] : memref<2x128x128xf32, #tpu.memory_space<vmem>> -> memref<1x128x128xf32, #tpu.memory_space<vmem>>
      %dma_start3A_75 = tpu.memref_squeeze %dma_start3A_74 : memref<1x128x128xf32, #tpu.memory_space<vmem>> -> memref<128x128xf32, #tpu.memory_space<vmem>>
      %dma_start3A_76 = arith.constant 0 : i32
      %dma_start3A_77 = tpu.memref_slice %arg11[%add3A_63, %dma_start3A_76] : memref<10240x128xf32, #tpu.memory_space<vmem_shared>> -> memref<128x128xf32, #tpu.memory_space<vmem_shared>>
      tpu.enqueue_dma source(%dma_start3A_77 : memref<128x128xf32, #tpu.memory_space<vmem_shared>>) target(%dma_start3A_75 : memref<128x128xf32, #tpu.memory_space<vmem>>) target_semaphore(%run_scoped3A_66 : memref<!tpu.dma_semaphore, #tpu.memory_space<semaphore_mem>>)
      %dma_wait3A = arith.constant 0 : i32
      %dma_wait3A_78 = arith.constant 0 : i32
      %dma_wait3A_79 = tpu.memref_slice %arg10[%run_scoped3A_64, %dma_wait3A, %dma_wait3A_78] : memref<2x128x128xf32, #tpu.memory_space<vmem>> -> memref<1x128x128xf32, #tpu.memory_space<vmem>>
      %dma_wait3A_80 = tpu.memref_squeeze %dma_wait3A_79 : memref<1x128x128xf32, #tpu.memory_space<vmem>> -> memref<128x128xf32, #tpu.memory_space<vmem>>
      %dma_wait3A_81 = arith.constant 0 : i32
      %dma_wait3A_82 = tpu.memref_slice %arg11[%add3A_63, %dma_wait3A_81] : memref<10240x128xf32, #tpu.memory_space<vmem_shared>> -> memref<128x128xf32, #tpu.memory_space<vmem_shared>>
      %dma_wait3A_83 = arith.constant 0 : i32
      %dma_wait3A_84 = arith.constant 0 : i32
      %dma_wait3A_85 = tpu.memref_slice %arg10[%run_scoped3A_64, %dma_wait3A_83, %dma_wait3A_84] : memref<2x128x128xf32, #tpu.memory_space<vmem>> -> memref<1x128x128xf32, #tpu.memory_space<vmem>>
      %dma_wait3A_86 = tpu.memref_squeeze %dma_wait3A_85 : memref<1x128x128xf32, #tpu.memory_space<vmem>> -> memref<128x128xf32, #tpu.memory_space<vmem>>
      %dma_wait3A_87 = arith.constant 0 : i32
      %dma_wait3A_88 = tpu.memref_slice %arg11[%add3A_63, %dma_wait3A_87] : memref<10240x128xf32, #tpu.memory_space<vmem_shared>> -> memref<128x128xf32, #tpu.memory_space<vmem_shared>>
      tpu.wait_dma2 semaphore(%run_scoped3A_66 : memref<!tpu.dma_semaphore, #tpu.memory_space<semaphore_mem>>) src(%dma_wait3A_88 : memref<128x128xf32, #tpu.memory_space<vmem_shared>>) dst(%dma_wait3A_86 : memref<128x128xf32, #tpu.memory_space<vmem>>)
      tpu.yield
    }) : () -> ()
    %run_scoped3A_65 = arith.constant 0 : i32
    "tpu.region"() ({
      %run_scoped3A_66 = tpu.sem_alloc : memref<!tpu.dma_semaphore, #tpu.memory_space<semaphore_mem>>
      %dma_start3A = arith.constant 0 : i32
      %dma_start3A_67 = arith.constant 0 : i32
      %dma_start3A_68 = tpu.memref_slice %arg10[%run_scoped3A_65, %dma_start3A, %dma_start3A_67] : memref<2x128x128xf32, #tpu.memory_space<vmem>> -> memref<1x128x128xf32, #tpu.memory_space<vmem>>
      %dma_start3A_69 = tpu.memref_squeeze %dma_start3A_68 : memref<1x128x128xf32, #tpu.memory_space<vmem>> -> memref<128x128xf32, #tpu.memory_space<vmem>>
      %dma_start3A_70 = arith.constant 0 : i32
      %dma_start3A_71 = tpu.memref_slice %arg7[%arg0, %add3A_63, %dma_start3A_70] : memref<2x10240x128xf32, #tpu.memory_space<hbm>> -> memref<1x128x128xf32, #tpu.memory_space<hbm>>
      %dma_start3A_72 = tpu.memref_squeeze %dma_start3A_71 : memref<1x128x128xf32, #tpu.memory_space<hbm>> -> memref<128x128xf32, #tpu.memory_space<hbm>>
      %dma_start3A_73 = arith.constant 0 : i32
      %dma_start3A_74 = tpu.memref_slice %arg7[%arg0, %add3A_63, %dma_start3A_73] : memref<2x10240x128xf32, #tpu.memory_space<hbm>> -> memref<1x128x128xf32, #tpu.memory_space<hbm>>
      %dma_start3A_75 = tpu.memref_squeeze %dma_start3A_74 : memref<1x128x128xf32, #tpu.memory_space<hbm>> -> memref<128x128xf32, #tpu.memory_space<hbm>>
      %dma_start3A_76 = arith.constant 0 : i32
      %dma_start3A_77 = arith.constant 0 : i32
      %dma_start3A_78 = tpu.memref_slice %arg10[%run_scoped3A_65, %dma_start3A_76, %dma_start3A_77] : memref<2x128x128xf32, #tpu.memory_space<vmem>> -> memref<1x128x128xf32, #tpu.memory_space<vmem>>
      %dma_start3A_79 = tpu.memref_squeeze %dma_start3A_78 : memref<1x128x128xf32, #tpu.memory_space<vmem>> -> memref<128x128xf32, #tpu.memory_space<vmem>>
      tpu.enqueue_dma source(%dma_start3A_79 : memref<128x128xf32, #tpu.memory_space<vmem>>) target(%dma_start3A_75 : memref<128x128xf32, #tpu.memory_space<hbm>>) target_semaphore(%run_scoped3A_66 : memref<!tpu.dma_semaphore, #tpu.memory_space<semaphore_mem>>)
      %dma_wait3A = arith.constant 0 : i32
      %dma_wait3A_80 = arith.constant 0 : i32
      %dma_wait3A_81 = tpu.memref_slice %arg10[%run_scoped3A_65, %dma_wait3A, %dma_wait3A_80] : memref<2x128x128xf32, #tpu.memory_space<vmem>> -> memref<1x128x128xf32, #tpu.memory_space<vmem>>
      %dma_wait3A_82 = tpu.memref_squeeze %dma_wait3A_81 : memref<1x128x128xf32, #tpu.memory_space<vmem>> -> memref<128x128xf32, #tpu.memory_space<vmem>>
      %dma_wait3A_83 = arith.constant 0 : i32
      %dma_wait3A_84 = tpu.memref_slice %arg7[%arg0, %add3A_63, %dma_wait3A_83] : memref<2x10240x128xf32, #tpu.memory_space<hbm>> -> memref<1x128x128xf32, #tpu.memory_space<hbm>>
      %dma_wait3A_85 = tpu.memref_squeeze %dma_wait3A_84 : memref<1x128x128xf32, #tpu.memory_space<hbm>> -> memref<128x128xf32, #tpu.memory_space<hbm>>
      %dma_wait3A_86 = arith.constant 0 : i32
      %dma_wait3A_87 = tpu.memref_slice %arg7[%arg0, %add3A_63, %dma_wait3A_86] : memref<2x10240x128xf32, #tpu.memory_space<hbm>> -> memref<1x128x128xf32, #tpu.memory_space<hbm>>
      %dma_wait3A_88 = tpu.memref_squeeze %dma_wait3A_87 : memref<1x128x128xf32, #tpu.memory_space<hbm>> -> memref<128x128xf32, #tpu.memory_space<hbm>>
      %dma_wait3A_89 = arith.constant 0 : i32
      %dma_wait3A_90 = arith.constant 0 : i32
      %dma_wait3A_91 = tpu.memref_slice %arg10[%run_scoped3A_65, %dma_wait3A_89, %dma_wait3A_90] : memref<2x128x128xf32, #tpu.memory_space<vmem>> -> memref<1x128x128xf32, #tpu.memory_space<vmem>>
      %dma_wait3A_92 = tpu.memref_squeeze %dma_wait3A_91 : memref<1x128x128xf32, #tpu.memory_space<vmem>> -> memref<128x128xf32, #tpu.memory_space<vmem>>
      tpu.wait_dma2 semaphore(%run_scoped3A_66 : memref<!tpu.dma_semaphore, #tpu.memory_space<semaphore_mem>>) src(%dma_wait3A_92 : memref<128x128xf32, #tpu.memory_space<vmem>>) dst(%dma_wait3A_88 : memref<128x128xf32, #tpu.memory_space<hbm>>)
      tpu.yield
    }) : () -> ()
    return
  }
}

module attributes {stable_mosaic.version = 14 : i64} {
  func.func @_combine_body(%arg0: i32, %arg1: memref<2x2000x128xf32, #tpu.memory_space<vmem>>, %arg2: memref<2000x128xf32, #tpu.memory_space<vmem>>) attributes {dimension_semantics = [#tpu.dimension_semantics<arbitrary>], iteration_bounds = array<i64: 5>, scalar_prefetch = 0 : i64, scratch_operands = 0 : i64, tpu.core_type = #tpu.core_type<tc>, window_params = [{transform_indices = @transform_0, window_bounds = array<i64: 2, 2000, 128>}, {transform_indices = @transform_1, window_bounds = array<i64: 2000, 128>}]} {
    %get3A = arith.constant 0 : index
    %get3A_0 = arith.constant 0 : index
    %get3A_1 = arith.constant 0 : index
    %get3A_2 = vector.load %arg1[%get3A, %get3A_0, %get3A_1] : memref<2x2000x128xf32, #tpu.memory_space<vmem>>, vector<1x2000x128xf32>
    %get3A_3 = vector.shape_cast %get3A_2 : vector<1x2000x128xf32> to vector<2000x128xf32>
    %get3A_4 = arith.constant 1 : index
    %get3A_5 = arith.constant 0 : index
    %get3A_6 = arith.constant 0 : index
    %get3A_7 = vector.load %arg1[%get3A_4, %get3A_5, %get3A_6] : memref<2x2000x128xf32, #tpu.memory_space<vmem>>, vector<1x2000x128xf32>
    %get3A_8 = vector.shape_cast %get3A_7 : vector<1x2000x128xf32> to vector<2000x128xf32>
    %add3A = arith.addf %get3A_3, %get3A_8 : vector<2000x128xf32>
    %swap3A = arith.constant 0 : index
    %swap3A_9 = arith.constant 0 : index
    %swap3A_10 = vector.load %arg2[%swap3A, %swap3A_9] : memref<2000x128xf32, #tpu.memory_space<vmem>>, vector<2000x128xf32>
    tpu.vector_store %arg2[%swap3A, %swap3A_9], %add3A {strides = array<i32>} : memref<2000x128xf32, #tpu.memory_space<vmem>>, vector<2000x128xf32>,
    return
  }
  func.func @transform_0(%arg0: i32) -> (i32, i32, i32) {
    %c0_i32 = arith.constant 0 : i32
    %c0_i32_0 = arith.constant 0 : i32
    %c0_i32_1 = arith.constant 0 : i32
    return %c0_i32, %arg0, %c0_i32_0 : i32, i32, i32
  }
  func.func @transform_1(%arg0: i32) -> (i32, i32) {
    %c0_i32 = arith.constant 0 : i32
    %c0_i32_0 = arith.constant 0 : i32
    return %arg0, %c0_i32 : i32, i32
  }
}

</mosaic_0001>

<sc_bundles>
// kernel: kernel.4.cloned.1.call-start
scs
__scs_entry_jumppad:
0x0: {  	(pc) =	sbr.rel $0x88, $3  }
0x1: {  	(tag) =	ssettag $0x0;
	lr =	simm.s32 $0x1  }
0x2: {  	[smem:$0x3F9F] =	sst lr;
	_ =	strace $0xD0000000  }
0x3: {  	_ = 	snop  }
0x4: {  	_ = 	snop  }
0x5: {  	_ = 	snop  }
0x6: {  	_ = 	snop  }
0x7: {  	_ = 	snop  }
__scs_overlays_trampoline_lowered:
0x8: {  	[smem:$0x3FAE] =	sst s0  }
0x9: {  	[smem:$0x3FAF] =	sst s1  }
0xa: {  	[smem:$0x3FB0] =	sst s2  }
0xb: {  	[smem:$0x3FB1] =	sst s3  }
0xc: {  	[smem:$0x3FB2] =	sst s4  }
0xd: {  	[smem:$0x3FB3] =	sst s5  }
0xe: {  	[smem:$0x3FB4] =	sst s6  }
0xf: {  	[smem:$0x3FB5] =	sst s7  }
0x10: {  	[smem:$0x3FB6] =	sst s8  }
0x11: {  	[smem:$0x3FB7] =	sst s9;
	s0 =	simm.s32 @!p0 $0x0  }
0x12: {  	s1 =	sld [smem:$0x3F9D];
	s0 =	simm.s32 @p0 $0x1  }
0x13: {  	[smem:$0x3FB8] =	sst s0;
	s0 =	simm.s32 @!p1 $0x0  }
0x14: {  	s2 =	sld [smem:$0x3F9C];
	s0 =	simm.s32 @p1 $0x1  }
0x15: {  	[smem:$0x3FB9] =	sst s0;
	s0 =	simm.s32 @!p2 $0x0  }
0x16: {  	s3 =	sld [smem:$0x3FDB];
	s0 =	simm.s32 @p2 $0x1  }
0x17: {  	s4 =	simm.s32 $0x1BF5;
	[smem:$0x3FBB] =	sst s0  }
0x18: {  	s0 =	sld [smem:$0x3F9E];
	_ =	swait.ge [sflag:s4], $0x0  }
0x19: {  	s7 =	sld [smem:$0x3F9F]  }
0x1a: {  	s8 =	sadd.s32 $0xFFFFE003, lr  }
0x1b: {  	s9 =	sadd.s32 $0xFFFFFEF7, lr;
	s5 =	simm.s32 $0xFFFFFFFF;
	p2 =	slt.u32 s8, $0xFFFFF086  }
0x1c: {  	p1 =	slt.u32 s9, $0xF7A;
	s5 =	simm.s32 @!p2 $0x0  }
0x1d: {  	s5 =	simm.s32 @p1 $0x1;
	p0 =	seq.s32 s7, s2  }
0x1e: {  	s7 =	smul.u32 @!p0 $0xF7A, s2;
	p2 =	seq.s32 @!p0 s5, $0x0  }
0x1f: {  	s9 =	smul.u32 $0xF7A, s1;
	s8 =	simm.s32 @!p0 $0x1BF5;
	p2 =	por !p2, p0  }
0x20: {  	[sflag:s8] =	ssyncset.s32 @!p0 $0xFFFFF086;
	s6 =	sadd.s32 @!p0 s3, s7;
	s7 =	simm.s32 @!p0 $0x108  }
0x21: {  	s3 =	sadd.s32 s3, s9;
	s6 =	sadd.s32 @!p0 $0x88, s6;
	s7 =	simm.s32 @p2 $0x1082  }
0x22: {  	[simem:s7], [sflag:s8] =	dma.local @!p0 [hbm:s6], $0xF7A  }
0x23: {  	s9 =	sor.u32 $0xD0000000, s2;
	s6 =	simm.s32 $0x108;
	_ =	swait.ge @!p0 [sflag:s8], $0x0  }
0x24: {  	s3 =	sadd.s32 $0x88, s3;
	s6 =	simm.s32 @!p1 $0x1082;
	[sflag:s4] =	ssyncset.s32 $0xFFFFF086  }
0x25: {  	[simem:s6], [sflag:s4] =	dma.local [hbm:s3], $0xF7A  }
0x26: {  	[smem:$0x3F9F] =	sst s1;
	(tag) =	ssettag s2;
	_ =	strace s9  }
0x27: {  	s1 =	sld [smem:$0x3FAF]  }
0x28: {  	s2 =	sld [smem:$0x3FB0]  }
0x29: {  	s4 =	sld [smem:$0x3FB2]  }
0x2a: {  	p0 =	seq.s32 s5, $0x0;
	s5 =	sld [smem:$0x3FB3]  }
0x2b: {  	s6 =	sld [smem:$0x3FB4]  }
0x2c: {  	s7 =	sld [smem:$0x3FB5]  }
0x2d: {  	s3 =	simm.s32 $0x108;
	s8 =	sld [smem:$0x3FB6]  }
0x2e: {  	s3 =	simm.s32 @!p0 $0x1082;
	s9 =	sld [smem:$0x3FB7]  }
0x2f: {  	lr =	sadd.s32 s0, s3;
	s0 =	sld [smem:$0x3FAE]  }
0x30: {  	s3 =	sld [smem:$0x3FB1]  }
0x31: {  	[smem:$0x3FBA] =	sst s10  }
0x32: {  	s10 =	sld [smem:$0x3FB8];
	_ =	sdelay $0x3  }
0x33: {  	p0 =	seq.s32 s10, $0x1;
	s10 =	sld [smem:$0x3FBA];
	_ =	sdelay $0x3  }
0x34: {  	[smem:$0x3FBA] =	sst s10  }
0x35: {  	s10 =	sld [smem:$0x3FB9];
	_ =	sdelay $0x3  }
0x36: {  	p1 =	seq.s32 s10, $0x1;
	s10 =	sld [smem:$0x3FBA];
	_ =	sdelay $0x3  }
0x37: {  	[smem:$0x3FBA] =	sst s10  }
0x38: {  	s10 =	sld [smem:$0x3FBB]  }
0x39: {  	_ = 	snop;
	(pc) =	sbr.ind lr, $3  }
0x3a: {  	_ = 	snop  }
0x3b: {  	_ = 	snop  }
0x3c: {  	p2 =	seq.s32 s10, $0x1;
	s10 =	sld [smem:$0x3FBA]  }
0x3d: {  	_ =	shalt  }
0x3e: {  	_ =	shalt  }
0x3f: {  	_ =	shalt  }
0x40: {  	_ =	shalt  }
0x41: {  	_ =	shalt  }
0x42: {  	_ =	shalt  }
0x43: {  	_ =	shalt  }
0x44: {  	_ =	shalt  }
0x45: {  	_ =	shalt  }
0x46: {  	_ =	shalt  }
0x47: {  	_ =	shalt  }
0x48: {  	_ =	shalt  }
0x49: {  	_ =	shalt  }
0x4a: {  	_ =	shalt  }
0x4b: {  	_ =	shalt  }
0x4c: {  	_ =	shalt  }
0x4d: {  	_ =	shalt  }
0x4e: {  	_ =	shalt  }
0x4f: {  	_ =	shalt  }
0x50: {  	_ =	shalt  }
0x51: {  	_ =	shalt  }
0x52: {  	_ =	shalt  }
0x53: {  	_ =	shalt  }
0x54: {  	_ =	shalt  }
0x55: {  	_ =	shalt  }
0x56: {  	_ =	shalt  }
0x57: {  	_ =	shalt  }
0x58: {  	_ =	shalt  }
0x59: {  	_ =	shalt  }
0x5a: {  	_ =	shalt  }
0x5b: {  	_ =	shalt  }
0x5c: {  	_ =	shalt  }
0x5d: {  	_ =	shalt  }
0x5e: {  	_ =	shalt  }
0x5f: {  	_ =	shalt  }
0x60: {  	_ =	shalt  }
0x61: {  	_ =	shalt  }
0x62: {  	_ =	shalt  }
0x63: {  	_ =	shalt  }
0x64: {  	_ =	shalt  }
0x65: {  	_ =	shalt  }
0x66: {  	_ =	shalt  }
0x67: {  	_ =	shalt  }
0x68: {  	_ =	shalt  }
0x69: {  	_ =	shalt  }
0x6a: {  	_ =	shalt  }
0x6b: {  	_ =	shalt  }
0x6c: {  	_ =	shalt  }
0x6d: {  	_ =	shalt  }
0x6e: {  	_ =	shalt  }
0x6f: {  	_ =	shalt  }
0x70: {  	_ =	shalt  }
0x71: {  	_ =	shalt  }
0x72: {  	_ =	shalt  }
0x73: {  	_ =	shalt  }
0x74: {  	_ =	shalt  }
0x75: {  	_ =	shalt  }
0x76: {  	_ =	shalt  }
0x77: {  	_ =	shalt  }
0x78: {  	_ =	shalt  }
0x79: {  	_ =	shalt  }
0x7a: {  	_ =	shalt  }
0x7b: {  	_ =	shalt  }
0x7c: {  	_ =	shalt  }
0x7d: {  	_ =	shalt  }
0x7e: {  	_ =	shalt  }
0x7f: {  	_ =	shalt  }
0x80: {  	_ =	shalt  }
0x81: {  	_ =	shalt  }
0x82: {  	_ =	shalt  }
0x83: {  	_ =	shalt  }
0x84: {  	_ =	shalt  }
0x85: {  	_ =	shalt  }
0x86: {  	_ =	shalt  }
0x87: {  	_ =	shalt  }
.Lfunc_end0:
.L_simem_size_0:
called_computation_lowered:
.L_overlay_start_0:
0x88: {  	s2 =	sld [smem:$0x3FD9]  }
0x89: {  	s3 =	sld [smem:$0x3FFE];
	_ =	sdelay $0x1  }
0x8a: {  	s1 =	srdreg.scid  }
0x8b: {  	s0 =	sand.u32 $0x1, s1  }
0x8c: {  	s17 =	sshll.u32 s0, $0xA;
	s2 =	sadd.s32 s3, s2  }
0x8d: {  	s2 =	sadd.s32 s2, s17  }
0x8e: {  	[smem:$0x3FC6] =	sst s2  }
0x8f: {  	_ = 	snop  }
0x90: {  	s2 =	sld [smem:$0x3FC9]  }
0x91: {  	s18 =	sld [smem:$0x3FD0];
	(tm) =	ssettm $0x1  }
0x92: {  	s4 =	sld [smem:$0x3FFB];
	_ =	sdelay $0x3  }
0x93: {  	_ =	strace s4  }
0x94: {  	s4 =	sld [smem:$0x3FFC];
	_ =	sdelay $0x3  }
0x95: {  	_ =	strace s4  }
0x96: {  	s4 =	sld [smem:$0x3FFD];
	_ =	sdelay $0x3  }
0x97: {  	_ =	strace s4  }
0x98: {  	_ =	strace $0x8FFFFFFF  }
0x99: {  	s19 =	sld [smem:$0x3FDB];
	_ =	sdelay $0x1  }
0x9a: {  	s5 =	simm.s32 $_scs_section_size  }
0x9b: {  	s6 =	simm.s32 $_size__tile_overlayer_lowered;
	s7 =	simm.s32 $_tile_overlayer_lowered  }
0x9c: {  	s22 =	simm.s32 $0x1BFF;
	s21 =	sshll.u32 s7, $0x1;
	s4 =	sadd.s32 s5, s19  }
0x9d: {  	s8 =	simm.s32 $0x0;
	s20 =	sshll.u32 s6, $0x1;
	s6 =	sadd.s32 s21, s4  }
0x9e: {  	[timem:s8], [sflag:s22] =	dma.local [hbm:s6], s20  }
0x9f: {  	_ =	swait.ge [sflag:s22], s20  }
0xa0: {  	s5 =	ssub.s32 $0x0, s20;
	[sflag:s22] =	ssyncset.done $0x0  }
0xa1: {  	[sflag:s22] =	ssyncadd.s32 s5;
	_ =	sdelay $0x1  }
0xa2: {  	s23 =	simm.s32 $0x1B8B  }
0xa3: {  	_ =	swait.ge [sflag:s23], $0x1  }
0xa4: {  	[sflag:s23] =	ssyncset.done $0x0  }
0xa5: {  	s25 =	simm.s32 $0x1B8E;
	s24 =	sld [smem:$0x3FFE];
	[sflag:s23] =	ssyncadd.s32 $0xFFFFFFFF  }
0xa6: {  	s26 =	simm.s32 $execute0_lowered;
	[smem:$0x3FD2] =	sst s25  }
0xa7: {  	s6 =	sshll.u32 s26, $0x1;
	_ =	strace $0x80000046;
	[dreg:$0x1] =	wrdreg $0xFFFFFFFF  }
0xa8: {  	s28 =	simm.s32 $_size_execute0_lowered;
	s4 =	sadd.s32 s4, s6;
	[dreg:$0x0] =	wrdreg $0x0  }
0xa9: {  	s6 =	sshll.u32 s28, $0x1;
	[dreg:$0x2] =	wrdreg s4  }
0xaa: {  	[dreg:$0x3] =	wrdreg s6  }
0xab: {  	[dreg:$0x4] =	wrdreg $0xC0  }
0xac: {  	_ =	task [dreg:s8], $0x5FFFF  }
0xad: {  	[dreg:$0x1] =	wrdreg $0xFFFFFFFF  }
0xae: {  	[dreg:$0x0] =	wrdreg $0x60  }
0xaf: {  	[dreg:$0x2] =	wrdreg s2  }
0xb0: {  	[dreg:$0x3] =	wrdreg s24  }
0xb1: {  	[dreg:$0x4] =	wrdreg s18  }
0xb2: {  	[dreg:$0x5] =	wrdreg $0xB8000  }
0xb3: {  	[dreg:$0x6] =	wrdreg $0x9  }
0xb4: {  	_ =	task.clear_ibuf [dreg:s8], $0x7FFFF;
	_ =	strace $0x90000046  }
0xb5: {  	s29 =	simm.s32 $0x9;
	_ =	strace $0x80000048  }
0xb6: {  	_ =	swait.ge [sflag:s29], $0x1  }
0xb7: {  	[sflag:s29] =	ssyncadd.s32 $0xFFFFFFFF  }
0xb8: {  	_ =	strace $0x90000048  }
0xb9: {  	_ =	sfence  }
0xba: {  	s30 =	sld [smem:$0x0];
	_ =	sdelay $0x2  }
0xbb: {  	s31 =	sshll.u32 s1, $0xD;
	s1 =	sshrl.u32 s1, $0x2  }
0xbc: {  	s3 =	sand.u32 $0x4000, s31;
	s1 =	sadd.s32 s1, s30  }
0xbd: {  	s0 =	sor.u32 s3, s0;
	s1 =	sshll.u32 s1, $0x11  }
0xbe: {  	s0 =	sor.u32 s1, s0  }
0xbf: {  	s0 =	sadd.s32 $0x8F2B, s0  }
0xc0: {  	[sflag:s0] =	ssyncadd.remote.s32 $0x1  }
0xc1: {  	_ =	sfence.sel $0xFFFF  }
0xc2: {  	[dreg:$0x0] =	wrdreg $0xFFFFFFFF;
	(pc) =	sbr.abs _section_cstart, $3  }
0xc3: {  	[dreg:$0x1] =	wrdreg $0xFFFFFFFF  }
0xc4: {  	_ =	task.clear_ibuf [dreg:s8], $0x2FFFF;
	_ =	strace $0x9FFFFFFF  }
0xc5: {  	(tm) =	ssettm $0x7FFFFFFF  }
tec
execute0_lowered:
.L_overlay_start_1:
0x0: {  	(tag) =	ssettag $0x1  }
0x1: {  	s1 =	rddreg [dreg:$0x0]  }
0x2: {  	s0 =	rddreg [dreg:$0x1]  }
0x3: {  	s2 =	rddreg [dreg:$0x2]  }
0x4: {  	s3 =	rddreg [dreg:$0x3]  }
0x5: {  	s4 =	simm.s32 $0x0;
	s8 =	stileid.u32;
	s5 =	srdreg.scid  }
0x6: {  	s21 =	simm.s32 $0x3;
	s22 =	simm.s32 $0x1C00;
	s28 =	simm.s32 $0x2  }
0x7: {  	s29 =	simm.s32 $0x0;
	[smem:$0x7FF] =	sst s4;
	s11 =	smul.u32 $0x980, s8  }
0x8: {  	s12 =	sand.u32 $0x1, s5;
	s23 =	smul.u32 $0x50000, s8;
	s6 =	sshll.u32 s8, $0x7  }
0x9: {  	s13 =	smul.u32 $0x14000, s8;
	_ =	strace $0x80000047;
	s7 =	ssub.s32 $0x2, s12  }
0xa: {  	s14 =	sadd.s32 s6, s0;
	s20 =	smul.u32 $0x140000, s12;
	p0 =	seq.s32 s12, $0x1  }
0xb: {  	s10 =	sadd.s32 s11, s0;
	s0 =	sadd.s32 $0xAC00, s0;
	s24 =	sshrl.u32 s7, $0x1  }
0xc: {  	s5 =	sshrl.u32 s23, $0x2;
	s15 =	sadd.s32 $0x4000, s13;
	s16 =	sadd.s32 $0x8000, s13  }
0xd: {  	s17 =	sadd.s32 $0xC000, s13;
	s18 =	sadd.s32 $0x10000, s13;
	s11 =	sadd.s32 s2, s11  }
0xe: {  	s25 =	sadd.s32 $0xA400, s14;
	s23 =	simm.s32 $0x80;
	s19 =	ssub.s32 s7, s24  }
0xf: {  	s5 =	sadd.s32 s5, s3;
	s6 =	sadd.s32 s15, s3;
	s7 =	sadd.s32 s16, s3  }
0x10: {  	s8 =	sadd.s32 s17, s3;
	s9 =	sadd.s32 s18, s3;
	s10 =	sadd.s32 $0x400, s10  }
0x11: {  	[dreg:$0x5] =	wrdreg s25;
	s26 =	sadd.s32 s13, s20;
	s15 =	sadd.s32 s20, s15  }
0x12: {  	s13 =	sadd.s32 $0x9C00, s14;
	s30 =	sadd.s32 s20, s16;
	s17 =	sadd.s32 s20, s17  }
0x13: {  	s18 =	sadd.s32 s20, s18;
	s20 =	simm.s32 $0x3800;
	s24 =	simm.s32 $0x7800  }
.Ltmp0:
0x14: {  	s25 =	simm.s32 $0x1;
	s2 =	sshrl.u32 s26, $0x3;
	(pc) =	sbr.rel .LBB2_1-.Ltmp0, $4  }
0x15: {  	s15 =	sshrl.u32 s15, $0x3;
	s31 =	sshrl.u32 s17, $0x3;
	s18 =	sshrl.u32 s18, $0x3  }
0x16: {  	s19 =	smax.u32 s19, $0x1;
	s26 =	simm.s32 $0x3380;
	s14 =	sadd.s32 s0, s2  }
0x17: {  	s15 =	sadd.s32 s0, s15;
	s2 =	sshrl.u32 s30, $0x3;
	s17 =	sadd.s32 s0, s31  }
0x18: {  	v0 =	vimm.f32 $0.0e+00;
	s18 =	sadd.s32 s0, s18;
	s16 =	sadd.s32 s0, s2;
	s2 =	simm.s32 $0x3300  }
.LBB2_11:
0x19: {  	s0 =	rddreg [dreg:$0x5]  }
0x1a: {  	[tilespmem:s4], [sflag:$0x3] =	stream.linear.gather [hbm4b:s0+s4], $0x400, $0x38;
	[tilespmem:$0x1F800] =	vst v63  }
0x1b: {  	_ =	swait.ge [sflag:s21], $0x400  }
0x1c: {  	[sflag:s21] =	ssyncset.done $0x0  }
0x1d: {  	[sflag:s21] =	ssyncadd.s32 $0xFFFFFC00  }
0x1e: {  	[tilespmem:s22], [sflag:$0x3] =	stream.linear.gather [hbm4b:s13+s4], $0x400, $0x38;
	[tilespmem:$0x1F800] =	vst v63  }
0x1f: {  	_ =	swait.ge [sflag:s21], $0x400  }
0x20: {  	[sflag:s21] =	ssyncset.done $0x0  }
0x21: {  	[sflag:s21] =	ssyncadd.s32 $0xFFFFFC00  }
0x22: {  	[tilespmem:s20], [sflag:$0x1] =	stream.indirect.gather [hbm4b:s1+s23], $0x80, s4, s23, $0xb8;
	[tilespmem:$0x1F800] =	vst v63  }
0x23: {  	_ = 	snop  }
0x24: {  	[tilespmem:s24], [sflag:$0x2] =	stream.indirect.gather [hbm4b:s1+s23], $0x80, s23, s23, $0xb8;
	[tilespmem:$0x1F800] =	vst v63  }
0x25: {  	_ =	swait.ge [sflag:s25], $0x4000  }
0x26: {  	[sflag:s25] =	ssyncset.done $0x0  }
0x27: {  	[sflag:s25] =	ssyncadd.s32 $0xFFFFC000  }
0x28: {  	[spmem:s3] =	stream.indirect.scatter.add.f32 [tilespmem:s20], [sflag:$0x3], $0x80, s22, s23, $0xb8;
	[tilespmem:$0x1F800] =	vst v63  }
0x29: {  	_ =	swait.ge [sflag:s21], $0x4000  }
0x2a: {  	[sflag:s21] =	ssyncset.done $0x0  }
0x2b: {  	s31 =	simm.s32 $0x100;
	[sflag:s21] =	ssyncadd.s32 $0xFFFFC000  }
0x2c: {  	[tilespmem:s20], [sflag:$0x1] =	stream.indirect.gather [hbm4b:s1+s23], $0x80, s31, s23, $0xb8;
	[tilespmem:$0x1F800] =	vst v63  }
0x2d: {  	_ =	swait.ge [sflag:s28], $0x4000  }
0x2e: {  	[sflag:s28] =	ssyncset.done $0x0  }
0x2f: {  	s12 =	simm.s32 $0x1C80;
	[sflag:s28] =	ssyncadd.s32 $0xFFFFC000  }
0x30: {  	[spmem:s3] =	stream.indirect.scatter.add.f32 [tilespmem:s24], [sflag:$0x3], $0x80, s12, s23, $0xb8;
	[tilespmem:$0x1F800] =	vst v63  }
0x31: {  	_ =	swait.ge [sflag:s21], $0x4000  }
0x32: {  	[sflag:s21] =	ssyncset.done $0x0  }
0x33: {  	s31 =	simm.s32 $0x180;
	[sflag:s21] =	ssyncadd.s32 $0xFFFFC000  }
0x34: {  	[tilespmem:s24], [sflag:$0x2] =	stream.indirect.gather [hbm4b:s1+s23], $0x80, s31, s23, $0xb8;
	[tilespmem:$0x1F800] =	vst v63  }
0x35: {  	_ =	swait.ge [sflag:s25], $0x4000  }
0x36: {  	[sflag:s25] =	ssyncset.done $0x0  }
0x37: {  	s12 =	simm.s32 $0x1D00;
	[sflag:s25] =	ssyncadd.s32 $0xFFFFC000  }
0x38: {  	[spmem:s3] =	stream.indirect.scatter.add.f32 [tilespmem:s20], [sflag:$0x3], $0x80, s12, s23, $0xb8;
	[tilespmem:$0x1F800] =	vst v63  }
0x39: {  	_ =	swait.ge [sflag:s21], $0x4000  }
0x3a: {  	[sflag:s21] =	ssyncset.done $0x0  }
0x3b: {  	s31 =	simm.s32 $0x200;
	[sflag:s21] =	ssyncadd.s32 $0xFFFFC000  }
0x3c: {  	[tilespmem:s20], [sflag:$0x1] =	stream.indirect.gather [hbm4b:s1+s23], $0x80, s31, s23, $0xb8;
	[tilespmem:$0x1F800] =	vst v63  }
0x3d: {  	_ =	swait.ge [sflag:s28], $0x4000  }
0x3e: {  	[sflag:s28] =	ssyncset.done $0x0  }
0x3f: {  	s12 =	simm.s32 $0x1D80;
	[sflag:s28] =	ssyncadd.s32 $0xFFFFC000  }
0x40: {  	[spmem:s3] =	stream.indirect.scatter.add.f32 [tilespmem:s24], [sflag:$0x3], $0x80, s12, s23, $0xb8;
	[tilespmem:$0x1F800] =	vst v63  }
0x41: {  	_ =	swait.ge [sflag:s21], $0x4000  }
0x42: {  	[sflag:s21] =	ssyncset.done $0x0  }
0x43: {  	s31 =	simm.s32 $0x280;
	[sflag:s21] =	ssyncadd.s32 $0xFFFFC000  }
0x44: {  	[tilespmem:s24], [sflag:$0x2] =	stream.indirect.gather [hbm4b:s1+s23], $0x80, s31, s23, $0xb8;
	[tilespmem:$0x1F800] =	vst v63  }
0x45: {  	_ =	swait.ge [sflag:s25], $0x4000  }
0x46: {  	[sflag:s25] =	ssyncset.done $0x0  }
0x47: {  	s12 =	simm.s32 $0x1E00;
	[sflag:s25] =	ssyncadd.s32 $0xFFFFC000  }
0x48: {  	[spmem:s3] =	stream.indirect.scatter.add.f32 [tilespmem:s20], [sflag:$0x3], $0x80, s12, s23, $0xb8;
	[tilespmem:$0x1F800] =	vst v63  }
0x49: {  	_ =	swait.ge [sflag:s21], $0x4000  }
0x4a: {  	[sflag:s21] =	ssyncset.done $0x0  }
0x4b: {  	s31 =	simm.s32 $0x300;
	[sflag:s21] =	ssyncadd.s32 $0xFFFFC000  }
0x4c: {  	[tilespmem:s20], [sflag:$0x1] =	stream.indirect.gather [hbm4b:s1+s23], $0x80, s31, s23, $0xb8;
	[tilespmem:$0x1F800] =	vst v63  }
0x4d: {  	_ =	swait.ge [sflag:s28], $0x4000  }
0x4e: {  	[sflag:s28] =	ssyncset.done $0x0  }
0x4f: {  	s12 =	simm.s32 $0x1E80;
	[sflag:s28] =	ssyncadd.s32 $0xFFFFC000  }
0x50: {  	[spmem:s3] =	stream.indirect.scatter.add.f32 [tilespmem:s24], [sflag:$0x3], $0x80, s12, s23, $0xb8;
	[tilespmem:$0x1F800] =	vst v63  }
0x51: {  	_ =	swait.ge [sflag:s21], $0x4000  }
0x52: {  	s30 =	simm.s32 $0x1F80;
	[sflag:s21] =	ssyncset.done $0x0  }
0x53: {  	s0 =	simm.s32 $0x1F00;
	s31 =	simm.s32 $0x380;
	[sflag:s21] =	ssyncadd.s32 $0xFFFFC000  }
0x54: {  	[tilespmem:s24], [sflag:$0x2] =	stream.indirect.gather [hbm4b:s1+s23], $0x80, s31, s23, $0xb8;
	[tilespmem:$0x1F800] =	vst v63  }
.LBB2_12:
0x55: {  	_ =	swait.ge [sflag:s25], $0x4000  }
0x56: {  	[sflag:s25] =	ssyncset.done $0x0  }
0x57: {  	[sflag:s25] =	ssyncadd.s32 $0xFFFFC000  }
0x58: {  	[spmem:s3] =	stream.indirect.scatter.add.f32 [tilespmem:s20], [sflag:$0x3], $0x80, s0, s23, $0xb8;
	[tilespmem:$0x1F800] =	vst v63  }
0x59: {  	_ =	swait.ge [sflag:s21], $0x4000  }
0x5a: {  	[sflag:s21] =	ssyncset.done $0x0  }
0x5b: {  	[sflag:s21] =	ssyncadd.s32 $0xFFFFC000  }
0x5c: {  	_ =	swait.ge [sflag:s28], $0x4000  }
0x5d: {  	[sflag:s28] =	ssyncset.done $0x0  }
0x5e: {  	[sflag:s28] =	ssyncadd.s32 $0xFFFFC000  }
0x5f: {  	[spmem:s3] =	stream.indirect.scatter.add.f32 [tilespmem:s24], [sflag:$0x3], $0x80, s30, s23, $0xb8;
	[tilespmem:$0x1F800] =	vst v63  }
0x60: {  	_ =	swait.ge [sflag:s21], $0x4000  }
0x61: {  	[sflag:s21] =	ssyncset.done $0x0  }
0x62: {  	[sflag:s21] =	ssyncadd.s32 $0xFFFFC000  }
0x63: {  	[bflag:$0x0] =	sbarrier.arrive $0xFFFF  }
0x64: {  	[tilespmem:s20], [sflag:$0x3] =	stream.linear.gather [spmem:s5], $0x4000, $0x38;
	[tilespmem:$0x1F800] =	vst v63  }
0x65: {  	_ =	swait.ge [sflag:s21], $0x4000  }
0x66: {  	[sflag:s21] =	ssyncset.done $0x0  }
0x67: {  	[sflag:s21] =	ssyncadd.s32 $0xFFFFC000  }
0x68: {  	[hbm4b:s14+s4] =	stream.linear.scatter [tilespmem:s20], [sflag:$0x3], $0x4000, $0x38;
	[tilespmem:$0x1F800] =	vst v63  }
0x69: {  	_ =	swait.ge [sflag:s21], $0x4000  }
0x6a: {  	[sflag:s21] =	ssyncset.done $0x0  }
0x6b: {  	[sflag:s21] =	ssyncadd.s32 $0xFFFFC000  }
0x6c: {  	[tilespmem:s20], [sflag:$0x3] =	stream.linear.gather [spmem:s6], $0x4000, $0x38;
	[tilespmem:$0x1F800] =	vst v63  }
0x6d: {  	_ =	swait.ge [sflag:s21], $0x4000  }
0x6e: {  	[sflag:s21] =	ssyncset.done $0x0  }
0x6f: {  	[sflag:s21] =	ssyncadd.s32 $0xFFFFC000  }
0x70: {  	[hbm4b:s15+s4] =	stream.linear.scatter [tilespmem:s20], [sflag:$0x3], $0x4000, $0x38;
	[tilespmem:$0x1F800] =	vst v63  }
0x71: {  	_ =	swait.ge [sflag:s21], $0x4000  }
0x72: {  	[sflag:s21] =	ssyncset.done $0x0  }
0x73: {  	[sflag:s21] =	ssyncadd.s32 $0xFFFFC000  }
0x74: {  	[tilespmem:s20], [sflag:$0x3] =	stream.linear.gather [spmem:s7], $0x4000, $0x38;
	[tilespmem:$0x1F800] =	vst v63  }
0x75: {  	_ =	swait.ge [sflag:s21], $0x4000  }
0x76: {  	[sflag:s21] =	ssyncset.done $0x0  }
0x77: {  	[sflag:s21] =	ssyncadd.s32 $0xFFFFC000  }
0x78: {  	[hbm4b:s16+s4] =	stream.linear.scatter [tilespmem:s20], [sflag:$0x3], $0x4000, $0x38;
	[tilespmem:$0x1F800] =	vst v63  }
0x79: {  	_ =	swait.ge [sflag:s21], $0x4000  }
0x7a: {  	[sflag:s21] =	ssyncset.done $0x0  }
0x7b: {  	[sflag:s21] =	ssyncadd.s32 $0xFFFFC000  }
0x7c: {  	[tilespmem:s20], [sflag:$0x3] =	stream.linear.gather [spmem:s8], $0x4000, $0x38;
	[tilespmem:$0x1F800] =	vst v63  }
0x7d: {  	_ =	swait.ge [sflag:s21], $0x4000  }
0x7e: {  	[sflag:s21] =	ssyncset.done $0x0  }
0x7f: {  	[sflag:s21] =	ssyncadd.s32 $0xFFFFC000  }
0x80: {  	[hbm4b:s17+s4] =	stream.linear.scatter [tilespmem:s20], [sflag:$0x3], $0x4000, $0x38;
	[tilespmem:$0x1F800] =	vst v63  }
0x81: {  	_ =	swait.ge [sflag:s21], $0x4000  }
0x82: {  	[sflag:s21] =	ssyncset.done $0x0  }
0x83: {  	[sflag:s21] =	ssyncadd.s32 $0xFFFFC000  }
0x84: {  	[tilespmem:s20], [sflag:$0x3] =	stream.linear.gather [spmem:s9], $0x4000, $0x38;
	[tilespmem:$0x1F800] =	vst v63  }
0x85: {  	s29 =	sadd.s32 $0x1, s29;
	_ =	swait.ge [sflag:s21], $0x4000  }
0x86: {  	p1 =	sne.s32 s29, s19;
	[sflag:s21] =	ssyncset.done $0x0  }
.Ltmp1:
0x87: {  	[sflag:s21] =	ssyncadd.s32 $0xFFFFC000;
	(pc) =	sbr.rel @!p1 .LBB2_13-.Ltmp1, $4  }
0x88: {  	[hbm4b:s18+s4] =	stream.linear.scatter [tilespmem:s20], [sflag:$0x3], $0x4000, $0x38;
	[tilespmem:$0x1F800] =	vst v63  }
0x89: {  	_ =	swait.ge [sflag:s21], $0x4000  }
0x8a: {  	[sflag:s21] =	ssyncset.done $0x0  }
0x8b: {  	[sflag:s21] =	ssyncadd.s32 $0xFFFFC000  }
.LBB2_1:
0x8c: {  	s0 =	sand.u32 $0xFE00, s4  }
0x8d: {  	s31 =	sand.u32 $0x70, s4;
	s0 =	sshrl.u32 s0, $0x2  }
0x8e: {  	s30 =	simm.s32 $0x40;
	s0 =	sor.u32 s31, s0;
	s31 =	simm.s32 $0x0  }
.LBB2_2:
0x8f: {  	p1 =	sne.s32 s30, $0xFFC0  }
0x90: {  	[tilespmem:s0+$0x3800] =	vst v0;
	s31 =	sadd.s32 $0x10, s31;
	s0 =	smov.u32 s30;
	s30 =	sadd.s32 $0x40, s30  }
.Ltmp2:
0x91: {  	(pc) =	sbr.rel @p1 .LBB2_2-.Ltmp2, $4  }
0x92: {  	_ = 	snop  }
0x93: {  	s0 =	sand.u32 $0xFE00, s0  }
0x94: {  	s12 =	sand.u32 $0x70, s31;
	s0 =	sshrl.u32 s0, $0x2  }
0x95: {  	s0 =	sor.u32 s12, s0  }
0x96: {  	[tilespmem:s0+$0x3800] =	vst v0  }
0x97: {  	[spmem:s5] =	stream.linear.scatter [tilespmem:s20], [sflag:$0x3], $0x4000, $0x38;
	[tilespmem:$0x1F800] =	vst v63  }
0x98: {  	_ =	swait.ge [sflag:s21], $0x4000  }
0x99: {  	[sflag:s21] =	ssyncset.done $0x0  }
0x9a: {  	[sflag:s21] =	ssyncadd.s32 $0xFFFFC000  }
0x9b: {  	[spmem:s6] =	stream.linear.scatter [tilespmem:s20], [sflag:$0x3], $0x4000, $0x38;
	[tilespmem:$0x1F800] =	vst v63  }
0x9c: {  	_ =	swait.ge [sflag:s21], $0x4000  }
0x9d: {  	[sflag:s21] =	ssyncset.done $0x0  }
0x9e: {  	[sflag:s21] =	ssyncadd.s32 $0xFFFFC000  }
0x9f: {  	[spmem:s7] =	stream.linear.scatter [tilespmem:s20], [sflag:$0x3], $0x4000, $0x38;
	[tilespmem:$0x1F800] =	vst v63  }
0xa0: {  	_ =	swait.ge [sflag:s21], $0x4000  }
0xa1: {  	[sflag:s21] =	ssyncset.done $0x0  }
0xa2: {  	[sflag:s21] =	ssyncadd.s32 $0xFFFFC000  }
0xa3: {  	[spmem:s8] =	stream.linear.scatter [tilespmem:s20], [sflag:$0x3], $0x4000, $0x38;
	[tilespmem:$0x1F800] =	vst v63  }
0xa4: {  	_ =	swait.ge [sflag:s21], $0x4000  }
0xa5: {  	[sflag:s21] =	ssyncset.done $0x0  }
0xa6: {  	[sflag:s21] =	ssyncadd.s32 $0xFFFFC000  }
0xa7: {  	[spmem:s9] =	stream.linear.scatter [tilespmem:s20], [sflag:$0x3], $0x4000, $0x38;
	[tilespmem:$0x1F800] =	vst v63  }
.Ltmp3:
0xa8: {  	_ =	swait.ge [sflag:s21], $0x4000;
	(pc) =	sbr.rel @p0 .LBB2_11-.Ltmp3, $3  }
0xa9: {  	[sflag:s21] =	ssyncset.done $0x0  }
0xaa: {  	[sflag:s21] =	ssyncadd.s32 $0xFFFFC000  }
0xab: {  	[bflag:$0x0] =	sbarrier.arrive $0xFFFF;
	_ =	sdelay $0x1  }
0xac: {  	s0 =	simm.s32 $0x0  }
0xad: {  	[tilespmem:s0], [sflag:$0x3] =	stream.linear.gather [hbm4b:s10+s0], $0x1800, $0x38;
	[tilespmem:$0x1F800] =	vst v63  }
0xae: {  	_ =	swait.ge [sflag:s21], $0x1800  }
0xaf: {  	[sflag:s21] =	ssyncset.done $0x0  }
0xb0: {  	[sflag:s21] =	ssyncadd.s32 $0xFFFFE800  }
0xb1: {  	[tilespmem:s22], [sflag:$0x3] =	stream.linear.gather [hbm4b:s11+s0], $0x1800, $0x38;
	[tilespmem:$0x1F800] =	vst v63  }
0xb2: {  	_ =	swait.ge [sflag:s21], $0x1800  }
0xb3: {  	[sflag:s21] =	ssyncset.done $0x0  }
0xb4: {  	[sflag:s21] =	ssyncadd.s32 $0xFFFFE800  }
0xb5: {  	[tilespmem:s20], [sflag:$0x1] =	stream.indirect.gather [hbm4b:s1+s23], $0x80, s0, s23, $0xb8;
	[tilespmem:$0x1F800] =	vst v63  }
0xb6: {  	_ = 	snop  }
0xb7: {  	[tilespmem:s24], [sflag:$0x2] =	stream.indirect.gather [hbm4b:s1+s23], $0x80, s23, s23, $0xb8;
	[tilespmem:$0x1F800] =	vst v63  }
0xb8: {  	_ =	swait.ge [sflag:s25], $0x4000  }
0xb9: {  	[sflag:s25] =	ssyncset.done $0x0  }
0xba: {  	s31 =	simm.s32 $0x1C00;
	[sflag:s25] =	ssyncadd.s32 $0xFFFFC000  }
0xbb: {  	[spmem:s3] =	stream.indirect.scatter.add.f32 [tilespmem:s20], [sflag:$0x3], $0x80, s31, s23, $0xb8;
	[tilespmem:$0x1F800] =	vst v63  }
0xbc: {  	_ =	swait.ge [sflag:s21], $0x4000  }
0xbd: {  	[sflag:s21] =	ssyncset.done $0x0  }
0xbe: {  	s12 =	simm.s32 $0x100;
	[sflag:s21] =	ssyncadd.s32 $0xFFFFC000  }
0xbf: {  	[tilespmem:s20], [sflag:$0x1] =	stream.indirect.gather [hbm4b:s1+s23], $0x80, s12, s23, $0xb8;
	[tilespmem:$0x1F800] =	vst v63  }
0xc0: {  	_ =	swait.ge [sflag:s28], $0x4000  }
0xc1: {  	[sflag:s28] =	ssyncset.done $0x0  }
0xc2: {  	s31 =	simm.s32 $0x1C80;
	[sflag:s28] =	ssyncadd.s32 $0xFFFFC000  }
0xc3: {  	[spmem:s3] =	stream.indirect.scatter.add.f32 [tilespmem:s24], [sflag:$0x3], $0x80, s31, s23, $0xb8;
	[tilespmem:$0x1F800] =	vst v63  }
0xc4: {  	_ =	swait.ge [sflag:s21], $0x4000  }
0xc5: {  	[sflag:s21] =	ssyncset.done $0x0  }
0xc6: {  	s30 =	simm.s32 $0x400;
	s0 =	simm.s32 $0x180;
	[sflag:s21] =	ssyncadd.s32 $0xFFFFC000  }
.LBB2_5:
0xc7: {  	[tilespmem:s24], [sflag:$0x2] =	stream.indirect.gather [hbm4b:s1+s23], $0x80, s0, s23, $0xb8;
	[tilespmem:$0x1F800] =	vst v63  }
0xc8: {  	s0 =	smov.u32 s30  }
0xc9: {  	p1 =	sne.s32 s30, $0x5800;
	s30 =	sadd.s32 $0x400, s30;
	_ =	swait.ge [sflag:s25], $0x4000  }
0xca: {  	s0 =	sshra.s32 s0, $0x2;
	[sflag:s25] =	ssyncset.done $0x0  }
0xcb: {  	s12 =	sadd.s32 $0x1C00, s0;
	[sflag:s25] =	ssyncadd.s32 $0xFFFFC000  }
0xcc: {  	[spmem:s3] =	stream.indirect.scatter.add.f32 [tilespmem:s20], [sflag:$0x3], $0x80, s12, s23, $0xb8;
	[tilespmem:$0x1F800] =	vst v63  }
0xcd: {  	_ =	swait.ge [sflag:s21], $0x4000  }
0xce: {  	[sflag:s21] =	ssyncset.done $0x0  }
0xcf: {  	s12 =	sadd.s32 $0x100, s0;
	[sflag:s21] =	ssyncadd.s32 $0xFFFFC000  }
0xd0: {  	[tilespmem:s20], [sflag:$0x1] =	stream.indirect.gather [hbm4b:s1+s23], $0x80, s12, s23, $0xb8;
	[tilespmem:$0x1F800] =	vst v63  }
0xd1: {  	_ =	swait.ge [sflag:s28], $0x4000  }
0xd2: {  	[sflag:s28] =	ssyncset.done $0x0  }
.Ltmp4:
0xd3: {  	s12 =	sadd.s32 $0x1C80, s0;
	[sflag:s28] =	ssyncadd.s32 $0xFFFFC000;
	(pc) =	sbr.rel @p1 .LBB2_5-.Ltmp4, $4  }
0xd4: {  	[spmem:s3] =	stream.indirect.scatter.add.f32 [tilespmem:s24], [sflag:$0x3], $0x80, s12, s23, $0xb8;
	[tilespmem:$0x1F800] =	vst v63  }
0xd5: {  	_ =	swait.ge [sflag:s21], $0x4000  }
0xd6: {  	[sflag:s21] =	ssyncset.done $0x0  }
0xd7: {  	s0 =	sadd.s32 $0x180, s0;
	[sflag:s21] =	ssyncadd.s32 $0xFFFFC000  }
0xd8: {  	[tilespmem:s24], [sflag:$0x2] =	stream.indirect.gather [hbm4b:s1+s23], $0x80, s0, s23, $0xb8;
	[tilespmem:$0x1F800] =	vst v63  }
0xd9: {  	_ =	swait.ge [sflag:s25], $0x4000  }
0xda: {  	[sflag:s25] =	ssyncset.done $0x0  }
0xdb: {  	[sflag:s25] =	ssyncadd.s32 $0xFFFFC000  }
0xdc: {  	[spmem:s3] =	stream.indirect.scatter.add.f32 [tilespmem:s20], [sflag:$0x3], $0x80, s2, s23, $0xb8;
	[tilespmem:$0x1F800] =	vst v63  }
0xdd: {  	_ =	swait.ge [sflag:s21], $0x4000  }
0xde: {  	[sflag:s21] =	ssyncset.done $0x0  }
0xdf: {  	[sflag:s21] =	ssyncadd.s32 $0xFFFFC000  }
0xe0: {  	_ =	swait.ge [sflag:s28], $0x4000  }
0xe1: {  	[sflag:s28] =	ssyncset.done $0x0  }
0xe2: {  	[sflag:s28] =	ssyncadd.s32 $0xFFFFC000  }
0xe3: {  	[spmem:s3] =	stream.indirect.scatter.add.f32 [tilespmem:s24], [sflag:$0x3], $0x80, s26, s23, $0xb8;
	[tilespmem:$0x1F800] =	vst v63  }
0xe4: {  	_ =	swait.ge [sflag:s21], $0x4000  }
0xe5: {  	[sflag:s21] =	ssyncset.done $0x0  }
0xe6: {  	s31 =	sadd.s32 $0x300, s10;
	s12 =	simm.s32 $0x0;
	[sflag:s21] =	ssyncadd.s32 $0xFFFFC000  }
0xe7: {  	[tilespmem:s12], [sflag:$0x3] =	stream.linear.gather [hbm4b:s31+s12], $0x1800, $0x38;
	[tilespmem:$0x1F800] =	vst v63  }
0xe8: {  	_ =	swait.ge [sflag:s21], $0x1800  }
0xe9: {  	[sflag:s21] =	ssyncset.done $0x0  }
0xea: {  	s31 =	sadd.s32 $0x300, s11;
	[sflag:s21] =	ssyncadd.s32 $0xFFFFE800  }
0xeb: {  	[tilespmem:s22], [sflag:$0x3] =	stream.linear.gather [hbm4b:s31+s12], $0x1800, $0x38;
	[tilespmem:$0x1F800] =	vst v63  }
0xec: {  	_ =	swait.ge [sflag:s21], $0x1800  }
0xed: {  	[sflag:s21] =	ssyncset.done $0x0  }
0xee: {  	[sflag:s21] =	ssyncadd.s32 $0xFFFFE800  }
0xef: {  	[tilespmem:s20], [sflag:$0x1] =	stream.indirect.gather [hbm4b:s1+s23], $0x80, s12, s23, $0xb8;
	[tilespmem:$0x1F800] =	vst v63  }
0xf0: {  	_ = 	snop  }
0xf1: {  	[tilespmem:s24], [sflag:$0x2] =	stream.indirect.gather [hbm4b:s1+s23], $0x80, s23, s23, $0xb8;
	[tilespmem:$0x1F800] =	vst v63  }
0xf2: {  	_ =	swait.ge [sflag:s25], $0x4000  }
0xf3: {  	[sflag:s25] =	ssyncset.done $0x0  }
0xf4: {  	s31 =	simm.s32 $0x1C00;
	[sflag:s25] =	ssyncadd.s32 $0xFFFFC000  }
0xf5: {  	[spmem:s3] =	stream.indirect.scatter.add.f32 [tilespmem:s20], [sflag:$0x3], $0x80, s31, s23, $0xb8;
	[tilespmem:$0x1F800] =	vst v63  }
0xf6: {  	_ =	swait.ge [sflag:s21], $0x4000  }
0xf7: {  	[sflag:s21] =	ssyncset.done $0x0  }
0xf8: {  	s12 =	simm.s32 $0x100;
	[sflag:s21] =	ssyncadd.s32 $0xFFFFC000  }
0xf9: {  	[tilespmem:s20], [sflag:$0x1] =	stream.indirect.gather [hbm4b:s1+s23], $0x80, s12, s23, $0xb8;
	[tilespmem:$0x1F800] =	vst v63  }
0xfa: {  	_ =	swait.ge [sflag:s28], $0x4000  }
0xfb: {  	[sflag:s28] =	ssyncset.done $0x0  }
0xfc: {  	s31 =	simm.s32 $0x1C80;
	[sflag:s28] =	ssyncadd.s32 $0xFFFFC000  }
0xfd: {  	[spmem:s3] =	stream.indirect.scatter.add.f32 [tilespmem:s24], [sflag:$0x3], $0x80, s31, s23, $0xb8;
	[tilespmem:$0x1F800] =	vst v63  }
0xfe: {  	_ =	swait.ge [sflag:s21], $0x4000  }
0xff: {  	[sflag:s21] =	ssyncset.done $0x0  }
0x100: {  	s30 =	simm.s32 $0x400;
	s0 =	simm.s32 $0x180;
	[sflag:s21] =	ssyncadd.s32 $0xFFFFC000  }
.LBB2_7:
0x101: {  	[tilespmem:s24], [sflag:$0x2] =	stream.indirect.gather [hbm4b:s1+s23], $0x80, s0, s23, $0xb8;
	[tilespmem:$0x1F800] =	vst v63  }
0x102: {  	s0 =	smov.u32 s30  }
0x103: {  	p1 =	sne.s32 s30, $0x5800;
	s30 =	sadd.s32 $0x400, s30;
	_ =	swait.ge [sflag:s25], $0x4000  }
0x104: {  	s0 =	sshra.s32 s0, $0x2;
	[sflag:s25] =	ssyncset.done $0x0  }
0x105: {  	s12 =	sadd.s32 $0x1C00, s0;
	[sflag:s25] =	ssyncadd.s32 $0xFFFFC000  }
0x106: {  	[spmem:s3] =	stream.indirect.scatter.add.f32 [tilespmem:s20], [sflag:$0x3], $0x80, s12, s23, $0xb8;
	[tilespmem:$0x1F800] =	vst v63  }
0x107: {  	_ =	swait.ge [sflag:s21], $0x4000  }
0x108: {  	[sflag:s21] =	ssyncset.done $0x0  }
0x109: {  	s12 =	sadd.s32 $0x100, s0;
	[sflag:s21] =	ssyncadd.s32 $0xFFFFC000  }
0x10a: {  	[tilespmem:s20], [sflag:$0x1] =	stream.indirect.gather [hbm4b:s1+s23], $0x80, s12, s23, $0xb8;
	[tilespmem:$0x1F800] =	vst v63  }
0x10b: {  	_ =	swait.ge [sflag:s28], $0x4000  }
0x10c: {  	[sflag:s28] =	ssyncset.done $0x0  }
.Ltmp5:
0x10d: {  	s12 =	sadd.s32 $0x1C80, s0;
	[sflag:s28] =	ssyncadd.s32 $0xFFFFC000;
	(pc) =	sbr.rel @p1 .LBB2_7-.Ltmp5, $4  }
0x10e: {  	[spmem:s3] =	stream.indirect.scatter.add.f32 [tilespmem:s24], [sflag:$0x3], $0x80, s12, s23, $0xb8;
	[tilespmem:$0x1F800] =	vst v63  }
0x10f: {  	_ =	swait.ge [sflag:s21], $0x4000  }
0x110: {  	[sflag:s21] =	ssyncset.done $0x0  }
0x111: {  	s0 =	sadd.s32 $0x180, s0;
	[sflag:s21] =	ssyncadd.s32 $0xFFFFC000  }
0x112: {  	[tilespmem:s24], [sflag:$0x2] =	stream.indirect.gather [hbm4b:s1+s23], $0x80, s0, s23, $0xb8;
	[tilespmem:$0x1F800] =	vst v63  }
0x113: {  	_ =	swait.ge [sflag:s25], $0x4000  }
0x114: {  	[sflag:s25] =	ssyncset.done $0x0  }
0x115: {  	[sflag:s25] =	ssyncadd.s32 $0xFFFFC000  }
0x116: {  	[spmem:s3] =	stream.indirect.scatter.add.f32 [tilespmem:s20], [sflag:$0x3], $0x80, s2, s23, $0xb8;
	[tilespmem:$0x1F800] =	vst v63  }
0x117: {  	_ =	swait.ge [sflag:s21], $0x4000  }
0x118: {  	[sflag:s21] =	ssyncset.done $0x0  }
0x119: {  	[sflag:s21] =	ssyncadd.s32 $0xFFFFC000  }
0x11a: {  	_ =	swait.ge [sflag:s28], $0x4000  }
0x11b: {  	[sflag:s28] =	ssyncset.done $0x0  }
0x11c: {  	[sflag:s28] =	ssyncadd.s32 $0xFFFFC000  }
0x11d: {  	[spmem:s3] =	stream.indirect.scatter.add.f32 [tilespmem:s24], [sflag:$0x3], $0x80, s26, s23, $0xb8;
	[tilespmem:$0x1F800] =	vst v63  }
0x11e: {  	_ =	swait.ge [sflag:s21], $0x4000  }
0x11f: {  	[sflag:s21] =	ssyncset.done $0x0  }
0x120: {  	s31 =	sadd.s32 $0x600, s10;
	s12 =	simm.s32 $0x0;
	[sflag:s21] =	ssyncadd.s32 $0xFFFFC000  }
0x121: {  	[tilespmem:s12], [sflag:$0x3] =	stream.linear.gather [hbm4b:s31+s12], $0x1C00, $0x38;
	[tilespmem:$0x1F800] =	vst v63  }
0x122: {  	_ =	swait.ge [sflag:s21], $0x1C00  }
0x123: {  	[sflag:s21] =	ssyncset.done $0x0  }
0x124: {  	s31 =	sadd.s32 $0x600, s11;
	[sflag:s21] =	ssyncadd.s32 $0xFFFFE400  }
0x125: {  	[tilespmem:s22], [sflag:$0x3] =	stream.linear.gather [hbm4b:s31+s12], $0x1C00, $0x38;
	[tilespmem:$0x1F800] =	vst v63  }
0x126: {  	_ =	swait.ge [sflag:s21], $0x1C00  }
0x127: {  	[sflag:s21] =	ssyncset.done $0x0  }
0x128: {  	[sflag:s21] =	ssyncadd.s32 $0xFFFFE400  }
0x129: {  	[tilespmem:s20], [sflag:$0x1] =	stream.indirect.gather [hbm4b:s1+s23], $0x80, s12, s23, $0xb8;
	[tilespmem:$0x1F800] =	vst v63  }
0x12a: {  	_ = 	snop  }
0x12b: {  	[tilespmem:s24], [sflag:$0x2] =	stream.indirect.gather [hbm4b:s1+s23], $0x80, s23, s23, $0xb8;
	[tilespmem:$0x1F800] =	vst v63  }
0x12c: {  	_ =	swait.ge [sflag:s25], $0x4000  }
0x12d: {  	[sflag:s25] =	ssyncset.done $0x0  }
0x12e: {  	s31 =	simm.s32 $0x1C00;
	[sflag:s25] =	ssyncadd.s32 $0xFFFFC000  }
0x12f: {  	[spmem:s3] =	stream.indirect.scatter.add.f32 [tilespmem:s20], [sflag:$0x3], $0x80, s31, s23, $0xb8;
	[tilespmem:$0x1F800] =	vst v63  }
0x130: {  	_ =	swait.ge [sflag:s21], $0x4000  }
0x131: {  	[sflag:s21] =	ssyncset.done $0x0  }
0x132: {  	s12 =	simm.s32 $0x100;
	[sflag:s21] =	ssyncadd.s32 $0xFFFFC000  }
0x133: {  	[tilespmem:s20], [sflag:$0x1] =	stream.indirect.gather [hbm4b:s1+s23], $0x80, s12, s23, $0xb8;
	[tilespmem:$0x1F800] =	vst v63  }
0x134: {  	_ =	swait.ge [sflag:s28], $0x4000  }
0x135: {  	p1 =	por $0x0, $0x0;
	[sflag:s28] =	ssyncset.done $0x0  }
.Ltmp6:
0x136: {  	s31 =	simm.s32 $0x1C80;
	[sflag:s28] =	ssyncadd.s32 $0xFFFFC000;
	(pc) =	sbr.rel @p1 .LBB2_10-.Ltmp6, $4  }
0x137: {  	[spmem:s3] =	stream.indirect.scatter.add.f32 [tilespmem:s24], [sflag:$0x3], $0x80, s31, s23, $0xb8;
	[tilespmem:$0x1F800] =	vst v63  }
0x138: {  	_ =	swait.ge [sflag:s21], $0x4000  }
0x139: {  	[sflag:s21] =	ssyncset.done $0x0  }
0x13a: {  	s30 =	simm.s32 $0x400;
	s0 =	simm.s32 $0x180;
	[sflag:s21] =	ssyncadd.s32 $0xFFFFC000  }
.LBB2_9:
0x13b: {  	[tilespmem:s24], [sflag:$0x2] =	stream.indirect.gather [hbm4b:s1+s23], $0x80, s0, s23, $0xb8;
	[tilespmem:$0x1F800] =	vst v63  }
0x13c: {  	s0 =	smov.u32 s30  }
0x13d: {  	p1 =	seq.s32 s30, $0x6800;
	s30 =	sadd.s32 $0x400, s30;
	_ =	swait.ge [sflag:s25], $0x4000  }
0x13e: {  	s0 =	sshra.s32 s0, $0x2;
	[sflag:s25] =	ssyncset.done $0x0  }
0x13f: {  	s12 =	sadd.s32 $0x1C00, s0;
	[sflag:s25] =	ssyncadd.s32 $0xFFFFC000  }
0x140: {  	[spmem:s3] =	stream.indirect.scatter.add.f32 [tilespmem:s20], [sflag:$0x3], $0x80, s12, s23, $0xb8;
	[tilespmem:$0x1F800] =	vst v63  }
0x141: {  	_ =	swait.ge [sflag:s21], $0x4000  }
0x142: {  	[sflag:s21] =	ssyncset.done $0x0  }
0x143: {  	s12 =	sadd.s32 $0x100, s0;
	[sflag:s21] =	ssyncadd.s32 $0xFFFFC000  }
0x144: {  	[tilespmem:s20], [sflag:$0x1] =	stream.indirect.gather [hbm4b:s1+s23], $0x80, s12, s23, $0xb8;
	[tilespmem:$0x1F800] =	vst v63  }
0x145: {  	_ =	swait.ge [sflag:s28], $0x4000  }
0x146: {  	[sflag:s28] =	ssyncset.done $0x0  }
.Ltmp7:
0x147: {  	s12 =	sadd.s32 $0x1C80, s0;
	[sflag:s28] =	ssyncadd.s32 $0xFFFFC000;
	(pc) =	sbr.rel @!p1 .LBB2_9-.Ltmp7, $4  }
0x148: {  	[spmem:s3] =	stream.indirect.scatter.add.f32 [tilespmem:s24], [sflag:$0x3], $0x80, s12, s23, $0xb8;
	[tilespmem:$0x1F800] =	vst v63  }
0x149: {  	_ =	swait.ge [sflag:s21], $0x4000  }
0x14a: {  	[sflag:s21] =	ssyncset.done $0x0  }
0x14b: {  	s0 =	sadd.s32 $0x180, s0;
	[sflag:s21] =	ssyncadd.s32 $0xFFFFC000  }
.LBB2_10:
.Ltmp8:
0x14c: {  	(pc) =	sbr.rel .LBB2_12-.Ltmp8, $3  }
0x14d: {  	_ =	sdelay $0x1  }
0x14e: {  	[tilespmem:s24], [sflag:$0x2] =	stream.indirect.gather [hbm4b:s1+s23], $0x80, s0, s23, $0xb8;
	[tilespmem:$0x1F800] =	vst v63  }
0x14f: {  	s30 =	simm.s32 $0x3780;
	s0 =	simm.s32 $0x3700  }
.LBB2_13:
0x150: {  	_ =	sfence.sel $0x180000  }
0x151: {  	[bflag:$0x0] =	sbarrier.arrive $0xFFFF  }
0x152: {  	_ =	strace $0x90000047  }
0x153: {  	s0 =	stileid.u32;
	[bflag:$0x2] =	sbarrier.arrive $0xFFFF  }
0x154: {  	p0 =	sne.s32 s0, $0x0;
	s0 =	rddreg [dreg:$0x4]  }
0x155: {  	s0 =	sadd.s32 @!p0 $0x100000, s0  }
0x156: {  	[sflag:s0] =	ssyncadd.tile.s32 @!p0 $0x1;
	_ =	shalt  }
.Lfunc_end2:
_tile_overlayer_lowered:
.L_overlay_start_2:
0x157: {  	(tag) =	ssettag $0x2  }
0x158: {  	s0 =	rddreg [dreg:$0x0];
	s2 =	stileid.u32  }
0x159: {  	s1 =	rddreg [dreg:$0x1];
	p0 =	sne.s32 s2, $0x0  }
0x15a: {  	s3 =	rddreg [dreg:$0x2];
	[bflag:$0x3] =	sbarrier.arrive $0xFFFF;
	s2 =	simm.s32 @!p0 $0x1C03  }
0x15b: {  	[timem:s3], [sflag:s2] =	dma.local @!p0 [hbm:s0], s1  }
0x15c: {  	s0 =	simm.s32 @!p0 $0x3  }
0x15d: {  	_ =	swait.ge @!p0 [sflag:s0], s1  }
0x15e: {  	s1 =	ssub.s32 @!p0 $0x0, s1;
	[sflag:s0] =	ssyncset.done @!p0 $0x0  }
0x15f: {  	[sflag:s0] =	ssyncadd.s32 @!p0 s1  }
0x160: {  	[bflag:$0x3] =	sbarrier.arrive $0xFFFF  }
0x161: {  	_ =	shalt  }

</sc_bundles>
